<compile_context>
chip_gen: v7x
topology: tpu7x:2x2x1
jax: 0.10.2.dev20260603
libtpu: 0.0.44.dev20260713+nightly
codegen_flags: <defaults>
</compile_context>

<pallas_src>
import jax
import jax.numpy as jnp
from jax import lax
from jax.experimental import pallas as pl
from jax.experimental.pallas import tpu as pltpu
from jax.experimental.pallas import tpu_sc as plsc

N = 10000
E = 320000
D = 128
NC = 2
NS = 16
NW = NC * NS
EPT = E // NW
B = 80
STEPS = EPT // B
RPT = 624
TAIL = N - NS * RPT


def _sc_body(p_hbm, q_hbm, src_hbm, dst_hbm, out_hbm, cnt_hbm,
             src0, dst0, src1, dst1, p0, q0, p1, q1, dsc0, dsc1,
             ones_v, zc_v, cstage_v, s_sh, c_sh,
             sem_p0, sem_q0, sem_p1, sem_q1,
             sem_s0, sem_d0, sem_s1, sem_d1,
             sem_w0, sem_c0, sem_w1, sem_c1):
    cid = lax.axis_index("c")
    sid = lax.axis_index("s")
    wid = sid * NC + cid
    ebase = wid * EPT

    bufs = ((src0, dst0, p0, q0, sem_p0, sem_q0, sem_s0, sem_d0,
             sem_w0, sem_c0, dsc0),
            (src1, dst1, p1, q1, sem_p1, sem_q1, sem_s1, sem_d1,
             sem_w1, sem_c1, dsc1))

    zero = jnp.zeros((16,), jnp.float32)
    one = jnp.ones((16,), jnp.float32)

    def _zr(r, carry):
        for c in range(D // 16):
            q0[r, pl.ds(c * 16, 16)] = zero
        return carry

    lax.fori_loop(0, B, _zr, 0)
    for c in range(B // 16):
        ones_v[pl.ds(c * 16, 16)] = one
        zc_v[pl.ds(c * 16, 16)] = zero

    row0 = sid * RPT
    off = 0
    while off < RPT:
        n = min(B, RPT - off)
        pltpu.sync_copy(q0.at[pl.ds(0, n)], s_sh.at[pl.ds(row0 + off, n)])
        pltpu.sync_copy(zc_v.at[pl.ds(0, n)], c_sh.at[pl.ds(row0 + off, n)])
        off += n

    @pl.when(sid == NS - 1)
    def _zero_tail():
        pltpu.sync_copy(q0.at[pl.ds(0, TAIL)], s_sh.at[pl.ds(NS * RPT, TAIL)])
        pltpu.sync_copy(zc_v.at[pl.ds(0, TAIL)], c_sh.at[pl.ds(NS * RPT, TAIL)])

    plsc.subcore_barrier()

    def _idx_start(j, bf):
        base = ebase + j * B
        pltpu.async_copy(src_hbm.at[pl.ds(base, B)], bf[0], bf[6])
        pltpu.async_copy(dst_hbm.at[pl.ds(base, B)], bf[1], bf[7])

    def _idx_wait(j, bf):
        base = ebase + j * B
        pltpu.make_async_copy(src_hbm.at[pl.ds(base, B)], bf[0], bf[6]).wait()
        pltpu.make_async_copy(dst_hbm.at[pl.ds(base, B)], bf[1], bf[7]).wait()

    def _gather_start_p(bf):
        pltpu.async_copy(p_hbm.at[bf[0]], bf[2], bf[4])

    def _gather_start_q(bf):
        pltpu.async_copy(q_hbm.at[bf[1]], bf[3], bf[5])

    def _gather_wait(bf):
        pltpu.make_async_copy(p_hbm.at[bf[0]], bf[2], bf[4]).wait()
        pltpu.make_async_copy(q_hbm.at[bf[1]], bf[3], bf[5]).wait()

    def _compute(bf):
        p_v, q_v = bf[2], bf[3]

        def _row(r, c2):
            for c in range(D // 16):
                sl = pl.ds(c * 16, 16)
                q_v[r, sl] = jnp.maximum(p_v[r, sl] + q_v[r, sl], 0.0)
            return c2

        lax.fori_loop(0, B, _row, 0)

    def _save_idx(bf):
        for c in range(B // 16):
            bf[10][pl.ds(c * 16, 16)] = bf[1][pl.ds(c * 16, 16)]

    def _scatter_start(bf):
        pltpu.async_copy(bf[3], s_sh.at[bf[10]], bf[8], add=True)
        pltpu.async_copy(ones_v, c_sh.at[bf[10]], bf[9], add=True)

    def _scatter_wait(bf):
        pltpu.make_async_copy(bf[3], s_sh.at[bf[10]], bf[8]).wait()
        pltpu.make_async_copy(ones_v, c_sh.at[bf[10]], bf[9]).wait()

    _idx_start(0, bufs[0])
    _idx_wait(0, bufs[0])
    _gather_start_p(bufs[0])
    _gather_start_q(bufs[0])
    _idx_start(1, bufs[1])

    def _pair(i, carry):
        for k in range(2):
            j = 2 * i + k
            cur, nxt = bufs[k], bufs[1 - k]
            _gather_wait(cur)
            _idx_wait(j + 1, nxt)
            _gather_start_p(nxt)
            _save_idx(cur)
            _idx_start(j + 2, cur)
            _compute(cur)

            @pl.when(j > 0)
            def _drain():
                _scatter_wait(nxt)

            _gather_start_q(nxt)
            _scatter_start(cur)
        return carry

    lax.fori_loop(0, (STEPS - 1) // 2, _pair, 0)
    _gather_wait(bufs[0])
    _scatter_wait(bufs[1])
    _save_idx(bufs[0])
    _compute(bufs[0])
    _scatter_start(bufs[0])
    _scatter_wait(bufs[0])
    _idx_wait(STEPS, bufs[1])

    plsc.subcore_barrier()
    pltpu.sync_copy(s_sh.at[pl.ds(row0, RPT)],
                    out_hbm.at[pl.ds(cid * N + row0, RPT)])
    pltpu.sync_copy(c_sh.at[pl.ds(row0, RPT)], cstage_v)
    pltpu.sync_copy(cstage_v, cnt_hbm.at[pl.ds(cid * N + row0, RPT)])

    @pl.when(sid == NS - 1)
    def _out_tail():
        pltpu.sync_copy(s_sh.at[pl.ds(NS * RPT, TAIL)],
                        out_hbm.at[pl.ds(cid * N + NS * RPT, TAIL)])
        pltpu.sync_copy(c_sh.at[pl.ds(NS * RPT, TAIL)],
                        cstage_v.at[pl.ds(0, TAIL)])
        pltpu.sync_copy(cstage_v.at[pl.ds(0, TAIL)],
                        cnt_hbm.at[pl.ds(cid * N + NS * RPT, TAIL)])


def _sc_scatter(p, q, src, dst):
    mesh = plsc.VectorSubcoreMesh(core_axis_name="c", subcore_axis_name="s")
    f = pl.kernel(
        _sc_body,
        mesh=mesh,
        out_type=(jax.ShapeDtypeStruct((NC * N, D), jnp.float32),
                  jax.ShapeDtypeStruct((NC * N,), jnp.float32)),
        scratch_types=[
            pltpu.VMEM((B,), jnp.int32),
            pltpu.VMEM((B,), jnp.int32),
            pltpu.VMEM((B,), jnp.int32),
            pltpu.VMEM((B,), jnp.int32),
            pltpu.VMEM((B, D), jnp.float32),
            pltpu.VMEM((B, D), jnp.float32),
            pltpu.VMEM((B, D), jnp.float32),
            pltpu.VMEM((B, D), jnp.float32),
            pltpu.VMEM((B,), jnp.int32),
            pltpu.VMEM((B,), jnp.int32),
            pltpu.VMEM((B,), jnp.float32),
            pltpu.VMEM((B,), jnp.float32),
            pltpu.VMEM((RPT,), jnp.float32),
            pltpu.VMEM_SHARED((N, D), jnp.float32),
            pltpu.VMEM_SHARED((N,), jnp.float32),
        ] + [pltpu.SemaphoreType.DMA] * 12,
    )
    return f(p, q, src, dst)


def _pre_body(x_ref, w1a_ref, w1b_ref, b1_ref, p_ref, q_ref):
    xb = x_ref[...]
    p_ref[...] = jnp.dot(xb, w1a_ref[...], preferred_element_type=jnp.float32)
    q_ref[...] = (jnp.dot(xb, w1b_ref[...], preferred_element_type=jnp.float32)
                  + b1_ref[...])


def _pre(x, w1a_t, w1b_t, b1):
    bn = 2000
    xs = pl.BlockSpec((bn, D), lambda i: (i, 0))
    ws = pl.BlockSpec((D, D), lambda i: (0, 0))
    bs = pl.BlockSpec((1, D), lambda i: (0, 0))
    return pl.pallas_call(
        _pre_body,
        grid=(N // bn,),
        in_specs=[xs, ws, ws, bs],
        out_specs=[xs, xs],
        out_shape=[jax.ShapeDtypeStruct((N, D), jnp.float32)] * 2,
    )(x, w1a_t, w1b_t, b1)


def _post_body(s_ref, c_ref, x_ref, w2t_ref, b2_ref, wst_ref, bs_ref, o_ref):
    sb = s_ref[...]
    s = sb[0] + sb[1]
    cb = c_ref[...]
    cnt = cb[0] + cb[1]
    deg = jnp.maximum(cnt, 1.0)
    m = jnp.dot(s, w2t_ref[...], preferred_element_type=jnp.float32) / deg
    m = m + jnp.where(cnt > 0.0, 1.0, 0.0) * b2_ref[...]
    o_ref[...] = (m + jnp.dot(x_ref[...], wst_ref[...],
                              preferred_element_type=jnp.float32) + bs_ref[...])


def _post(s, c, x, w2t, b2, wst, bsf):
    bn = 2000
    ss = pl.BlockSpec((NC, bn, D), lambda i: (0, i, 0))
    cs = pl.BlockSpec((NC, bn, 1), lambda i: (0, i, 0))
    xs = pl.BlockSpec((bn, D), lambda i: (i, 0))
    ws = pl.BlockSpec((D, D), lambda i: (0, 0))
    bs = pl.BlockSpec((1, D), lambda i: (0, 0))
    return pl.pallas_call(
        _post_body,
        grid=(N // bn,),
        in_specs=[ss, cs, xs, ws, bs, ws, bs],
        out_specs=xs,
        out_shape=jax.ShapeDtypeStruct((N, D), jnp.float32),
    )(s, c, x, w2t, b2, wst, bsf)


@jax.jit
def kernel(x, edge_index, W_msg1, b_msg1, W_msg2, b_msg2, W_self, b_self):
    w1a_t = W_msg1[:, :D].T
    w1b_t = W_msg1[:, D:].T
    p, q = _pre(x, w1a_t, w1b_t, b_msg1.reshape(1, D))
    pad = jnp.zeros((2 * B,), jnp.int32)
    src = jnp.concatenate([edge_index[0], pad])
    dst = jnp.concatenate([edge_index[1], pad])
    s_flat, c_flat = _sc_scatter(p, q, src, dst)
    s = s_flat.reshape(NC, N, D)
    c = c_flat.reshape(NC, N, 1)
    return _post(s, c, x, W_msg2.T, b_msg2.reshape(1, D),
                 W_self.T, b_self.reshape(1, D))

# --- scband reference (transcript-rebuilt; emitter-appended) ---
"""Pipeline reference for scband-message-passing-layer-2611340116280 (READ-ONLY COPY).

The authoritative reference and input builder live on the scoring server;
editing this copy changes nothing except your own understanding.
"""

import jax, jax.numpy as jnp
import numpy as np

N = 10000
E = 320000
D_IN = 128
D_OUT = 128

def setup_inputs(seed: int = 0) -> dict:
    key = jax.random.key(seed)
    ks = jax.random.split(key, 9)
    x = jax.random.normal(ks[0], (N, D_IN), dtype=jnp.float32)
    edge_index = jax.random.randint(ks[1], (2, E), 0, N, dtype=jnp.int32)
    # msg_fn: Linear(2*D_IN -> D_OUT), ReLU, Linear(D_OUT -> D_OUT)
    W_msg1 = jax.random.normal(ks[2], (D_OUT, 2 * D_IN), dtype=jnp.float32) * 0.05
    b_msg1 = jax.random.normal(ks[3], (D_OUT,), dtype=jnp.float32) * 0.05
    W_msg2 = jax.random.normal(ks[4], (D_OUT, D_OUT), dtype=jnp.float32) * 0.05
    b_msg2 = jax.random.normal(ks[5], (D_OUT,), dtype=jnp.float32) * 0.05
    # self_fn: Linear(D_IN -> D_OUT)
    W_self = jax.random.normal(ks[6], (D_OUT, D_IN), dtype=jnp.float32) * 0.05
    b_self = jax.random.normal(ks[7], (D_OUT,), dtype=jnp.float32) * 0.05
    return {"x": x, "edge_index": edge_index, "W_msg1": W_msg1, "b_msg1": b_msg1, "W_msg2": W_msg2, "b_msg2": b_msg2, "W_self": W_self, "b_self": b_self}

def reference(x, edge_index, W_msg1, b_msg1, W_msg2, b_msg2, W_self, b_self):
    num_nodes = x.shape[0]
    src = edge_index[0]
    dst = edge_index[1]
    h_self = x @ W_self.T + b_self
    h_src = jnp.take(x, src, axis=0)
    h_dst = jnp.take(x, dst, axis=0)
    msg = jnp.concatenate([h_src, h_dst], axis=-1)
    msg = jnp.maximum(msg @ W_msg1.T + b_msg1, 0.0)
    msg = msg @ W_msg2.T + b_msg2
    out = jnp.zeros((num_nodes, msg.shape[-1]), dtype=msg.dtype).at[dst].add(msg)
    deg = jnp.clip(jnp.bincount(dst, length=num_nodes).astype(jnp.float32), 1.0, None)
    out = out / deg[:, None]
    out = out + h_self
    return out

if __name__ == "__main__":
    import jax
    _d = setup_inputs()
    print(jax.jit(kernel)(*tuple(_d.values())))

</pallas_src>

<mosaic_0001>
#map = affine_map<(d0, d1) -> (0, 0)>
#map1 = affine_map<(d0, d1) -> (0)>
module attributes {stable_mosaic.version = 14 : i64} {
  func.func @_sc_body(%arg0: i32, %arg1: i32, %arg2: memref<10000x128xf32, #tpu.memory_space<hbm>>, %arg3: memref<10000x128xf32, #tpu.memory_space<hbm>>, %arg4: memref<320160xi32, #tpu.memory_space<hbm>>, %arg5: memref<320160xi32, #tpu.memory_space<hbm>>, %arg6: memref<20000x128xf32, #tpu.memory_space<hbm>>, %arg7: memref<20000xf32, #tpu.memory_space<hbm>>, %arg8: memref<80xi32, #tpu.memory_space<vmem>>, %arg9: memref<80xi32, #tpu.memory_space<vmem>>, %arg10: memref<80xi32, #tpu.memory_space<vmem>>, %arg11: memref<80xi32, #tpu.memory_space<vmem>>, %arg12: memref<80x128xf32, #tpu.memory_space<vmem>>, %arg13: memref<80x128xf32, #tpu.memory_space<vmem>>, %arg14: memref<80x128xf32, #tpu.memory_space<vmem>>, %arg15: memref<80x128xf32, #tpu.memory_space<vmem>>, %arg16: memref<80xi32, #tpu.memory_space<vmem>>, %arg17: memref<80xi32, #tpu.memory_space<vmem>>, %arg18: memref<80xf32, #tpu.memory_space<vmem>>, %arg19: memref<80xf32, #tpu.memory_space<vmem>>, %arg20: memref<624xf32, #tpu.memory_space<vmem>>, %arg21: memref<10000x128xf32, #tpu.memory_space<vmem_shared>>, %arg22: memref<10000xf32, #tpu.memory_space<vmem_shared>>, %arg23: memref<!tpu.dma_semaphore, #tpu.memory_space<semaphore_mem>>, %arg24: memref<!tpu.dma_semaphore, #tpu.memory_space<semaphore_mem>>, %arg25: memref<!tpu.dma_semaphore, #tpu.memory_space<semaphore_mem>>, %arg26: memref<!tpu.dma_semaphore, #tpu.memory_space<semaphore_mem>>, %arg27: memref<!tpu.dma_semaphore, #tpu.memory_space<semaphore_mem>>, %arg28: memref<!tpu.dma_semaphore, #tpu.memory_space<semaphore_mem>>, %arg29: memref<!tpu.dma_semaphore, #tpu.memory_space<semaphore_mem>>, %arg30: memref<!tpu.dma_semaphore, #tpu.memory_space<semaphore_mem>>, %arg31: memref<!tpu.dma_semaphore, #tpu.memory_space<semaphore_mem>>, %arg32: memref<!tpu.dma_semaphore, #tpu.memory_space<semaphore_mem>>, %arg33: memref<!tpu.dma_semaphore, #tpu.memory_space<semaphore_mem>>, %arg34: memref<!tpu.dma_semaphore, #tpu.memory_space<semaphore_mem>>) attributes {dimension_semantics = [#tpu.dimension_semantics<core_parallel>, #tpu.dimension_semantics<subcore_parallel>], iteration_bounds = array<i64: 2, 16>, scalar_prefetch = 0 : i64, scratch_operands = 27 : i64, tpu.core_type = #tpu.core_type<sc_vector_subcore>, window_params = [{transform_indices = #map}, {transform_indices = #map}, {transform_indices = #map1}, {transform_indices = #map1}, {transform_indices = #map}, {transform_indices = #map1}]} {
    %mul3A = arith.constant 2 : i32
    %mul3A_0 = arith.muli %arg1, %mul3A : i32
    %add3A = arith.addi %mul3A_0, %arg0 : i32
    %mul3A_1 = arith.constant 10000 : i32
    %mul3A_2 = arith.muli %add3A, %mul3A_1 : i32
    %broadcast_in_dim3A = arith.constant 0.000000e+00 : f32
    %broadcast_in_dim3A_3 = vector.broadcast %broadcast_in_dim3A : f32 to vector<16xf32>
    %broadcast_in_dim3A_4 = arith.constant 1.000000e+00 : f32
    %broadcast_in_dim3A_5 = vector.broadcast %broadcast_in_dim3A_4 : f32 to vector<16xf32>
    %scan3A = arith.constant 0 : i32
    %scan3A_6 = arith.constant 0 : i32
    %scan3A_7 = arith.constant 80 : i32
    %scan3A_8 = arith.addi %scan3A_6, %scan3A_7 : i32
    %scan3A_9 = arith.constant 1 : i32
    scf.for %scan3A_193 = %scan3A_6 to %scan3A_8 step %scan3A_9  : i32 {
      %swap3A_194 = arith.index_cast %scan3A_193 : i32 to index
      %swap3A_195 = arith.constant 0 : index
      %swap3A_196 = tpu.vector_load %arg13[%swap3A_194, %swap3A_195] {strides = array<i32>} : memref<80x128xf32, #tpu.memory_space<vmem>>, vector<1x16xf32>,
      %swap3A_197 = vector.shape_cast %swap3A_196 : vector<1x16xf32> to vector<16xf32>
      %swap3A_198 = vector.shape_cast %broadcast_in_dim3A_3 : vector<16xf32> to vector<1x16xf32>
      tpu.vector_store %arg13[%swap3A_194, %swap3A_195], %swap3A_198 {strides = array<i32>} : memref<80x128xf32, #tpu.memory_space<vmem>>, vector<1x16xf32>,
      %swap3A_199 = arith.index_cast %scan3A_193 : i32 to index
      %swap3A_200 = arith.constant 16 : index
      %swap3A_201 = tpu.vector_load %arg13[%swap3A_199, %swap3A_200] {strides = array<i32>} : memref<80x128xf32, #tpu.memory_space<vmem>>, vector<1x16xf32>,
      %swap3A_202 = vector.shape_cast %swap3A_201 : vector<1x16xf32> to vector<16xf32>
      %swap3A_203 = vector.shape_cast %broadcast_in_dim3A_3 : vector<16xf32> to vector<1x16xf32>
      tpu.vector_store %arg13[%swap3A_199, %swap3A_200], %swap3A_203 {strides = array<i32>} : memref<80x128xf32, #tpu.memory_space<vmem>>, vector<1x16xf32>,
      %swap3A_204 = arith.index_cast %scan3A_193 : i32 to index
      %swap3A_205 = arith.constant 32 : index
      %swap3A_206 = tpu.vector_load %arg13[%swap3A_204, %swap3A_205] {strides = array<i32>} : memref<80x128xf32, #tpu.memory_space<vmem>>, vector<1x16xf32>,
      %swap3A_207 = vector.shape_cast %swap3A_206 : vector<1x16xf32> to vector<16xf32>
      %swap3A_208 = vector.shape_cast %broadcast_in_dim3A_3 : vector<16xf32> to vector<1x16xf32>
      tpu.vector_store %arg13[%swap3A_204, %swap3A_205], %swap3A_208 {strides = array<i32>} : memref<80x128xf32, #tpu.memory_space<vmem>>, vector<1x16xf32>,
      %swap3A_209 = arith.index_cast %scan3A_193 : i32 to index
      %swap3A_210 = arith.constant 48 : index
      %swap3A_211 = tpu.vector_load %arg13[%swap3A_209, %swap3A_210] {strides = array<i32>} : memref<80x128xf32, #tpu.memory_space<vmem>>, vector<1x16xf32>,
      %swap3A_212 = vector.shape_cast %swap3A_211 : vector<1x16xf32> to vector<16xf32>
      %swap3A_213 = vector.shape_cast %broadcast_in_dim3A_3 : vector<16xf32> to vector<1x16xf32>
      tpu.vector_store %arg13[%swap3A_209, %swap3A_210], %swap3A_213 {strides = array<i32>} : memref<80x128xf32, #tpu.memory_space<vmem>>, vector<1x16xf32>,
      %swap3A_214 = arith.index_cast %scan3A_193 : i32 to index
      %swap3A_215 = arith.constant 64 : index
      %swap3A_216 = tpu.vector_load %arg13[%swap3A_214, %swap3A_215] {strides = array<i32>} : memref<80x128xf32, #tpu.memory_space<vmem>>, vector<1x16xf32>,
      %swap3A_217 = vector.shape_cast %swap3A_216 : vector<1x16xf32> to vector<16xf32>
      %swap3A_218 = vector.shape_cast %broadcast_in_dim3A_3 : vector<16xf32> to vector<1x16xf32>
      tpu.vector_store %arg13[%swap3A_214, %swap3A_215], %swap3A_218 {strides = array<i32>} : memref<80x128xf32, #tpu.memory_space<vmem>>, vector<1x16xf32>,
      %swap3A_219 = arith.index_cast %scan3A_193 : i32 to index
      %swap3A_220 = arith.constant 80 : index
      %swap3A_221 = tpu.vector_load %arg13[%swap3A_219, %swap3A_220] {strides = array<i32>} : memref<80x128xf32, #tpu.memory_space<vmem>>, vector<1x16xf32>,
      %swap3A_222 = vector.shape_cast %swap3A_221 : vector<1x16xf32> to vector<16xf32>
      %swap3A_223 = vector.shape_cast %broadcast_in_dim3A_3 : vector<16xf32> to vector<1x16xf32>
      tpu.vector_store %arg13[%swap3A_219, %swap3A_220], %swap3A_223 {strides = array<i32>} : memref<80x128xf32, #tpu.memory_space<vmem>>, vector<1x16xf32>,
      %swap3A_224 = arith.index_cast %scan3A_193 : i32 to index
      %swap3A_225 = arith.constant 96 : index
      %swap3A_226 = tpu.vector_load %arg13[%swap3A_224, %swap3A_225] {strides = array<i32>} : memref<80x128xf32, #tpu.memory_space<vmem>>, vector<1x16xf32>,
      %swap3A_227 = vector.shape_cast %swap3A_226 : vector<1x16xf32> to vector<16xf32>
      %swap3A_228 = vector.shape_cast %broadcast_in_dim3A_3 : vector<16xf32> to vector<1x16xf32>
      tpu.vector_store %arg13[%swap3A_224, %swap3A_225], %swap3A_228 {strides = array<i32>} : memref<80x128xf32, #tpu.memory_space<vmem>>, vector<1x16xf32>,
      %swap3A_229 = arith.index_cast %scan3A_193 : i32 to index
      %swap3A_230 = arith.constant 112 : index
      %swap3A_231 = tpu.vector_load %arg13[%swap3A_229, %swap3A_230] {strides = array<i32>} : memref<80x128xf32, #tpu.memory_space<vmem>>, vector<1x16xf32>,
      %swap3A_232 = vector.shape_cast %swap3A_231 : vector<1x16xf32> to vector<16xf32>
      %swap3A_233 = vector.shape_cast %broadcast_in_dim3A_3 : vector<16xf32> to vector<1x16xf32>
      tpu.vector_store %arg13[%swap3A_229, %swap3A_230], %swap3A_233 {strides = array<i32>} : memref<80x128xf32, #tpu.memory_space<vmem>>, vector<1x16xf32>,
    }
    %scan3A_10 = arith.constant 80 : i32
    %swap3A = arith.constant 0 : index
    %swap3A_11 = tpu.vector_load %arg18[%swap3A] {strides = array<i32>} : memref<80xf32, #tpu.memory_space<vmem>>, vector<16xf32>,
    %swap3A_12 = vector.shape_cast %swap3A_11 : vector<16xf32> to vector<16xf32>
    %swap3A_13 = vector.shape_cast %broadcast_in_dim3A_5 : vector<16xf32> to vector<16xf32>
    tpu.vector_store %arg18[%swap3A], %swap3A_13 {strides = array<i32>} : memref<80xf32, #tpu.memory_space<vmem>>, vector<16xf32>,
    %swap3A_14 = arith.constant 0 : index
    %swap3A_15 = tpu.vector_load %arg19[%swap3A_14] {strides = array<i32>} : memref<80xf32, #tpu.memory_space<vmem>>, vector<16xf32>,
    %swap3A_16 = vector.shape_cast %swap3A_15 : vector<16xf32> to vector<16xf32>
    %swap3A_17 = vector.shape_cast %broadcast_in_dim3A_3 : vector<16xf32> to vector<16xf32>
    tpu.vector_store %arg19[%swap3A_14], %swap3A_17 {strides = array<i32>} : memref<80xf32, #tpu.memory_space<vmem>>, vector<16xf32>,
    %swap3A_18 = arith.constant 16 : index
    %swap3A_19 = tpu.vector_load %arg18[%swap3A_18] {strides = array<i32>} : memref<80xf32, #tpu.memory_space<vmem>>, vector<16xf32>,
    %swap3A_20 = vector.shape_cast %swap3A_19 : vector<16xf32> to vector<16xf32>
    %swap3A_21 = vector.shape_cast %broadcast_in_dim3A_5 : vector<16xf32> to vector<16xf32>
    tpu.vector_store %arg18[%swap3A_18], %swap3A_21 {strides = array<i32>} : memref<80xf32, #tpu.memory_space<vmem>>, vector<16xf32>,
    %swap3A_22 = arith.constant 16 : index
    %swap3A_23 = tpu.vector_load %arg19[%swap3A_22] {strides = array<i32>} : memref<80xf32, #tpu.memory_space<vmem>>, vector<16xf32>,
    %swap3A_24 = vector.shape_cast %swap3A_23 : vector<16xf32> to vector<16xf32>
    %swap3A_25 = vector.shape_cast %broadcast_in_dim3A_3 : vector<16xf32> to vector<16xf32>
    tpu.vector_store %arg19[%swap3A_22], %swap3A_25 {strides = array<i32>} : memref<80xf32, #tpu.memory_space<vmem>>, vector<16xf32>,
    %swap3A_26 = arith.constant 32 : index
    %swap3A_27 = tpu.vector_load %arg18[%swap3A_26] {strides = array<i32>} : memref<80xf32, #tpu.memory_space<vmem>>, vector<16xf32>,
    %swap3A_28 = vector.shape_cast %swap3A_27 : vector<16xf32> to vector<16xf32>
    %swap3A_29 = vector.shape_cast %broadcast_in_dim3A_5 : vector<16xf32> to vector<16xf32>
    tpu.vector_store %arg18[%swap3A_26], %swap3A_29 {strides = array<i32>} : memref<80xf32, #tpu.memory_space<vmem>>, vector<16xf32>,
    %swap3A_30 = arith.constant 32 : index
    %swap3A_31 = tpu.vector_load %arg19[%swap3A_30] {strides = array<i32>} : memref<80xf32, #tpu.memory_space<vmem>>, vector<16xf32>,
    %swap3A_32 = vector.shape_cast %swap3A_31 : vector<16xf32> to vector<16xf32>
    %swap3A_33 = vector.shape_cast %broadcast_in_dim3A_3 : vector<16xf32> to vector<16xf32>
    tpu.vector_store %arg19[%swap3A_30], %swap3A_33 {strides = array<i32>} : memref<80xf32, #tpu.memory_space<vmem>>, vector<16xf32>,
    %swap3A_34 = arith.constant 48 : index
    %swap3A_35 = tpu.vector_load %arg18[%swap3A_34] {strides = array<i32>} : memref<80xf32, #tpu.memory_space<vmem>>, vector<16xf32>,
    %swap3A_36 = vector.shape_cast %swap3A_35 : vector<16xf32> to vector<16xf32>
    %swap3A_37 = vector.shape_cast %broadcast_in_dim3A_5 : vector<16xf32> to vector<16xf32>
    tpu.vector_store %arg18[%swap3A_34], %swap3A_37 {strides = array<i32>} : memref<80xf32, #tpu.memory_space<vmem>>, vector<16xf32>,
    %swap3A_38 = arith.constant 48 : index
    %swap3A_39 = tpu.vector_load %arg19[%swap3A_38] {strides = array<i32>} : memref<80xf32, #tpu.memory_space<vmem>>, vector<16xf32>,
    %swap3A_40 = vector.shape_cast %swap3A_39 : vector<16xf32> to vector<16xf32>
    %swap3A_41 = vector.shape_cast %broadcast_in_dim3A_3 : vector<16xf32> to vector<16xf32>
    tpu.vector_store %arg19[%swap3A_38], %swap3A_41 {strides = array<i32>} : memref<80xf32, #tpu.memory_space<vmem>>, vector<16xf32>,
    %swap3A_42 = arith.constant 64 : index
    %swap3A_43 = tpu.vector_load %arg18[%swap3A_42] {strides = array<i32>} : memref<80xf32, #tpu.memory_space<vmem>>, vector<16xf32>,
    %swap3A_44 = vector.shape_cast %swap3A_43 : vector<16xf32> to vector<16xf32>
    %swap3A_45 = vector.shape_cast %broadcast_in_dim3A_5 : vector<16xf32> to vector<16xf32>
    tpu.vector_store %arg18[%swap3A_42], %swap3A_45 {strides = array<i32>} : memref<80xf32, #tpu.memory_space<vmem>>, vector<16xf32>,
    %swap3A_46 = arith.constant 64 : index
    %swap3A_47 = tpu.vector_load %arg19[%swap3A_46] {strides = array<i32>} : memref<80xf32, #tpu.memory_space<vmem>>, vector<16xf32>,
    %swap3A_48 = vector.shape_cast %swap3A_47 : vector<16xf32> to vector<16xf32>
    %swap3A_49 = vector.shape_cast %broadcast_in_dim3A_3 : vector<16xf32> to vector<16xf32>
    tpu.vector_store %arg19[%swap3A_46], %swap3A_49 {strides = array<i32>} : memref<80xf32, #tpu.memory_space<vmem>>, vector<16xf32>,
    %mul3A_50 = arith.constant 624 : i32
    %mul3A_51 = arith.muli %arg1, %mul3A_50 : i32
    %add3A_52 = arith.constant 0 : i32
    %add3A_53 = arith.addi %mul3A_51, %add3A_52 : i32
    "tpu.region"() ({
      %run_scoped3A = tpu.sem_alloc : memref<!tpu.dma_semaphore, #tpu.memory_space<semaphore_mem>>
      %dma_start3A_193 = arith.constant 0 : i32
      %dma_start3A_194 = arith.constant 0 : i32
      %dma_start3A_195 = tpu.memref_slice %arg13[%dma_start3A_193, %dma_start3A_194] : memref<80x128xf32, #tpu.memory_space<vmem>> -> memref<80x128xf32, #tpu.memory_space<vmem>>
      %dma_start3A_196 = arith.constant 0 : i32
      %dma_start3A_197 = tpu.memref_slice %arg21[%add3A_53, %dma_start3A_196] : memref<10000x128xf32, #tpu.memory_space<vmem_shared>> -> memref<80x128xf32, #tpu.memory_space<vmem_shared>>
      %dma_start3A_198 = arith.constant 0 : i32
      %dma_start3A_199 = tpu.memref_slice %arg21[%add3A_53, %dma_start3A_198] : memref<10000x128xf32, #tpu.memory_space<vmem_shared>> -> memref<80x128xf32, #tpu.memory_space<vmem_shared>>
      %dma_start3A_200 = arith.constant 0 : i32
      %dma_start3A_201 = arith.constant 0 : i32
      %dma_start3A_202 = tpu.memref_slice %arg13[%dma_start3A_200, %dma_start3A_201] : memref<80x128xf32, #tpu.memory_space<vmem>> -> memref<80x128xf32, #tpu.memory_space<vmem>>
      tpu.enqueue_dma source(%dma_start3A_202 : memref<80x128xf32, #tpu.memory_space<vmem>>) target(%dma_start3A_199 : memref<80x128xf32, #tpu.memory_space<vmem_shared>>) target_semaphore(%run_scoped3A : memref<!tpu.dma_semaphore, #tpu.memory_space<semaphore_mem>>)
      %dma_wait3A_203 = arith.constant 0 : i32
      %dma_wait3A_204 = arith.constant 0 : i32
      %dma_wait3A_205 = tpu.memref_slice %arg13[%dma_wait3A_203, %dma_wait3A_204] : memref<80x128xf32, #tpu.memory_space<vmem>> -> memref<80x128xf32, #tpu.memory_space<vmem>>
      %dma_wait3A_206 = arith.constant 0 : i32
      %dma_wait3A_207 = tpu.memref_slice %arg21[%add3A_53, %dma_wait3A_206] : memref<10000x128xf32, #tpu.memory_space<vmem_shared>> -> memref<80x128xf32, #tpu.memory_space<vmem_shared>>
      %dma_wait3A_208 = arith.constant 0 : i32
      %dma_wait3A_209 = tpu.memref_slice %arg21[%add3A_53, %dma_wait3A_208] : memref<10000x128xf32, #tpu.memory_space<vmem_shared>> -> memref<80x128xf32, #tpu.memory_space<vmem_shared>>
      %dma_wait3A_210 = arith.constant 0 : i32
      %dma_wait3A_211 = arith.constant 0 : i32
      %dma_wait3A_212 = tpu.memref_slice %arg13[%dma_wait3A_210, %dma_wait3A_211] : memref<80x128xf32, #tpu.memory_space<vmem>> -> memref<80x128xf32, #tpu.memory_space<vmem>>
      tpu.wait_dma2 semaphore(%run_scoped3A : memref<!tpu.dma_semaphore, #tpu.memory_space<semaphore_mem>>) src(%dma_wait3A_212 : memref<80x128xf32, #tpu.memory_space<vmem>>) dst(%dma_wait3A_209 : memref<80x128xf32, #tpu.memory_space<vmem_shared>>)
      tpu.yield
    }) : () -> ()
    %add3A_54 = arith.constant 0 : i32
    %add3A_55 = arith.addi %mul3A_51, %add3A_54 : i32
    "tpu.region"() ({
      %run_scoped3A = tpu.sem_alloc : memref<!tpu.dma_semaphore, #tpu.memory_space<semaphore_mem>>
      %dma_start3A_193 = arith.constant 0 : i32
      %dma_start3A_194 = tpu.memref_slice %arg19[%dma_start3A_193] : memref<80xf32, #tpu.memory_space<vmem>> -> memref<80xf32, #tpu.memory_space<vmem>>
      %dma_start3A_195 = tpu.memref_slice %arg22[%add3A_55] : memref<10000xf32, #tpu.memory_space<vmem_shared>> -> memref<80xf32, #tpu.memory_space<vmem_shared>>
      %dma_start3A_196 = tpu.memref_slice %arg22[%add3A_55] : memref<10000xf32, #tpu.memory_space<vmem_shared>> -> memref<80xf32, #tpu.memory_space<vmem_shared>>
      %dma_start3A_197 = arith.constant 0 : i32
      %dma_start3A_198 = tpu.memref_slice %arg19[%dma_start3A_197] : memref<80xf32, #tpu.memory_space<vmem>> -> memref<80xf32, #tpu.memory_space<vmem>>
      tpu.enqueue_dma source(%dma_start3A_198 : memref<80xf32, #tpu.memory_space<vmem>>) target(%dma_start3A_196 : memref<80xf32, #tpu.memory_space<vmem_shared>>) target_semaphore(%run_scoped3A : memref<!tpu.dma_semaphore, #tpu.memory_space<semaphore_mem>>)
      %dma_wait3A_199 = arith.constant 0 : i32
      %dma_wait3A_200 = tpu.memref_slice %arg19[%dma_wait3A_199] : memref<80xf32, #tpu.memory_space<vmem>> -> memref<80xf32, #tpu.memory_space<vmem>>
      %dma_wait3A_201 = tpu.memref_slice %arg22[%add3A_55] : memref<10000xf32, #tpu.memory_space<vmem_shared>> -> memref<80xf32, #tpu.memory_space<vmem_shared>>
      %dma_wait3A_202 = tpu.memref_slice %arg22[%add3A_55] : memref<10000xf32, #tpu.memory_space<vmem_shared>> -> memref<80xf32, #tpu.memory_space<vmem_shared>>
      %dma_wait3A_203 = arith.constant 0 : i32
      %dma_wait3A_204 = tpu.memref_slice %arg19[%dma_wait3A_203] : memref<80xf32, #tpu.memory_space<vmem>> -> memref<80xf32, #tpu.memory_space<vmem>>
      tpu.wait_dma2 semaphore(%run_scoped3A : memref<!tpu.dma_semaphore, #tpu.memory_space<semaphore_mem>>) src(%dma_wait3A_204 : memref<80xf32, #tpu.memory_space<vmem>>) dst(%dma_wait3A_202 : memref<80xf32, #tpu.memory_space<vmem_shared>>)
      tpu.yield
    }) : () -> ()
    %add3A_56 = arith.constant 80 : i32
    %add3A_57 = arith.addi %mul3A_51, %add3A_56 : i32
    "tpu.region"() ({
      %run_scoped3A = tpu.sem_alloc : memref<!tpu.dma_semaphore, #tpu.memory_space<semaphore_mem>>
      %dma_start3A_193 = arith.constant 0 : i32
      %dma_start3A_194 = arith.constant 0 : i32
      %dma_start3A_195 = tpu.memref_slice %arg13[%dma_start3A_193, %dma_start3A_194] : memref<80x128xf32, #tpu.memory_space<vmem>> -> memref<80x128xf32, #tpu.memory_space<vmem>>
      %dma_start3A_196 = arith.constant 0 : i32
      %dma_start3A_197 = tpu.memref_slice %arg21[%add3A_57, %dma_start3A_196] : memref<10000x128xf32, #tpu.memory_space<vmem_shared>> -> memref<80x128xf32, #tpu.memory_space<vmem_shared>>
      %dma_start3A_198 = arith.constant 0 : i32
      %dma_start3A_199 = tpu.memref_slice %arg21[%add3A_57, %dma_start3A_198] : memref<10000x128xf32, #tpu.memory_space<vmem_shared>> -> memref<80x128xf32, #tpu.memory_space<vmem_shared>>
      %dma_start3A_200 = arith.constant 0 : i32
      %dma_start3A_201 = arith.constant 0 : i32
      %dma_start3A_202 = tpu.memref_slice %arg13[%dma_start3A_200, %dma_start3A_201] : memref<80x128xf32, #tpu.memory_space<vmem>> -> memref<80x128xf32, #tpu.memory_space<vmem>>
      tpu.enqueue_dma source(%dma_start3A_202 : memref<80x128xf32, #tpu.memory_space<vmem>>) target(%dma_start3A_199 : memref<80x128xf32, #tpu.memory_space<vmem_shared>>) target_semaphore(%run_scoped3A : memref<!tpu.dma_semaphore, #tpu.memory_space<semaphore_mem>>)
      %dma_wait3A_203 = arith.constant 0 : i32
      %dma_wait3A_204 = arith.constant 0 : i32
      %dma_wait3A_205 = tpu.memref_slice %arg13[%dma_wait3A_203, %dma_wait3A_204] : memref<80x128xf32, #tpu.memory_space<vmem>> -> memref<80x128xf32, #tpu.memory_space<vmem>>
      %dma_wait3A_206 = arith.constant 0 : i32
      %dma_wait3A_207 = tpu.memref_slice %arg21[%add3A_57, %dma_wait3A_206] : memref<10000x128xf32, #tpu.memory_space<vmem_shared>> -> memref<80x128xf32, #tpu.memory_space<vmem_shared>>
      %dma_wait3A_208 = arith.constant 0 : i32
      %dma_wait3A_209 = tpu.memref_slice %arg21[%add3A_57, %dma_wait3A_208] : memref<10000x128xf32, #tpu.memory_space<vmem_shared>> -> memref<80x128xf32, #tpu.memory_space<vmem_shared>>
      %dma_wait3A_210 = arith.constant 0 : i32
      %dma_wait3A_211 = arith.constant 0 : i32
      %dma_wait3A_212 = tpu.memref_slice %arg13[%dma_wait3A_210, %dma_wait3A_211] : memref<80x128xf32, #tpu.memory_space<vmem>> -> memref<80x128xf32, #tpu.memory_space<vmem>>
      tpu.wait_dma2 semaphore(%run_scoped3A : memref<!tpu.dma_semaphore, #tpu.memory_space<semaphore_mem>>) src(%dma_wait3A_212 : memref<80x128xf32, #tpu.memory_space<vmem>>) dst(%dma_wait3A_209 : memref<80x128xf32, #tpu.memory_space<vmem_shared>>)
      tpu.yield
    }) : () -> ()
    %add3A_58 = arith.constant 80 : i32
    %add3A_59 = arith.addi %mul3A_51, %add3A_58 : i32
    "tpu.region"() ({
      %run_scoped3A = tpu.sem_alloc : memref<!tpu.dma_semaphore, #tpu.memory_space<semaphore_mem>>
      %dma_start3A_193 = arith.constant 0 : i32
      %dma_start3A_194 = tpu.memref_slice %arg19[%dma_start3A_193] : memref<80xf32, #tpu.memory_space<vmem>> -> memref<80xf32, #tpu.memory_space<vmem>>
      %dma_start3A_195 = tpu.memref_slice %arg22[%add3A_59] : memref<10000xf32, #tpu.memory_space<vmem_shared>> -> memref<80xf32, #tpu.memory_space<vmem_shared>>
      %dma_start3A_196 = tpu.memref_slice %arg22[%add3A_59] : memref<10000xf32, #tpu.memory_space<vmem_shared>> -> memref<80xf32, #tpu.memory_space<vmem_shared>>
      %dma_start3A_197 = arith.constant 0 : i32
      %dma_start3A_198 = tpu.memref_slice %arg19[%dma_start3A_197] : memref<80xf32, #tpu.memory_space<vmem>> -> memref<80xf32, #tpu.memory_space<vmem>>
      tpu.enqueue_dma source(%dma_start3A_198 : memref<80xf32, #tpu.memory_space<vmem>>) target(%dma_start3A_196 : memref<80xf32, #tpu.memory_space<vmem_shared>>) target_semaphore(%run_scoped3A : memref<!tpu.dma_semaphore, #tpu.memory_space<semaphore_mem>>)
      %dma_wait3A_199 = arith.constant 0 : i32
      %dma_wait3A_200 = tpu.memref_slice %arg19[%dma_wait3A_199] : memref<80xf32, #tpu.memory_space<vmem>> -> memref<80xf32, #tpu.memory_space<vmem>>
      %dma_wait3A_201 = tpu.memref_slice %arg22[%add3A_59] : memref<10000xf32, #tpu.memory_space<vmem_shared>> -> memref<80xf32, #tpu.memory_space<vmem_shared>>
      %dma_wait3A_202 = tpu.memref_slice %arg22[%add3A_59] : memref<10000xf32, #tpu.memory_space<vmem_shared>> -> memref<80xf32, #tpu.memory_space<vmem_shared>>
      %dma_wait3A_203 = arith.constant 0 : i32
      %dma_wait3A_204 = tpu.memref_slice %arg19[%dma_wait3A_203] : memref<80xf32, #tpu.memory_space<vmem>> -> memref<80xf32, #tpu.memory_space<vmem>>
      tpu.wait_dma2 semaphore(%run_scoped3A : memref<!tpu.dma_semaphore, #tpu.memory_space<semaphore_mem>>) src(%dma_wait3A_204 : memref<80xf32, #tpu.memory_space<vmem>>) dst(%dma_wait3A_202 : memref<80xf32, #tpu.memory_space<vmem_shared>>)
      tpu.yield
    }) : () -> ()
    %add3A_60 = arith.constant 160 : i32
    %add3A_61 = arith.addi %mul3A_51, %add3A_60 : i32
    "tpu.region"() ({
      %run_scoped3A = tpu.sem_alloc : memref<!tpu.dma_semaphore, #tpu.memory_space<semaphore_mem>>
      %dma_start3A_193 = arith.constant 0 : i32
      %dma_start3A_194 = arith.constant 0 : i32
      %dma_start3A_195 = tpu.memref_slice %arg13[%dma_start3A_193, %dma_start3A_194] : memref<80x128xf32, #tpu.memory_space<vmem>> -> memref<80x128xf32, #tpu.memory_space<vmem>>
      %dma_start3A_196 = arith.constant 0 : i32
      %dma_start3A_197 = tpu.memref_slice %arg21[%add3A_61, %dma_start3A_196] : memref<10000x128xf32, #tpu.memory_space<vmem_shared>> -> memref<80x128xf32, #tpu.memory_space<vmem_shared>>
      %dma_start3A_198 = arith.constant 0 : i32
      %dma_start3A_199 = tpu.memref_slice %arg21[%add3A_61, %dma_start3A_198] : memref<10000x128xf32, #tpu.memory_space<vmem_shared>> -> memref<80x128xf32, #tpu.memory_space<vmem_shared>>
      %dma_start3A_200 = arith.constant 0 : i32
      %dma_start3A_201 = arith.constant 0 : i32
      %dma_start3A_202 = tpu.memref_slice %arg13[%dma_start3A_200, %dma_start3A_201] : memref<80x128xf32, #tpu.memory_space<vmem>> -> memref<80x128xf32, #tpu.memory_space<vmem>>
      tpu.enqueue_dma source(%dma_start3A_202 : memref<80x128xf32, #tpu.memory_space<vmem>>) target(%dma_start3A_199 : memref<80x128xf32, #tpu.memory_space<vmem_shared>>) target_semaphore(%run_scoped3A : memref<!tpu.dma_semaphore, #tpu.memory_space<semaphore_mem>>)
      %dma_wait3A_203 = arith.constant 0 : i32
      %dma_wait3A_204 = arith.constant 0 : i32
      %dma_wait3A_205 = tpu.memref_slice %arg13[%dma_wait3A_203, %dma_wait3A_204] : memref<80x128xf32, #tpu.memory_space<vmem>> -> memref<80x128xf32, #tpu.memory_space<vmem>>
      %dma_wait3A_206 = arith.constant 0 : i32
      %dma_wait3A_207 = tpu.memref_slice %arg21[%add3A_61, %dma_wait3A_206] : memref<10000x128xf32, #tpu.memory_space<vmem_shared>> -> memref<80x128xf32, #tpu.memory_space<vmem_shared>>
      %dma_wait3A_208 = arith.constant 0 : i32
      %dma_wait3A_209 = tpu.memref_slice %arg21[%add3A_61, %dma_wait3A_208] : memref<10000x128xf32, #tpu.memory_space<vmem_shared>> -> memref<80x128xf32, #tpu.memory_space<vmem_shared>>
      %dma_wait3A_210 = arith.constant 0 : i32
      %dma_wait3A_211 = arith.constant 0 : i32
      %dma_wait3A_212 = tpu.memref_slice %arg13[%dma_wait3A_210, %dma_wait3A_211] : memref<80x128xf32, #tpu.memory_space<vmem>> -> memref<80x128xf32, #tpu.memory_space<vmem>>
      tpu.wait_dma2 semaphore(%run_scoped3A : memref<!tpu.dma_semaphore, #tpu.memory_space<semaphore_mem>>) src(%dma_wait3A_212 : memref<80x128xf32, #tpu.memory_space<vmem>>) dst(%dma_wait3A_209 : memref<80x128xf32, #tpu.memory_space<vmem_shared>>)
      tpu.yield
    }) : () -> ()
    %add3A_62 = arith.constant 160 : i32
    %add3A_63 = arith.addi %mul3A_51, %add3A_62 : i32
    "tpu.region"() ({
      %run_scoped3A = tpu.sem_alloc : memref<!tpu.dma_semaphore, #tpu.memory_space<semaphore_mem>>
      %dma_start3A_193 = arith.constant 0 : i32
      %dma_start3A_194 = tpu.memref_slice %arg19[%dma_start3A_193] : memref<80xf32, #tpu.memory_space<vmem>> -> memref<80xf32, #tpu.memory_space<vmem>>
      %dma_start3A_195 = tpu.memref_slice %arg22[%add3A_63] : memref<10000xf32, #tpu.memory_space<vmem_shared>> -> memref<80xf32, #tpu.memory_space<vmem_shared>>
      %dma_start3A_196 = tpu.memref_slice %arg22[%add3A_63] : memref<10000xf32, #tpu.memory_space<vmem_shared>> -> memref<80xf32, #tpu.memory_space<vmem_shared>>
      %dma_start3A_197 = arith.constant 0 : i32
      %dma_start3A_198 = tpu.memref_slice %arg19[%dma_start3A_197] : memref<80xf32, #tpu.memory_space<vmem>> -> memref<80xf32, #tpu.memory_space<vmem>>
      tpu.enqueue_dma source(%dma_start3A_198 : memref<80xf32, #tpu.memory_space<vmem>>) target(%dma_start3A_196 : memref<80xf32, #tpu.memory_space<vmem_shared>>) target_semaphore(%run_scoped3A : memref<!tpu.dma_semaphore, #tpu.memory_space<semaphore_mem>>)
      %dma_wait3A_199 = arith.constant 0 : i32
      %dma_wait3A_200 = tpu.memref_slice %arg19[%dma_wait3A_199] : memref<80xf32, #tpu.memory_space<vmem>> -> memref<80xf32, #tpu.memory_space<vmem>>
      %dma_wait3A_201 = tpu.memref_slice %arg22[%add3A_63] : memref<10000xf32, #tpu.memory_space<vmem_shared>> -> memref<80xf32, #tpu.memory_space<vmem_shared>>
      %dma_wait3A_202 = tpu.memref_slice %arg22[%add3A_63] : memref<10000xf32, #tpu.memory_space<vmem_shared>> -> memref<80xf32, #tpu.memory_space<vmem_shared>>
      %dma_wait3A_203 = arith.constant 0 : i32
      %dma_wait3A_204 = tpu.memref_slice %arg19[%dma_wait3A_203] : memref<80xf32, #tpu.memory_space<vmem>> -> memref<80xf32, #tpu.memory_space<vmem>>
      tpu.wait_dma2 semaphore(%run_scoped3A : memref<!tpu.dma_semaphore, #tpu.memory_space<semaphore_mem>>) src(%dma_wait3A_204 : memref<80xf32, #tpu.memory_space<vmem>>) dst(%dma_wait3A_202 : memref<80xf32, #tpu.memory_space<vmem_shared>>)
      tpu.yield
    }) : () -> ()
    %add3A_64 = arith.constant 240 : i32
    %add3A_65 = arith.addi %mul3A_51, %add3A_64 : i32
    "tpu.region"() ({
      %run_scoped3A = tpu.sem_alloc : memref<!tpu.dma_semaphore, #tpu.memory_space<semaphore_mem>>
      %dma_start3A_193 = arith.constant 0 : i32
      %dma_start3A_194 = arith.constant 0 : i32
      %dma_start3A_195 = tpu.memref_slice %arg13[%dma_start3A_193, %dma_start3A_194] : memref<80x128xf32, #tpu.memory_space<vmem>> -> memref<80x128xf32, #tpu.memory_space<vmem>>
      %dma_start3A_196 = arith.constant 0 : i32
      %dma_start3A_197 = tpu.memref_slice %arg21[%add3A_65, %dma_start3A_196] : memref<10000x128xf32, #tpu.memory_space<vmem_shared>> -> memref<80x128xf32, #tpu.memory_space<vmem_shared>>
      %dma_start3A_198 = arith.constant 0 : i32
      %dma_start3A_199 = tpu.memref_slice %arg21[%add3A_65, %dma_start3A_198] : memref<10000x128xf32, #tpu.memory_space<vmem_shared>> -> memref<80x128xf32, #tpu.memory_space<vmem_shared>>
      %dma_start3A_200 = arith.constant 0 : i32
      %dma_start3A_201 = arith.constant 0 : i32
      %dma_start3A_202 = tpu.memref_slice %arg13[%dma_start3A_200, %dma_start3A_201] : memref<80x128xf32, #tpu.memory_space<vmem>> -> memref<80x128xf32, #tpu.memory_space<vmem>>
      tpu.enqueue_dma source(%dma_start3A_202 : memref<80x128xf32, #tpu.memory_space<vmem>>) target(%dma_start3A_199 : memref<80x128xf32, #tpu.memory_space<vmem_shared>>) target_semaphore(%run_scoped3A : memref<!tpu.dma_semaphore, #tpu.memory_space<semaphore_mem>>)
      %dma_wait3A_203 = arith.constant 0 : i32
      %dma_wait3A_204 = arith.constant 0 : i32
      %dma_wait3A_205 = tpu.memref_slice %arg13[%dma_wait3A_203, %dma_wait3A_204] : memref<80x128xf32, #tpu.memory_space<vmem>> -> memref<80x128xf32, #tpu.memory_space<vmem>>
      %dma_wait3A_206 = arith.constant 0 : i32
      %dma_wait3A_207 = tpu.memref_slice %arg21[%add3A_65, %dma_wait3A_206] : memref<10000x128xf32, #tpu.memory_space<vmem_shared>> -> memref<80x128xf32, #tpu.memory_space<vmem_shared>>
      %dma_wait3A_208 = arith.constant 0 : i32
      %dma_wait3A_209 = tpu.memref_slice %arg21[%add3A_65, %dma_wait3A_208] : memref<10000x128xf32, #tpu.memory_space<vmem_shared>> -> memref<80x128xf32, #tpu.memory_space<vmem_shared>>
      %dma_wait3A_210 = arith.constant 0 : i32
      %dma_wait3A_211 = arith.constant 0 : i32
      %dma_wait3A_212 = tpu.memref_slice %arg13[%dma_wait3A_210, %dma_wait3A_211] : memref<80x128xf32, #tpu.memory_space<vmem>> -> memref<80x128xf32, #tpu.memory_space<vmem>>
      tpu.wait_dma2 semaphore(%run_scoped3A : memref<!tpu.dma_semaphore, #tpu.memory_space<semaphore_mem>>) src(%dma_wait3A_212 : memref<80x128xf32, #tpu.memory_space<vmem>>) dst(%dma_wait3A_209 : memref<80x128xf32, #tpu.memory_space<vmem_shared>>)
      tpu.yield
    }) : () -> ()
    %add3A_66 = arith.constant 240 : i32
    %add3A_67 = arith.addi %mul3A_51, %add3A_66 : i32
    "tpu.region"() ({
      %run_scoped3A = tpu.sem_alloc : memref<!tpu.dma_semaphore, #tpu.memory_space<semaphore_mem>>
      %dma_start3A_193 = arith.constant 0 : i32
      %dma_start3A_194 = tpu.memref_slice %arg19[%dma_start3A_193] : memref<80xf32, #tpu.memory_space<vmem>> -> memref<80xf32, #tpu.memory_space<vmem>>
      %dma_start3A_195 = tpu.memref_slice %arg22[%add3A_67] : memref<10000xf32, #tpu.memory_space<vmem_shared>> -> memref<80xf32, #tpu.memory_space<vmem_shared>>
      %dma_start3A_196 = tpu.memref_slice %arg22[%add3A_67] : memref<10000xf32, #tpu.memory_space<vmem_shared>> -> memref<80xf32, #tpu.memory_space<vmem_shared>>
      %dma_start3A_197 = arith.constant 0 : i32
      %dma_start3A_198 = tpu.memref_slice %arg19[%dma_start3A_197] : memref<80xf32, #tpu.memory_space<vmem>> -> memref<80xf32, #tpu.memory_space<vmem>>
      tpu.enqueue_dma source(%dma_start3A_198 : memref<80xf32, #tpu.memory_space<vmem>>) target(%dma_start3A_196 : memref<80xf32, #tpu.memory_space<vmem_shared>>) target_semaphore(%run_scoped3A : memref<!tpu.dma_semaphore, #tpu.memory_space<semaphore_mem>>)
      %dma_wait3A_199 = arith.constant 0 : i32
      %dma_wait3A_200 = tpu.memref_slice %arg19[%dma_wait3A_199] : memref<80xf32, #tpu.memory_space<vmem>> -> memref<80xf32, #tpu.memory_space<vmem>>
      %dma_wait3A_201 = tpu.memref_slice %arg22[%add3A_67] : memref<10000xf32, #tpu.memory_space<vmem_shared>> -> memref<80xf32, #tpu.memory_space<vmem_shared>>
      %dma_wait3A_202 = tpu.memref_slice %arg22[%add3A_67] : memref<10000xf32, #tpu.memory_space<vmem_shared>> -> memref<80xf32, #tpu.memory_space<vmem_shared>>
      %dma_wait3A_203 = arith.constant 0 : i32
      %dma_wait3A_204 = tpu.memref_slice %arg19[%dma_wait3A_203] : memref<80xf32, #tpu.memory_space<vmem>> -> memref<80xf32, #tpu.memory_space<vmem>>
      tpu.wait_dma2 semaphore(%run_scoped3A : memref<!tpu.dma_semaphore, #tpu.memory_space<semaphore_mem>>) src(%dma_wait3A_204 : memref<80xf32, #tpu.memory_space<vmem>>) dst(%dma_wait3A_202 : memref<80xf32, #tpu.memory_space<vmem_shared>>)
      tpu.yield
    }) : () -> ()
    %add3A_68 = arith.constant 320 : i32
    %add3A_69 = arith.addi %mul3A_51, %add3A_68 : i32
    "tpu.region"() ({
      %run_scoped3A = tpu.sem_alloc : memref<!tpu.dma_semaphore, #tpu.memory_space<semaphore_mem>>
      %dma_start3A_193 = arith.constant 0 : i32
      %dma_start3A_194 = arith.constant 0 : i32
      %dma_start3A_195 = tpu.memref_slice %arg13[%dma_start3A_193, %dma_start3A_194] : memref<80x128xf32, #tpu.memory_space<vmem>> -> memref<80x128xf32, #tpu.memory_space<vmem>>
      %dma_start3A_196 = arith.constant 0 : i32
      %dma_start3A_197 = tpu.memref_slice %arg21[%add3A_69, %dma_start3A_196] : memref<10000x128xf32, #tpu.memory_space<vmem_shared>> -> memref<80x128xf32, #tpu.memory_space<vmem_shared>>
      %dma_start3A_198 = arith.constant 0 : i32
      %dma_start3A_199 = tpu.memref_slice %arg21[%add3A_69, %dma_start3A_198] : memref<10000x128xf32, #tpu.memory_space<vmem_shared>> -> memref<80x128xf32, #tpu.memory_space<vmem_shared>>
      %dma_start3A_200 = arith.constant 0 : i32
      %dma_start3A_201 = arith.constant 0 : i32
      %dma_start3A_202 = tpu.memref_slice %arg13[%dma_start3A_200, %dma_start3A_201] : memref<80x128xf32, #tpu.memory_space<vmem>> -> memref<80x128xf32, #tpu.memory_space<vmem>>
      tpu.enqueue_dma source(%dma_start3A_202 : memref<80x128xf32, #tpu.memory_space<vmem>>) target(%dma_start3A_199 : memref<80x128xf32, #tpu.memory_space<vmem_shared>>) target_semaphore(%run_scoped3A : memref<!tpu.dma_semaphore, #tpu.memory_space<semaphore_mem>>)
      %dma_wait3A_203 = arith.constant 0 : i32
      %dma_wait3A_204 = arith.constant 0 : i32
      %dma_wait3A_205 = tpu.memref_slice %arg13[%dma_wait3A_203, %dma_wait3A_204] : memref<80x128xf32, #tpu.memory_space<vmem>> -> memref<80x128xf32, #tpu.memory_space<vmem>>
      %dma_wait3A_206 = arith.constant 0 : i32
      %dma_wait3A_207 = tpu.memref_slice %arg21[%add3A_69, %dma_wait3A_206] : memref<10000x128xf32, #tpu.memory_space<vmem_shared>> -> memref<80x128xf32, #tpu.memory_space<vmem_shared>>
      %dma_wait3A_208 = arith.constant 0 : i32
      %dma_wait3A_209 = tpu.memref_slice %arg21[%add3A_69, %dma_wait3A_208] : memref<10000x128xf32, #tpu.memory_space<vmem_shared>> -> memref<80x128xf32, #tpu.memory_space<vmem_shared>>
      %dma_wait3A_210 = arith.constant 0 : i32
      %dma_wait3A_211 = arith.constant 0 : i32
      %dma_wait3A_212 = tpu.memref_slice %arg13[%dma_wait3A_210, %dma_wait3A_211] : memref<80x128xf32, #tpu.memory_space<vmem>> -> memref<80x128xf32, #tpu.memory_space<vmem>>
      tpu.wait_dma2 semaphore(%run_scoped3A : memref<!tpu.dma_semaphore, #tpu.memory_space<semaphore_mem>>) src(%dma_wait3A_212 : memref<80x128xf32, #tpu.memory_space<vmem>>) dst(%dma_wait3A_209 : memref<80x128xf32, #tpu.memory_space<vmem_shared>>)
      tpu.yield
    }) : () -> ()
    %add3A_70 = arith.constant 320 : i32
    %add3A_71 = arith.addi %mul3A_51, %add3A_70 : i32
    "tpu.region"() ({
      %run_scoped3A = tpu.sem_alloc : memref<!tpu.dma_semaphore, #tpu.memory_space<semaphore_mem>>
      %dma_start3A_193 = arith.constant 0 : i32
      %dma_start3A_194 = tpu.memref_slice %arg19[%dma_start3A_193] : memref<80xf32, #tpu.memory_space<vmem>> -> memref<80xf32, #tpu.memory_space<vmem>>
      %dma_start3A_195 = tpu.memref_slice %arg22[%add3A_71] : memref<10000xf32, #tpu.memory_space<vmem_shared>> -> memref<80xf32, #tpu.memory_space<vmem_shared>>
      %dma_start3A_196 = tpu.memref_slice %arg22[%add3A_71] : memref<10000xf32, #tpu.memory_space<vmem_shared>> -> memref<80xf32, #tpu.memory_space<vmem_shared>>
      %dma_start3A_197 = arith.constant 0 : i32
      %dma_start3A_198 = tpu.memref_slice %arg19[%dma_start3A_197] : memref<80xf32, #tpu.memory_space<vmem>> -> memref<80xf32, #tpu.memory_space<vmem>>
      tpu.enqueue_dma source(%dma_start3A_198 : memref<80xf32, #tpu.memory_space<vmem>>) target(%dma_start3A_196 : memref<80xf32, #tpu.memory_space<vmem_shared>>) target_semaphore(%run_scoped3A : memref<!tpu.dma_semaphore, #tpu.memory_space<semaphore_mem>>)
      %dma_wait3A_199 = arith.constant 0 : i32
      %dma_wait3A_200 = tpu.memref_slice %arg19[%dma_wait3A_199] : memref<80xf32, #tpu.memory_space<vmem>> -> memref<80xf32, #tpu.memory_space<vmem>>
      %dma_wait3A_201 = tpu.memref_slice %arg22[%add3A_71] : memref<10000xf32, #tpu.memory_space<vmem_shared>> -> memref<80xf32, #tpu.memory_space<vmem_shared>>
      %dma_wait3A_202 = tpu.memref_slice %arg22[%add3A_71] : memref<10000xf32, #tpu.memory_space<vmem_shared>> -> memref<80xf32, #tpu.memory_space<vmem_shared>>
      %dma_wait3A_203 = arith.constant 0 : i32
      %dma_wait3A_204 = tpu.memref_slice %arg19[%dma_wait3A_203] : memref<80xf32, #tpu.memory_space<vmem>> -> memref<80xf32, #tpu.memory_space<vmem>>
      tpu.wait_dma2 semaphore(%run_scoped3A : memref<!tpu.dma_semaphore, #tpu.memory_space<semaphore_mem>>) src(%dma_wait3A_204 : memref<80xf32, #tpu.memory_space<vmem>>) dst(%dma_wait3A_202 : memref<80xf32, #tpu.memory_space<vmem_shared>>)
      tpu.yield
    }) : () -> ()
    %add3A_72 = arith.constant 400 : i32
    %add3A_73 = arith.addi %mul3A_51, %add3A_72 : i32
    "tpu.region"() ({
      %run_scoped3A = tpu.sem_alloc : memref<!tpu.dma_semaphore, #tpu.memory_space<semaphore_mem>>
      %dma_start3A_193 = arith.constant 0 : i32
      %dma_start3A_194 = arith.constant 0 : i32
      %dma_start3A_195 = tpu.memref_slice %arg13[%dma_start3A_193, %dma_start3A_194] : memref<80x128xf32, #tpu.memory_space<vmem>> -> memref<80x128xf32, #tpu.memory_space<vmem>>
      %dma_start3A_196 = arith.constant 0 : i32
      %dma_start3A_197 = tpu.memref_slice %arg21[%add3A_73, %dma_start3A_196] : memref<10000x128xf32, #tpu.memory_space<vmem_shared>> -> memref<80x128xf32, #tpu.memory_space<vmem_shared>>
      %dma_start3A_198 = arith.constant 0 : i32
      %dma_start3A_199 = tpu.memref_slice %arg21[%add3A_73, %dma_start3A_198] : memref<10000x128xf32, #tpu.memory_space<vmem_shared>> -> memref<80x128xf32, #tpu.memory_space<vmem_shared>>
      %dma_start3A_200 = arith.constant 0 : i32
      %dma_start3A_201 = arith.constant 0 : i32
      %dma_start3A_202 = tpu.memref_slice %arg13[%dma_start3A_200, %dma_start3A_201] : memref<80x128xf32, #tpu.memory_space<vmem>> -> memref<80x128xf32, #tpu.memory_space<vmem>>
      tpu.enqueue_dma source(%dma_start3A_202 : memref<80x128xf32, #tpu.memory_space<vmem>>) target(%dma_start3A_199 : memref<80x128xf32, #tpu.memory_space<vmem_shared>>) target_semaphore(%run_scoped3A : memref<!tpu.dma_semaphore, #tpu.memory_space<semaphore_mem>>)
      %dma_wait3A_203 = arith.constant 0 : i32
      %dma_wait3A_204 = arith.constant 0 : i32
      %dma_wait3A_205 = tpu.memref_slice %arg13[%dma_wait3A_203, %dma_wait3A_204] : memref<80x128xf32, #tpu.memory_space<vmem>> -> memref<80x128xf32, #tpu.memory_space<vmem>>
      %dma_wait3A_206 = arith.constant 0 : i32
      %dma_wait3A_207 = tpu.memref_slice %arg21[%add3A_73, %dma_wait3A_206] : memref<10000x128xf32, #tpu.memory_space<vmem_shared>> -> memref<80x128xf32, #tpu.memory_space<vmem_shared>>
      %dma_wait3A_208 = arith.constant 0 : i32
      %dma_wait3A_209 = tpu.memref_slice %arg21[%add3A_73, %dma_wait3A_208] : memref<10000x128xf32, #tpu.memory_space<vmem_shared>> -> memref<80x128xf32, #tpu.memory_space<vmem_shared>>
      %dma_wait3A_210 = arith.constant 0 : i32
      %dma_wait3A_211 = arith.constant 0 : i32
      %dma_wait3A_212 = tpu.memref_slice %arg13[%dma_wait3A_210, %dma_wait3A_211] : memref<80x128xf32, #tpu.memory_space<vmem>> -> memref<80x128xf32, #tpu.memory_space<vmem>>
      tpu.wait_dma2 semaphore(%run_scoped3A : memref<!tpu.dma_semaphore, #tpu.memory_space<semaphore_mem>>) src(%dma_wait3A_212 : memref<80x128xf32, #tpu.memory_space<vmem>>) dst(%dma_wait3A_209 : memref<80x128xf32, #tpu.memory_space<vmem_shared>>)
      tpu.yield
    }) : () -> ()
    %add3A_74 = arith.constant 400 : i32
    %add3A_75 = arith.addi %mul3A_51, %add3A_74 : i32
    "tpu.region"() ({
      %run_scoped3A = tpu.sem_alloc : memref<!tpu.dma_semaphore, #tpu.memory_space<semaphore_mem>>
      %dma_start3A_193 = arith.constant 0 : i32
      %dma_start3A_194 = tpu.memref_slice %arg19[%dma_start3A_193] : memref<80xf32, #tpu.memory_space<vmem>> -> memref<80xf32, #tpu.memory_space<vmem>>
      %dma_start3A_195 = tpu.memref_slice %arg22[%add3A_75] : memref<10000xf32, #tpu.memory_space<vmem_shared>> -> memref<80xf32, #tpu.memory_space<vmem_shared>>
      %dma_start3A_196 = tpu.memref_slice %arg22[%add3A_75] : memref<10000xf32, #tpu.memory_space<vmem_shared>> -> memref<80xf32, #tpu.memory_space<vmem_shared>>
      %dma_start3A_197 = arith.constant 0 : i32
      %dma_start3A_198 = tpu.memref_slice %arg19[%dma_start3A_197] : memref<80xf32, #tpu.memory_space<vmem>> -> memref<80xf32, #tpu.memory_space<vmem>>
      tpu.enqueue_dma source(%dma_start3A_198 : memref<80xf32, #tpu.memory_space<vmem>>) target(%dma_start3A_196 : memref<80xf32, #tpu.memory_space<vmem_shared>>) target_semaphore(%run_scoped3A : memref<!tpu.dma_semaphore, #tpu.memory_space<semaphore_mem>>)
      %dma_wait3A_199 = arith.constant 0 : i32
      %dma_wait3A_200 = tpu.memref_slice %arg19[%dma_wait3A_199] : memref<80xf32, #tpu.memory_space<vmem>> -> memref<80xf32, #tpu.memory_space<vmem>>
      %dma_wait3A_201 = tpu.memref_slice %arg22[%add3A_75] : memref<10000xf32, #tpu.memory_space<vmem_shared>> -> memref<80xf32, #tpu.memory_space<vmem_shared>>
      %dma_wait3A_202 = tpu.memref_slice %arg22[%add3A_75] : memref<10000xf32, #tpu.memory_space<vmem_shared>> -> memref<80xf32, #tpu.memory_space<vmem_shared>>
      %dma_wait3A_203 = arith.constant 0 : i32
      %dma_wait3A_204 = tpu.memref_slice %arg19[%dma_wait3A_203] : memref<80xf32, #tpu.memory_space<vmem>> -> memref<80xf32, #tpu.memory_space<vmem>>
      tpu.wait_dma2 semaphore(%run_scoped3A : memref<!tpu.dma_semaphore, #tpu.memory_space<semaphore_mem>>) src(%dma_wait3A_204 : memref<80xf32, #tpu.memory_space<vmem>>) dst(%dma_wait3A_202 : memref<80xf32, #tpu.memory_space<vmem_shared>>)
      tpu.yield
    }) : () -> ()
    %add3A_76 = arith.constant 480 : i32
    %add3A_77 = arith.addi %mul3A_51, %add3A_76 : i32
    "tpu.region"() ({
      %run_scoped3A = tpu.sem_alloc : memref<!tpu.dma_semaphore, #tpu.memory_space<semaphore_mem>>
      %dma_start3A_193 = arith.constant 0 : i32
      %dma_start3A_194 = arith.constant 0 : i32
      %dma_start3A_195 = tpu.memref_slice %arg13[%dma_start3A_193, %dma_start3A_194] : memref<80x128xf32, #tpu.memory_space<vmem>> -> memref<80x128xf32, #tpu.memory_space<vmem>>
      %dma_start3A_196 = arith.constant 0 : i32
      %dma_start3A_197 = tpu.memref_slice %arg21[%add3A_77, %dma_start3A_196] : memref<10000x128xf32, #tpu.memory_space<vmem_shared>> -> memref<80x128xf32, #tpu.memory_space<vmem_shared>>
      %dma_start3A_198 = arith.constant 0 : i32
      %dma_start3A_199 = tpu.memref_slice %arg21[%add3A_77, %dma_start3A_198] : memref<10000x128xf32, #tpu.memory_space<vmem_shared>> -> memref<80x128xf32, #tpu.memory_space<vmem_shared>>
      %dma_start3A_200 = arith.constant 0 : i32
      %dma_start3A_201 = arith.constant 0 : i32
      %dma_start3A_202 = tpu.memref_slice %arg13[%dma_start3A_200, %dma_start3A_201] : memref<80x128xf32, #tpu.memory_space<vmem>> -> memref<80x128xf32, #tpu.memory_space<vmem>>
      tpu.enqueue_dma source(%dma_start3A_202 : memref<80x128xf32, #tpu.memory_space<vmem>>) target(%dma_start3A_199 : memref<80x128xf32, #tpu.memory_space<vmem_shared>>) target_semaphore(%run_scoped3A : memref<!tpu.dma_semaphore, #tpu.memory_space<semaphore_mem>>)
      %dma_wait3A_203 = arith.constant 0 : i32
      %dma_wait3A_204 = arith.constant 0 : i32
      %dma_wait3A_205 = tpu.memref_slice %arg13[%dma_wait3A_203, %dma_wait3A_204] : memref<80x128xf32, #tpu.memory_space<vmem>> -> memref<80x128xf32, #tpu.memory_space<vmem>>
      %dma_wait3A_206 = arith.constant 0 : i32
      %dma_wait3A_207 = tpu.memref_slice %arg21[%add3A_77, %dma_wait3A_206] : memref<10000x128xf32, #tpu.memory_space<vmem_shared>> -> memref<80x128xf32, #tpu.memory_space<vmem_shared>>
      %dma_wait3A_208 = arith.constant 0 : i32
      %dma_wait3A_209 = tpu.memref_slice %arg21[%add3A_77, %dma_wait3A_208] : memref<10000x128xf32, #tpu.memory_space<vmem_shared>> -> memref<80x128xf32, #tpu.memory_space<vmem_shared>>
      %dma_wait3A_210 = arith.constant 0 : i32
      %dma_wait3A_211 = arith.constant 0 : i32
      %dma_wait3A_212 = tpu.memref_slice %arg13[%dma_wait3A_210, %dma_wait3A_211] : memref<80x128xf32, #tpu.memory_space<vmem>> -> memref<80x128xf32, #tpu.memory_space<vmem>>
      tpu.wait_dma2 semaphore(%run_scoped3A : memref<!tpu.dma_semaphore, #tpu.memory_space<semaphore_mem>>) src(%dma_wait3A_212 : memref<80x128xf32, #tpu.memory_space<vmem>>) dst(%dma_wait3A_209 : memref<80x128xf32, #tpu.memory_space<vmem_shared>>)
      tpu.yield
    }) : () -> ()
    %add3A_78 = arith.constant 480 : i32
    %add3A_79 = arith.addi %mul3A_51, %add3A_78 : i32
    "tpu.region"() ({
      %run_scoped3A = tpu.sem_alloc : memref<!tpu.dma_semaphore, #tpu.memory_space<semaphore_mem>>
      %dma_start3A_193 = arith.constant 0 : i32
      %dma_start3A_194 = tpu.memref_slice %arg19[%dma_start3A_193] : memref<80xf32, #tpu.memory_space<vmem>> -> memref<80xf32, #tpu.memory_space<vmem>>
      %dma_start3A_195 = tpu.memref_slice %arg22[%add3A_79] : memref<10000xf32, #tpu.memory_space<vmem_shared>> -> memref<80xf32, #tpu.memory_space<vmem_shared>>
      %dma_start3A_196 = tpu.memref_slice %arg22[%add3A_79] : memref<10000xf32, #tpu.memory_space<vmem_shared>> -> memref<80xf32, #tpu.memory_space<vmem_shared>>
      %dma_start3A_197 = arith.constant 0 : i32
      %dma_start3A_198 = tpu.memref_slice %arg19[%dma_start3A_197] : memref<80xf32, #tpu.memory_space<vmem>> -> memref<80xf32, #tpu.memory_space<vmem>>
      tpu.enqueue_dma source(%dma_start3A_198 : memref<80xf32, #tpu.memory_space<vmem>>) target(%dma_start3A_196 : memref<80xf32, #tpu.memory_space<vmem_shared>>) target_semaphore(%run_scoped3A : memref<!tpu.dma_semaphore, #tpu.memory_space<semaphore_mem>>)
      %dma_wait3A_199 = arith.constant 0 : i32
      %dma_wait3A_200 = tpu.memref_slice %arg19[%dma_wait3A_199] : memref<80xf32, #tpu.memory_space<vmem>> -> memref<80xf32, #tpu.memory_space<vmem>>
      %dma_wait3A_201 = tpu.memref_slice %arg22[%add3A_79] : memref<10000xf32, #tpu.memory_space<vmem_shared>> -> memref<80xf32, #tpu.memory_space<vmem_shared>>
      %dma_wait3A_202 = tpu.memref_slice %arg22[%add3A_79] : memref<10000xf32, #tpu.memory_space<vmem_shared>> -> memref<80xf32, #tpu.memory_space<vmem_shared>>
      %dma_wait3A_203 = arith.constant 0 : i32
      %dma_wait3A_204 = tpu.memref_slice %arg19[%dma_wait3A_203] : memref<80xf32, #tpu.memory_space<vmem>> -> memref<80xf32, #tpu.memory_space<vmem>>
      tpu.wait_dma2 semaphore(%run_scoped3A : memref<!tpu.dma_semaphore, #tpu.memory_space<semaphore_mem>>) src(%dma_wait3A_204 : memref<80xf32, #tpu.memory_space<vmem>>) dst(%dma_wait3A_202 : memref<80xf32, #tpu.memory_space<vmem_shared>>)
      tpu.yield
    }) : () -> ()
    %add3A_80 = arith.constant 560 : i32
    %add3A_81 = arith.addi %mul3A_51, %add3A_80 : i32
    "tpu.region"() ({
      %run_scoped3A = tpu.sem_alloc : memref<!tpu.dma_semaphore, #tpu.memory_space<semaphore_mem>>
      %dma_start3A_193 = arith.constant 0 : i32
      %dma_start3A_194 = arith.constant 0 : i32
      %dma_start3A_195 = tpu.memref_slice %arg13[%dma_start3A_193, %dma_start3A_194] : memref<80x128xf32, #tpu.memory_space<vmem>> -> memref<64x128xf32, #tpu.memory_space<vmem>>
      %dma_start3A_196 = arith.constant 0 : i32
      %dma_start3A_197 = tpu.memref_slice %arg21[%add3A_81, %dma_start3A_196] : memref<10000x128xf32, #tpu.memory_space<vmem_shared>> -> memref<64x128xf32, #tpu.memory_space<vmem_shared>>
      %dma_start3A_198 = arith.constant 0 : i32
      %dma_start3A_199 = tpu.memref_slice %arg21[%add3A_81, %dma_start3A_198] : memref<10000x128xf32, #tpu.memory_space<vmem_shared>> -> memref<64x128xf32, #tpu.memory_space<vmem_shared>>
      %dma_start3A_200 = arith.constant 0 : i32
      %dma_start3A_201 = arith.constant 0 : i32
      %dma_start3A_202 = tpu.memref_slice %arg13[%dma_start3A_200, %dma_start3A_201] : memref<80x128xf32, #tpu.memory_space<vmem>> -> memref<64x128xf32, #tpu.memory_space<vmem>>
      tpu.enqueue_dma source(%dma_start3A_202 : memref<64x128xf32, #tpu.memory_space<vmem>>) target(%dma_start3A_199 : memref<64x128xf32, #tpu.memory_space<vmem_shared>>) target_semaphore(%run_scoped3A : memref<!tpu.dma_semaphore, #tpu.memory_space<semaphore_mem>>)
      %dma_wait3A_203 = arith.constant 0 : i32
      %dma_wait3A_204 = arith.constant 0 : i32
      %dma_wait3A_205 = tpu.memref_slice %arg13[%dma_wait3A_203, %dma_wait3A_204] : memref<80x128xf32, #tpu.memory_space<vmem>> -> memref<64x128xf32, #tpu.memory_space<vmem>>
      %dma_wait3A_206 = arith.constant 0 : i32
      %dma_wait3A_207 = tpu.memref_slice %arg21[%add3A_81, %dma_wait3A_206] : memref<10000x128xf32, #tpu.memory_space<vmem_shared>> -> memref<64x128xf32, #tpu.memory_space<vmem_shared>>
      %dma_wait3A_208 = arith.constant 0 : i32
      %dma_wait3A_209 = tpu.memref_slice %arg21[%add3A_81, %dma_wait3A_208] : memref<10000x128xf32, #tpu.memory_space<vmem_shared>> -> memref<64x128xf32, #tpu.memory_space<vmem_shared>>
      %dma_wait3A_210 = arith.constant 0 : i32
      %dma_wait3A_211 = arith.constant 0 : i32
      %dma_wait3A_212 = tpu.memref_slice %arg13[%dma_wait3A_210, %dma_wait3A_211] : memref<80x128xf32, #tpu.memory_space<vmem>> -> memref<64x128xf32, #tpu.memory_space<vmem>>
      tpu.wait_dma2 semaphore(%run_scoped3A : memref<!tpu.dma_semaphore, #tpu.memory_space<semaphore_mem>>) src(%dma_wait3A_212 : memref<64x128xf32, #tpu.memory_space<vmem>>) dst(%dma_wait3A_209 : memref<64x128xf32, #tpu.memory_space<vmem_shared>>)
      tpu.yield
    }) : () -> ()
    %add3A_82 = arith.constant 560 : i32
    %add3A_83 = arith.addi %mul3A_51, %add3A_82 : i32
    "tpu.region"() ({
      %run_scoped3A = tpu.sem_alloc : memref<!tpu.dma_semaphore, #tpu.memory_space<semaphore_mem>>
      %dma_start3A_193 = arith.constant 0 : i32
      %dma_start3A_194 = tpu.memref_slice %arg19[%dma_start3A_193] : memref<80xf32, #tpu.memory_space<vmem>> -> memref<64xf32, #tpu.memory_space<vmem>>
      %dma_start3A_195 = tpu.memref_slice %arg22[%add3A_83] : memref<10000xf32, #tpu.memory_space<vmem_shared>> -> memref<64xf32, #tpu.memory_space<vmem_shared>>
      %dma_start3A_196 = tpu.memref_slice %arg22[%add3A_83] : memref<10000xf32, #tpu.memory_space<vmem_shared>> -> memref<64xf32, #tpu.memory_space<vmem_shared>>
      %dma_start3A_197 = arith.constant 0 : i32
      %dma_start3A_198 = tpu.memref_slice %arg19[%dma_start3A_197] : memref<80xf32, #tpu.memory_space<vmem>> -> memref<64xf32, #tpu.memory_space<vmem>>
      tpu.enqueue_dma source(%dma_start3A_198 : memref<64xf32, #tpu.memory_space<vmem>>) target(%dma_start3A_196 : memref<64xf32, #tpu.memory_space<vmem_shared>>) target_semaphore(%run_scoped3A : memref<!tpu.dma_semaphore, #tpu.memory_space<semaphore_mem>>)
      %dma_wait3A_199 = arith.constant 0 : i32
      %dma_wait3A_200 = tpu.memref_slice %arg19[%dma_wait3A_199] : memref<80xf32, #tpu.memory_space<vmem>> -> memref<64xf32, #tpu.memory_space<vmem>>
      %dma_wait3A_201 = tpu.memref_slice %arg22[%add3A_83] : memref<10000xf32, #tpu.memory_space<vmem_shared>> -> memref<64xf32, #tpu.memory_space<vmem_shared>>
      %dma_wait3A_202 = tpu.memref_slice %arg22[%add3A_83] : memref<10000xf32, #tpu.memory_space<vmem_shared>> -> memref<64xf32, #tpu.memory_space<vmem_shared>>
      %dma_wait3A_203 = arith.constant 0 : i32
      %dma_wait3A_204 = tpu.memref_slice %arg19[%dma_wait3A_203] : memref<80xf32, #tpu.memory_space<vmem>> -> memref<64xf32, #tpu.memory_space<vmem>>
      tpu.wait_dma2 semaphore(%run_scoped3A : memref<!tpu.dma_semaphore, #tpu.memory_space<semaphore_mem>>) src(%dma_wait3A_204 : memref<64xf32, #tpu.memory_space<vmem>>) dst(%dma_wait3A_202 : memref<64xf32, #tpu.memory_space<vmem_shared>>)
      tpu.yield
    }) : () -> ()
    %eq3A = arith.constant 15 : i32
    %eq3A_84 = arith.cmpi eq, %arg1, %eq3A : i32
    %convert_element_type3A = arith.extui %eq3A_84 : i1 to i32
    %cond3A = arith.constant 0 : i32
    %cond3A_85 = arith.cmpi ne, %convert_element_type3A, %cond3A : i32
    scf.if %cond3A_85 {
      "tpu.region"() ({
        %run_scoped3A = tpu.sem_alloc : memref<!tpu.dma_semaphore, #tpu.memory_space<semaphore_mem>>
        %dma_start3A_193 = arith.constant 0 : i32
        %dma_start3A_194 = arith.constant 0 : i32
        %dma_start3A_195 = tpu.memref_slice %arg13[%dma_start3A_193, %dma_start3A_194] : memref<80x128xf32, #tpu.memory_space<vmem>> -> memref<16x128xf32, #tpu.memory_space<vmem>>
        %dma_start3A_196 = arith.constant 9984 : i32
        %dma_start3A_197 = arith.constant 0 : i32
        %dma_start3A_198 = tpu.memref_slice %arg21[%dma_start3A_196, %dma_start3A_197] : memref<10000x128xf32, #tpu.memory_space<vmem_shared>> -> memref<16x128xf32, #tpu.memory_space<vmem_shared>>
        %dma_start3A_199 = arith.constant 9984 : i32
        %dma_start3A_200 = arith.constant 0 : i32
        %dma_start3A_201 = tpu.memref_slice %arg21[%dma_start3A_199, %dma_start3A_200] : memref<10000x128xf32, #tpu.memory_space<vmem_shared>> -> memref<16x128xf32, #tpu.memory_space<vmem_shared>>
        %dma_start3A_202 = arith.constant 0 : i32
        %dma_start3A_203 = arith.constant 0 : i32
        %dma_start3A_204 = tpu.memref_slice %arg13[%dma_start3A_202, %dma_start3A_203] : memref<80x128xf32, #tpu.memory_space<vmem>> -> memref<16x128xf32, #tpu.memory_space<vmem>>
        tpu.enqueue_dma source(%dma_start3A_204 : memref<16x128xf32, #tpu.memory_space<vmem>>) target(%dma_start3A_201 : memref<16x128xf32, #tpu.memory_space<vmem_shared>>) target_semaphore(%run_scoped3A : memref<!tpu.dma_semaphore, #tpu.memory_space<semaphore_mem>>)
        %dma_wait3A_205 = arith.constant 0 : i32
        %dma_wait3A_206 = arith.constant 0 : i32
        %dma_wait3A_207 = tpu.memref_slice %arg13[%dma_wait3A_205, %dma_wait3A_206] : memref<80x128xf32, #tpu.memory_space<vmem>> -> memref<16x128xf32, #tpu.memory_space<vmem>>
        %dma_wait3A_208 = arith.constant 9984 : i32
        %dma_wait3A_209 = arith.constant 0 : i32
        %dma_wait3A_210 = tpu.memref_slice %arg21[%dma_wait3A_208, %dma_wait3A_209] : memref<10000x128xf32, #tpu.memory_space<vmem_shared>> -> memref<16x128xf32, #tpu.memory_space<vmem_shared>>
        %dma_wait3A_211 = arith.constant 9984 : i32
        %dma_wait3A_212 = arith.constant 0 : i32
        %dma_wait3A_213 = tpu.memref_slice %arg21[%dma_wait3A_211, %dma_wait3A_212] : memref<10000x128xf32, #tpu.memory_space<vmem_shared>> -> memref<16x128xf32, #tpu.memory_space<vmem_shared>>
        %dma_wait3A_214 = arith.constant 0 : i32
        %dma_wait3A_215 = arith.constant 0 : i32
        %dma_wait3A_216 = tpu.memref_slice %arg13[%dma_wait3A_214, %dma_wait3A_215] : memref<80x128xf32, #tpu.memory_space<vmem>> -> memref<16x128xf32, #tpu.memory_space<vmem>>
        tpu.wait_dma2 semaphore(%run_scoped3A : memref<!tpu.dma_semaphore, #tpu.memory_space<semaphore_mem>>) src(%dma_wait3A_216 : memref<16x128xf32, #tpu.memory_space<vmem>>) dst(%dma_wait3A_213 : memref<16x128xf32, #tpu.memory_space<vmem_shared>>)
        tpu.yield
      }) : () -> ()
      "tpu.region"() ({
        %run_scoped3A = tpu.sem_alloc : memref<!tpu.dma_semaphore, #tpu.memory_space<semaphore_mem>>
        %dma_start3A_193 = arith.constant 0 : i32
        %dma_start3A_194 = tpu.memref_slice %arg19[%dma_start3A_193] : memref<80xf32, #tpu.memory_space<vmem>> -> memref<16xf32, #tpu.memory_space<vmem>>
        %dma_start3A_195 = arith.constant 9984 : i32
        %dma_start3A_196 = tpu.memref_slice %arg22[%dma_start3A_195] : memref<10000xf32, #tpu.memory_space<vmem_shared>> -> memref<16xf32, #tpu.memory_space<vmem_shared>>
        %dma_start3A_197 = arith.constant 9984 : i32
        %dma_start3A_198 = tpu.memref_slice %arg22[%dma_start3A_197] : memref<10000xf32, #tpu.memory_space<vmem_shared>> -> memref<16xf32, #tpu.memory_space<vmem_shared>>
        %dma_start3A_199 = arith.constant 0 : i32
        %dma_start3A_200 = tpu.memref_slice %arg19[%dma_start3A_199] : memref<80xf32, #tpu.memory_space<vmem>> -> memref<16xf32, #tpu.memory_space<vmem>>
        tpu.enqueue_dma source(%dma_start3A_200 : memref<16xf32, #tpu.memory_space<vmem>>) target(%dma_start3A_198 : memref<16xf32, #tpu.memory_space<vmem_shared>>) target_semaphore(%run_scoped3A : memref<!tpu.dma_semaphore, #tpu.memory_space<semaphore_mem>>)
        %dma_wait3A_201 = arith.constant 0 : i32
        %dma_wait3A_202 = tpu.memref_slice %arg19[%dma_wait3A_201] : memref<80xf32, #tpu.memory_space<vmem>> -> memref<16xf32, #tpu.memory_space<vmem>>
        %dma_wait3A_203 = arith.constant 9984 : i32
        %dma_wait3A_204 = tpu.memref_slice %arg22[%dma_wait3A_203] : memref<10000xf32, #tpu.memory_space<vmem_shared>> -> memref<16xf32, #tpu.memory_space<vmem_shared>>
        %dma_wait3A_205 = arith.constant 9984 : i32
        %dma_wait3A_206 = tpu.memref_slice %arg22[%dma_wait3A_205] : memref<10000xf32, #tpu.memory_space<vmem_shared>> -> memref<16xf32, #tpu.memory_space<vmem_shared>>
        %dma_wait3A_207 = arith.constant 0 : i32
        %dma_wait3A_208 = tpu.memref_slice %arg19[%dma_wait3A_207] : memref<80xf32, #tpu.memory_space<vmem>> -> memref<16xf32, #tpu.memory_space<vmem>>
        tpu.wait_dma2 semaphore(%run_scoped3A : memref<!tpu.dma_semaphore, #tpu.memory_space<semaphore_mem>>) src(%dma_wait3A_208 : memref<16xf32, #tpu.memory_space<vmem>>) dst(%dma_wait3A_206 : memref<16xf32, #tpu.memory_space<vmem_shared>>)
        tpu.yield
      }) : () -> ()
    } else {
    }
    %barrier3A = arith.constant 0 : index
    tpu.barrier barrier_id(%barrier3A)
    %add3A_86 = arith.constant 0 : i32
    %add3A_87 = arith.addi %mul3A_2, %add3A_86 : i32
    %dma_start3A = tpu.memref_slice %arg4[%add3A_87] : memref<320160xi32, #tpu.memory_space<hbm>> -> memref<80xi32, #tpu.memory_space<hbm>>
    %dma_start3A_88 = tpu.memref_slice %arg4[%add3A_87] : memref<320160xi32, #tpu.memory_space<hbm>> -> memref<80xi32, #tpu.memory_space<hbm>>
    tpu.enqueue_dma source(%dma_start3A_88 : memref<80xi32, #tpu.memory_space<hbm>>) target(%arg8 : memref<80xi32, #tpu.memory_space<vmem>>) target_semaphore(%arg27 : memref<!tpu.dma_semaphore, #tpu.memory_space<semaphore_mem>>)
    %dma_start3A_89 = tpu.memref_slice %arg5[%add3A_87] : memref<320160xi32, #tpu.memory_space<hbm>> -> memref<80xi32, #tpu.memory_space<hbm>>
    %dma_start3A_90 = tpu.memref_slice %arg5[%add3A_87] : memref<320160xi32, #tpu.memory_space<hbm>> -> memref<80xi32, #tpu.memory_space<hbm>>
    tpu.enqueue_dma source(%dma_start3A_90 : memref<80xi32, #tpu.memory_space<hbm>>) target(%arg9 : memref<80xi32, #tpu.memory_space<vmem>>) target_semaphore(%arg28 : memref<!tpu.dma_semaphore, #tpu.memory_space<semaphore_mem>>)
    %add3A_91 = arith.constant 0 : i32
    %add3A_92 = arith.addi %mul3A_2, %add3A_91 : i32
    %dma_wait3A = tpu.memref_slice %arg4[%add3A_92] : memref<320160xi32, #tpu.memory_space<hbm>> -> memref<80xi32, #tpu.memory_space<hbm>>
    %dma_wait3A_93 = tpu.memref_slice %arg4[%add3A_92] : memref<320160xi32, #tpu.memory_space<hbm>> -> memref<80xi32, #tpu.memory_space<hbm>>
    tpu.wait_dma2 semaphore(%arg27 : memref<!tpu.dma_semaphore, #tpu.memory_space<semaphore_mem>>) src(%dma_wait3A_93 : memref<80xi32, #tpu.memory_space<hbm>>) dst(%arg8 : memref<80xi32, #tpu.memory_space<vmem>>)
    %dma_wait3A_94 = tpu.memref_slice %arg5[%add3A_92] : memref<320160xi32, #tpu.memory_space<hbm>> -> memref<80xi32, #tpu.memory_space<hbm>>
    %dma_wait3A_95 = tpu.memref_slice %arg5[%add3A_92] : memref<320160xi32, #tpu.memory_space<hbm>> -> memref<80xi32, #tpu.memory_space<hbm>>
    tpu.wait_dma2 semaphore(%arg28 : memref<!tpu.dma_semaphore, #tpu.memory_space<semaphore_mem>>) src(%dma_wait3A_95 : memref<80xi32, #tpu.memory_space<hbm>>) dst(%arg9 : memref<80xi32, #tpu.memory_space<vmem>>)
    %dma_start3A_96 = arith.constant 0 : i32
    %dma_start3A_97 = arith.constant 0 : i32
    %dma_start3A_98 = tpu.memref_slice %arg2[%dma_start3A_96, %dma_start3A_97] : memref<10000x128xf32, #tpu.memory_space<hbm>> -> memref<10000x128xf32, #tpu.memory_space<hbm>>
    tpu.enqueue_indirect_dma source(%dma_start3A_98 : memref<10000x128xf32, #tpu.memory_space<hbm>>) target(%arg12 : memref<80x128xf32, #tpu.memory_space<vmem>>) offsets(%arg8 : memref<80xi32, #tpu.memory_space<vmem>>) semaphore(%arg23 : memref<!tpu.dma_semaphore, #tpu.memory_space<semaphore_mem>>)
    %dma_start3A_99 = arith.constant 0 : i32
    %dma_start3A_100 = arith.constant 0 : i32
    %dma_start3A_101 = tpu.memref_slice %arg3[%dma_start3A_99, %dma_start3A_100] : memref<10000x128xf32, #tpu.memory_space<hbm>> -> memref<10000x128xf32, #tpu.memory_space<hbm>>
    tpu.enqueue_indirect_dma source(%dma_start3A_101 : memref<10000x128xf32, #tpu.memory_space<hbm>>) target(%arg13 : memref<80x128xf32, #tpu.memory_space<vmem>>) offsets(%arg9 : memref<80xi32, #tpu.memory_space<vmem>>) semaphore(%arg24 : memref<!tpu.dma_semaphore, #tpu.memory_space<semaphore_mem>>)
    %add3A_102 = arith.constant 80 : i32
    %add3A_103 = arith.addi %mul3A_2, %add3A_102 : i32
    %dma_start3A_104 = tpu.memref_slice %arg4[%add3A_103] : memref<320160xi32, #tpu.memory_space<hbm>> -> memref<80xi32, #tpu.memory_space<hbm>>
    %dma_start3A_105 = tpu.memref_slice %arg4[%add3A_103] : memref<320160xi32, #tpu.memory_space<hbm>> -> memref<80xi32, #tpu.memory_space<hbm>>
    tpu.enqueue_dma source(%dma_start3A_105 : memref<80xi32, #tpu.memory_space<hbm>>) target(%arg10 : memref<80xi32, #tpu.memory_space<vmem>>) target_semaphore(%arg29 : memref<!tpu.dma_semaphore, #tpu.memory_space<semaphore_mem>>)
    %dma_start3A_106 = tpu.memref_slice %arg5[%add3A_103] : memref<320160xi32, #tpu.memory_space<hbm>> -> memref<80xi32, #tpu.memory_space<hbm>>
    %dma_start3A_107 = tpu.memref_slice %arg5[%add3A_103] : memref<320160xi32, #tpu.memory_space<hbm>> -> memref<80xi32, #tpu.memory_space<hbm>>
    tpu.enqueue_dma source(%dma_start3A_107 : memref<80xi32, #tpu.memory_space<hbm>>) target(%arg11 : memref<80xi32, #tpu.memory_space<vmem>>) target_semaphore(%arg30 : memref<!tpu.dma_semaphore, #tpu.memory_space<semaphore_mem>>)
    %scan3A_108 = arith.constant 0 : i32
    %scan3A_109 = arith.constant 0 : i32
    %scan3A_110 = arith.constant 62 : i32
    %scan3A_111 = arith.addi %scan3A_109, %scan3A_110 : i32
    %scan3A_112 = arith.constant 1 : i32
    scf.for %scan3A_193 = %scan3A_109 to %scan3A_111 step %scan3A_112  : i32 {
      %mul3A_194 = arith.constant 2 : i32
      %mul3A_195 = arith.muli %mul3A_194, %scan3A_193 : i32
      %add3A_196 = arith.constant 0 : i32
      %add3A_197 = arith.addi %mul3A_195, %add3A_196 : i32
      %dma_wait3A_198 = arith.constant 0 : i32
      %dma_wait3A_199 = arith.constant 0 : i32
      %dma_wait3A_200 = tpu.memref_slice %arg2[%dma_wait3A_198, %dma_wait3A_199] : memref<10000x128xf32, #tpu.memory_space<hbm>> -> memref<10000x128xf32, #tpu.memory_space<hbm>>
      tpu.wait_indirect_dma semaphore(%arg23 : memref<!tpu.dma_semaphore, #tpu.memory_space<semaphore_mem>>) src(%dma_wait3A_200 : memref<10000x128xf32, #tpu.memory_space<hbm>>) dst(%arg12 : memref<80x128xf32, #tpu.memory_space<vmem>>)
      %dma_wait3A_201 = arith.constant 0 : i32
      %dma_wait3A_202 = arith.constant 0 : i32
      %dma_wait3A_203 = tpu.memref_slice %arg3[%dma_wait3A_201, %dma_wait3A_202] : memref<10000x128xf32, #tpu.memory_space<hbm>> -> memref<10000x128xf32, #tpu.memory_space<hbm>>
      tpu.wait_indirect_dma semaphore(%arg24 : memref<!tpu.dma_semaphore, #tpu.memory_space<semaphore_mem>>) src(%dma_wait3A_203 : memref<10000x128xf32, #tpu.memory_space<hbm>>) dst(%arg13 : memref<80x128xf32, #tpu.memory_space<vmem>>)
      %add3A_204 = arith.constant 1 : i32
      %add3A_205 = arith.addi %add3A_197, %add3A_204 : i32
      %mul3A_206 = arith.constant 80 : i32
      %mul3A_207 = arith.muli %add3A_205, %mul3A_206 : i32
      %add3A_208 = arith.addi %mul3A_2, %mul3A_207 : i32
      %dma_wait3A_209 = tpu.memref_slice %arg4[%add3A_208] : memref<320160xi32, #tpu.memory_space<hbm>> -> memref<80xi32, #tpu.memory_space<hbm>>
      %dma_wait3A_210 = tpu.memref_slice %arg4[%add3A_208] : memref<320160xi32, #tpu.memory_space<hbm>> -> memref<80xi32, #tpu.memory_space<hbm>>
      tpu.wait_dma2 semaphore(%arg29 : memref<!tpu.dma_semaphore, #tpu.memory_space<semaphore_mem>>) src(%dma_wait3A_210 : memref<80xi32, #tpu.memory_space<hbm>>) dst(%arg10 : memref<80xi32, #tpu.memory_space<vmem>>)
      %dma_wait3A_211 = tpu.memref_slice %arg5[%add3A_208] : memref<320160xi32, #tpu.memory_space<hbm>> -> memref<80xi32, #tpu.memory_space<hbm>>
      %dma_wait3A_212 = tpu.memref_slice %arg5[%add3A_208] : memref<320160xi32, #tpu.memory_space<hbm>> -> memref<80xi32, #tpu.memory_space<hbm>>
      tpu.wait_dma2 semaphore(%arg30 : memref<!tpu.dma_semaphore, #tpu.memory_space<semaphore_mem>>) src(%dma_wait3A_212 : memref<80xi32, #tpu.memory_space<hbm>>) dst(%arg11 : memref<80xi32, #tpu.memory_space<vmem>>)
      %dma_start3A_213 = arith.constant 0 : i32
      %dma_start3A_214 = arith.constant 0 : i32
      %dma_start3A_215 = tpu.memref_slice %arg2[%dma_start3A_213, %dma_start3A_214] : memref<10000x128xf32, #tpu.memory_space<hbm>> -> memref<10000x128xf32, #tpu.memory_space<hbm>>
      tpu.enqueue_indirect_dma source(%dma_start3A_215 : memref<10000x128xf32, #tpu.memory_space<hbm>>) target(%arg14 : memref<80x128xf32, #tpu.memory_space<vmem>>) offsets(%arg10 : memref<80xi32, #tpu.memory_space<vmem>>) semaphore(%arg25 : memref<!tpu.dma_semaphore, #tpu.memory_space<semaphore_mem>>)
      %get3A_216 = arith.constant 0 : index
      %get3A_217 = tpu.vector_load %arg9[%get3A_216] {strides = array<i32>} : memref<80xi32, #tpu.memory_space<vmem>>, vector<16xi32>,
      %get3A_218 = vector.shape_cast %get3A_217 : vector<16xi32> to vector<16xi32>
      %swap3A_219 = arith.constant 0 : index
      %swap3A_220 = tpu.vector_load %arg16[%swap3A_219] {strides = array<i32>} : memref<80xi32, #tpu.memory_space<vmem>>, vector<16xi32>,
      %swap3A_221 = vector.shape_cast %swap3A_220 : vector<16xi32> to vector<16xi32>
      %swap3A_222 = vector.shape_cast %get3A_218 : vector<16xi32> to vector<16xi32>
      tpu.vector_store %arg16[%swap3A_219], %swap3A_222 {strides = array<i32>} : memref<80xi32, #tpu.memory_space<vmem>>, vector<16xi32>,
      %get3A_223 = arith.constant 16 : index
      %get3A_224 = tpu.vector_load %arg9[%get3A_223] {strides = array<i32>} : memref<80xi32, #tpu.memory_space<vmem>>, vector<16xi32>,
      %get3A_225 = vector.shape_cast %get3A_224 : vector<16xi32> to vector<16xi32>
      %swap3A_226 = arith.constant 16 : index
      %swap3A_227 = tpu.vector_load %arg16[%swap3A_226] {strides = array<i32>} : memref<80xi32, #tpu.memory_space<vmem>>, vector<16xi32>,
      %swap3A_228 = vector.shape_cast %swap3A_227 : vector<16xi32> to vector<16xi32>
      %swap3A_229 = vector.shape_cast %get3A_225 : vector<16xi32> to vector<16xi32>
      tpu.vector_store %arg16[%swap3A_226], %swap3A_229 {strides = array<i32>} : memref<80xi32, #tpu.memory_space<vmem>>, vector<16xi32>,
      %get3A_230 = arith.constant 32 : index
      %get3A_231 = tpu.vector_load %arg9[%get3A_230] {strides = array<i32>} : memref<80xi32, #tpu.memory_space<vmem>>, vector<16xi32>,
      %get3A_232 = vector.shape_cast %get3A_231 : vector<16xi32> to vector<16xi32>
      %swap3A_233 = arith.constant 32 : index
      %swap3A_234 = tpu.vector_load %arg16[%swap3A_233] {strides = array<i32>} : memref<80xi32, #tpu.memory_space<vmem>>, vector<16xi32>,
      %swap3A_235 = vector.shape_cast %swap3A_234 : vector<16xi32> to vector<16xi32>
      %swap3A_236 = vector.shape_cast %get3A_232 : vector<16xi32> to vector<16xi32>
      tpu.vector_store %arg16[%swap3A_233], %swap3A_236 {strides = array<i32>} : memref<80xi32, #tpu.memory_space<vmem>>, vector<16xi32>,
      %get3A_237 = arith.constant 48 : index
      %get3A_238 = tpu.vector_load %arg9[%get3A_237] {strides = array<i32>} : memref<80xi32, #tpu.memory_space<vmem>>, vector<16xi32>,
      %get3A_239 = vector.shape_cast %get3A_238 : vector<16xi32> to vector<16xi32>
      %swap3A_240 = arith.constant 48 : index
      %swap3A_241 = tpu.vector_load %arg16[%swap3A_240] {strides = array<i32>} : memref<80xi32, #tpu.memory_space<vmem>>, vector<16xi32>,
      %swap3A_242 = vector.shape_cast %swap3A_241 : vector<16xi32> to vector<16xi32>
      %swap3A_243 = vector.shape_cast %get3A_239 : vector<16xi32> to vector<16xi32>
      tpu.vector_store %arg16[%swap3A_240], %swap3A_243 {strides = array<i32>} : memref<80xi32, #tpu.memory_space<vmem>>, vector<16xi32>,
      %get3A_244 = arith.constant 64 : index
      %get3A_245 = tpu.vector_load %arg9[%get3A_244] {strides = array<i32>} : memref<80xi32, #tpu.memory_space<vmem>>, vector<16xi32>,
      %get3A_246 = vector.shape_cast %get3A_245 : vector<16xi32> to vector<16xi32>
      %swap3A_247 = arith.constant 64 : index
      %swap3A_248 = tpu.vector_load %arg16[%swap3A_247] {strides = array<i32>} : memref<80xi32, #tpu.memory_space<vmem>>, vector<16xi32>,
      %swap3A_249 = vector.shape_cast %swap3A_248 : vector<16xi32> to vector<16xi32>
      %swap3A_250 = vector.shape_cast %get3A_246 : vector<16xi32> to vector<16xi32>
      tpu.vector_store %arg16[%swap3A_247], %swap3A_250 {strides = array<i32>} : memref<80xi32, #tpu.memory_space<vmem>>, vector<16xi32>,
      %add3A_251 = arith.constant 2 : i32
      %add3A_252 = arith.addi %add3A_197, %add3A_251 : i32
      %mul3A_253 = arith.constant 80 : i32
      %mul3A_254 = arith.muli %add3A_252, %mul3A_253 : i32
      %add3A_255 = arith.addi %mul3A_2, %mul3A_254 : i32
      %dma_start3A_256 = tpu.memref_slice %arg4[%add3A_255] : memref<320160xi32, #tpu.memory_space<hbm>> -> memref<80xi32, #tpu.memory_space<hbm>>
      %dma_start3A_257 = tpu.memref_slice %arg4[%add3A_255] : memref<320160xi32, #tpu.memory_space<hbm>> -> memref<80xi32, #tpu.memory_space<hbm>>
      tpu.enqueue_dma source(%dma_start3A_257 : memref<80xi32, #tpu.memory_space<hbm>>) target(%arg8 : memref<80xi32, #tpu.memory_space<vmem>>) target_semaphore(%arg27 : memref<!tpu.dma_semaphore, #tpu.memory_space<semaphore_mem>>)
      %dma_start3A_258 = tpu.memref_slice %arg5[%add3A_255] : memref<320160xi32, #tpu.memory_space<hbm>> -> memref<80xi32, #tpu.memory_space<hbm>>
      %dma_start3A_259 = tpu.memref_slice %arg5[%add3A_255] : memref<320160xi32, #tpu.memory_space<hbm>> -> memref<80xi32, #tpu.memory_space<hbm>>
      tpu.enqueue_dma source(%dma_start3A_259 : memref<80xi32, #tpu.memory_space<hbm>>) target(%arg9 : memref<80xi32, #tpu.memory_space<vmem>>) target_semaphore(%arg28 : memref<!tpu.dma_semaphore, #tpu.memory_space<semaphore_mem>>)
      %scan3A_260 = arith.constant 0 : i32
      %scan3A_261 = arith.constant 0 : i32
      %scan3A_262 = arith.constant 80 : i32
      %scan3A_263 = arith.addi %scan3A_261, %scan3A_262 : i32
      %scan3A_264 = arith.constant 1 : i32
      scf.for %scan3A_363 = %scan3A_261 to %scan3A_263 step %scan3A_264  : i32 {
        %get3A_364 = arith.index_cast %scan3A_363 : i32 to index
        %get3A_365 = arith.constant 0 : index
        %get3A_366 = tpu.vector_load %arg12[%get3A_364, %get3A_365] {strides = array<i32>} : memref<80x128xf32, #tpu.memory_space<vmem>>, vector<1x16xf32>,
        %get3A_367 = vector.shape_cast %get3A_366 : vector<1x16xf32> to vector<16xf32>
        %get3A_368 = arith.index_cast %scan3A_363 : i32 to index
        %get3A_369 = arith.constant 0 : index
        %get3A_370 = tpu.vector_load %arg13[%get3A_368, %get3A_369] {strides = array<i32>} : memref<80x128xf32, #tpu.memory_space<vmem>>, vector<1x16xf32>,
        %get3A_371 = vector.shape_cast %get3A_370 : vector<1x16xf32> to vector<16xf32>
        %add3A_372 = arith.addf %get3A_367, %get3A_371 : vector<16xf32>
        %max3A = arith.constant 0.000000e+00 : f32
        %max3A_373 = vector.broadcast %max3A : f32 to vector<16xf32>
        %max3A_374 = arith.maximumf %add3A_372, %max3A_373 : vector<16xf32>
        %swap3A_375 = arith.index_cast %scan3A_363 : i32 to index
        %swap3A_376 = arith.constant 0 : index
        %swap3A_377 = tpu.vector_load %arg13[%swap3A_375, %swap3A_376] {strides = array<i32>} : memref<80x128xf32, #tpu.memory_space<vmem>>, vector<1x16xf32>,
        %swap3A_378 = vector.shape_cast %swap3A_377 : vector<1x16xf32> to vector<16xf32>
        %swap3A_379 = vector.shape_cast %max3A_374 : vector<16xf32> to vector<1x16xf32>
        tpu.vector_store %arg13[%swap3A_375, %swap3A_376], %swap3A_379 {strides = array<i32>} : memref<80x128xf32, #tpu.memory_space<vmem>>, vector<1x16xf32>,
        %get3A_380 = arith.index_cast %scan3A_363 : i32 to index
        %get3A_381 = arith.constant 16 : index
        %get3A_382 = tpu.vector_load %arg12[%get3A_380, %get3A_381] {strides = array<i32>} : memref<80x128xf32, #tpu.memory_space<vmem>>, vector<1x16xf32>,
        %get3A_383 = vector.shape_cast %get3A_382 : vector<1x16xf32> to vector<16xf32>
        %get3A_384 = arith.index_cast %scan3A_363 : i32 to index
        %get3A_385 = arith.constant 16 : index
        %get3A_386 = tpu.vector_load %arg13[%get3A_384, %get3A_385] {strides = array<i32>} : memref<80x128xf32, #tpu.memory_space<vmem>>, vector<1x16xf32>,
        %get3A_387 = vector.shape_cast %get3A_386 : vector<1x16xf32> to vector<16xf32>
        %add3A_388 = arith.addf %get3A_383, %get3A_387 : vector<16xf32>
        %max3A_389 = arith.constant 0.000000e+00 : f32
        %max3A_390 = vector.broadcast %max3A_389 : f32 to vector<16xf32>
        %max3A_391 = arith.maximumf %add3A_388, %max3A_390 : vector<16xf32>
        %swap3A_392 = arith.index_cast %scan3A_363 : i32 to index
        %swap3A_393 = arith.constant 16 : index
        %swap3A_394 = tpu.vector_load %arg13[%swap3A_392, %swap3A_393] {strides = array<i32>} : memref<80x128xf32, #tpu.memory_space<vmem>>, vector<1x16xf32>,
        %swap3A_395 = vector.shape_cast %swap3A_394 : vector<1x16xf32> to vector<16xf32>
        %swap3A_396 = vector.shape_cast %max3A_391 : vector<16xf32> to vector<1x16xf32>
        tpu.vector_store %arg13[%swap3A_392, %swap3A_393], %swap3A_396 {strides = array<i32>} : memref<80x128xf32, #tpu.memory_space<vmem>>, vector<1x16xf32>,
        %get3A_397 = arith.index_cast %scan3A_363 : i32 to index
        %get3A_398 = arith.constant 32 : index
        %get3A_399 = tpu.vector_load %arg12[%get3A_397, %get3A_398] {strides = array<i32>} : memref<80x128xf32, #tpu.memory_space<vmem>>, vector<1x16xf32>,
        %get3A_400 = vector.shape_cast %get3A_399 : vector<1x16xf32> to vector<16xf32>
        %get3A_401 = arith.index_cast %scan3A_363 : i32 to index
        %get3A_402 = arith.constant 32 : index
        %get3A_403 = tpu.vector_load %arg13[%get3A_401, %get3A_402] {strides = array<i32>} : memref<80x128xf32, #tpu.memory_space<vmem>>, vector<1x16xf32>,
        %get3A_404 = vector.shape_cast %get3A_403 : vector<1x16xf32> to vector<16xf32>
        %add3A_405 = arith.addf %get3A_400, %get3A_404 : vector<16xf32>
        %max3A_406 = arith.constant 0.000000e+00 : f32
        %max3A_407 = vector.broadcast %max3A_406 : f32 to vector<16xf32>
        %max3A_408 = arith.maximumf %add3A_405, %max3A_407 : vector<16xf32>
        %swap3A_409 = arith.index_cast %scan3A_363 : i32 to index
        %swap3A_410 = arith.constant 32 : index
        %swap3A_411 = tpu.vector_load %arg13[%swap3A_409, %swap3A_410] {strides = array<i32>} : memref<80x128xf32, #tpu.memory_space<vmem>>, vector<1x16xf32>,
        %swap3A_412 = vector.shape_cast %swap3A_411 : vector<1x16xf32> to vector<16xf32>
        %swap3A_413 = vector.shape_cast %max3A_408 : vector<16xf32> to vector<1x16xf32>
        tpu.vector_store %arg13[%swap3A_409, %swap3A_410], %swap3A_413 {strides = array<i32>} : memref<80x128xf32, #tpu.memory_space<vmem>>, vector<1x16xf32>,
        %get3A_414 = arith.index_cast %scan3A_363 : i32 to index
        %get3A_415 = arith.constant 48 : index
        %get3A_416 = tpu.vector_load %arg12[%get3A_414, %get3A_415] {strides = array<i32>} : memref<80x128xf32, #tpu.memory_space<vmem>>, vector<1x16xf32>,
        %get3A_417 = vector.shape_cast %get3A_416 : vector<1x16xf32> to vector<16xf32>
        %get3A_418 = arith.index_cast %scan3A_363 : i32 to index
        %get3A_419 = arith.constant 48 : index
        %get3A_420 = tpu.vector_load %arg13[%get3A_418, %get3A_419] {strides = array<i32>} : memref<80x128xf32, #tpu.memory_space<vmem>>, vector<1x16xf32>,
        %get3A_421 = vector.shape_cast %get3A_420 : vector<1x16xf32> to vector<16xf32>
        %add3A_422 = arith.addf %get3A_417, %get3A_421 : vector<16xf32>
        %max3A_423 = arith.constant 0.000000e+00 : f32
        %max3A_424 = vector.broadcast %max3A_423 : f32 to vector<16xf32>
        %max3A_425 = arith.maximumf %add3A_422, %max3A_424 : vector<16xf32>
        %swap3A_426 = arith.index_cast %scan3A_363 : i32 to index
        %swap3A_427 = arith.constant 48 : index
        %swap3A_428 = tpu.vector_load %arg13[%swap3A_426, %swap3A_427] {strides = array<i32>} : memref<80x128xf32, #tpu.memory_space<vmem>>, vector<1x16xf32>,
        %swap3A_429 = vector.shape_cast %swap3A_428 : vector<1x16xf32> to vector<16xf32>
        %swap3A_430 = vector.shape_cast %max3A_425 : vector<16xf32> to vector<1x16xf32>
        tpu.vector_store %arg13[%swap3A_426, %swap3A_427], %swap3A_430 {strides = array<i32>} : memref<80x128xf32, #tpu.memory_space<vmem>>, vector<1x16xf32>,
        %get3A_431 = arith.index_cast %scan3A_363 : i32 to index
        %get3A_432 = arith.constant 64 : index
        %get3A_433 = tpu.vector_load %arg12[%get3A_431, %get3A_432] {strides = array<i32>} : memref<80x128xf32, #tpu.memory_space<vmem>>, vector<1x16xf32>,
        %get3A_434 = vector.shape_cast %get3A_433 : vector<1x16xf32> to vector<16xf32>
        %get3A_435 = arith.index_cast %scan3A_363 : i32 to index
        %get3A_436 = arith.constant 64 : index
        %get3A_437 = tpu.vector_load %arg13[%get3A_435, %get3A_436] {strides = array<i32>} : memref<80x128xf32, #tpu.memory_space<vmem>>, vector<1x16xf32>,
        %get3A_438 = vector.shape_cast %get3A_437 : vector<1x16xf32> to vector<16xf32>
        %add3A_439 = arith.addf %get3A_434, %get3A_438 : vector<16xf32>
        %max3A_440 = arith.constant 0.000000e+00 : f32
        %max3A_441 = vector.broadcast %max3A_440 : f32 to vector<16xf32>
        %max3A_442 = arith.maximumf %add3A_439, %max3A_441 : vector<16xf32>
        %swap3A_443 = arith.index_cast %scan3A_363 : i32 to index
        %swap3A_444 = arith.constant 64 : index
        %swap3A_445 = tpu.vector_load %arg13[%swap3A_443, %swap3A_444] {strides = array<i32>} : memref<80x128xf32, #tpu.memory_space<vmem>>, vector<1x16xf32>,
        %swap3A_446 = vector.shape_cast %swap3A_445 : vector<1x16xf32> to vector<16xf32>
        %swap3A_447 = vector.shape_cast %max3A_442 : vector<16xf32> to vector<1x16xf32>
        tpu.vector_store %arg13[%swap3A_443, %swap3A_444], %swap3A_447 {strides = array<i32>} : memref<80x128xf32, #tpu.memory_space<vmem>>, vector<1x16xf32>,
        %get3A_448 = arith.index_cast %scan3A_363 : i32 to index
        %get3A_449 = arith.constant 80 : index
        %get3A_450 = tpu.vector_load %arg12[%get3A_448, %get3A_449] {strides = array<i32>} : memref<80x128xf32, #tpu.memory_space<vmem>>, vector<1x16xf32>,
        %get3A_451 = vector.shape_cast %get3A_450 : vector<1x16xf32> to vector<16xf32>
        %get3A_452 = arith.index_cast %scan3A_363 : i32 to index
        %get3A_453 = arith.constant 80 : index
        %get3A_454 = tpu.vector_load %arg13[%get3A_452, %get3A_453] {strides = array<i32>} : memref<80x128xf32, #tpu.memory_space<vmem>>, vector<1x16xf32>,
        %get3A_455 = vector.shape_cast %get3A_454 : vector<1x16xf32> to vector<16xf32>
        %add3A_456 = arith.addf %get3A_451, %get3A_455 : vector<16xf32>
        %max3A_457 = arith.constant 0.000000e+00 : f32
        %max3A_458 = vector.broadcast %max3A_457 : f32 to vector<16xf32>
        %max3A_459 = arith.maximumf %add3A_456, %max3A_458 : vector<16xf32>
        %swap3A_460 = arith.index_cast %scan3A_363 : i32 to index
        %swap3A_461 = arith.constant 80 : index
        %swap3A_462 = tpu.vector_load %arg13[%swap3A_460, %swap3A_461] {strides = array<i32>} : memref<80x128xf32, #tpu.memory_space<vmem>>, vector<1x16xf32>,
        %swap3A_463 = vector.shape_cast %swap3A_462 : vector<1x16xf32> to vector<16xf32>
        %swap3A_464 = vector.shape_cast %max3A_459 : vector<16xf32> to vector<1x16xf32>
        tpu.vector_store %arg13[%swap3A_460, %swap3A_461], %swap3A_464 {strides = array<i32>} : memref<80x128xf32, #tpu.memory_space<vmem>>, vector<1x16xf32>,
        %get3A_465 = arith.index_cast %scan3A_363 : i32 to index
        %get3A_466 = arith.constant 96 : index
        %get3A_467 = tpu.vector_load %arg12[%get3A_465, %get3A_466] {strides = array<i32>} : memref<80x128xf32, #tpu.memory_space<vmem>>, vector<1x16xf32>,
        %get3A_468 = vector.shape_cast %get3A_467 : vector<1x16xf32> to vector<16xf32>
        %get3A_469 = arith.index_cast %scan3A_363 : i32 to index
        %get3A_470 = arith.constant 96 : index
        %get3A_471 = tpu.vector_load %arg13[%get3A_469, %get3A_470] {strides = array<i32>} : memref<80x128xf32, #tpu.memory_space<vmem>>, vector<1x16xf32>,
        %get3A_472 = vector.shape_cast %get3A_471 : vector<1x16xf32> to vector<16xf32>
        %add3A_473 = arith.addf %get3A_468, %get3A_472 : vector<16xf32>
        %max3A_474 = arith.constant 0.000000e+00 : f32
        %max3A_475 = vector.broadcast %max3A_474 : f32 to vector<16xf32>
        %max3A_476 = arith.maximumf %add3A_473, %max3A_475 : vector<16xf32>
        %swap3A_477 = arith.index_cast %scan3A_363 : i32 to index
        %swap3A_478 = arith.constant 96 : index
        %swap3A_479 = tpu.vector_load %arg13[%swap3A_477, %swap3A_478] {strides = array<i32>} : memref<80x128xf32, #tpu.memory_space<vmem>>, vector<1x16xf32>,
        %swap3A_480 = vector.shape_cast %swap3A_479 : vector<1x16xf32> to vector<16xf32>
        %swap3A_481 = vector.shape_cast %max3A_476 : vector<16xf32> to vector<1x16xf32>
        tpu.vector_store %arg13[%swap3A_477, %swap3A_478], %swap3A_481 {strides = array<i32>} : memref<80x128xf32, #tpu.memory_space<vmem>>, vector<1x16xf32>,
        %get3A_482 = arith.index_cast %scan3A_363 : i32 to index
        %get3A_483 = arith.constant 112 : index
        %get3A_484 = tpu.vector_load %arg12[%get3A_482, %get3A_483] {strides = array<i32>} : memref<80x128xf32, #tpu.memory_space<vmem>>, vector<1x16xf32>,
        %get3A_485 = vector.shape_cast %get3A_484 : vector<1x16xf32> to vector<16xf32>
        %get3A_486 = arith.index_cast %scan3A_363 : i32 to index
        %get3A_487 = arith.constant 112 : index
        %get3A_488 = tpu.vector_load %arg13[%get3A_486, %get3A_487] {strides = array<i32>} : memref<80x128xf32, #tpu.memory_space<vmem>>, vector<1x16xf32>,
        %get3A_489 = vector.shape_cast %get3A_488 : vector<1x16xf32> to vector<16xf32>
        %add3A_490 = arith.addf %get3A_485, %get3A_489 : vector<16xf32>
        %max3A_491 = arith.constant 0.000000e+00 : f32
        %max3A_492 = vector.broadcast %max3A_491 : f32 to vector<16xf32>
        %max3A_493 = arith.maximumf %add3A_490, %max3A_492 : vector<16xf32>
        %swap3A_494 = arith.index_cast %scan3A_363 : i32 to index
        %swap3A_495 = arith.constant 112 : index
        %swap3A_496 = tpu.vector_load %arg13[%swap3A_494, %swap3A_495] {strides = array<i32>} : memref<80x128xf32, #tpu.memory_space<vmem>>, vector<1x16xf32>,
        %swap3A_497 = vector.shape_cast %swap3A_496 : vector<1x16xf32> to vector<16xf32>
        %swap3A_498 = vector.shape_cast %max3A_493 : vector<16xf32> to vector<1x16xf32>
        tpu.vector_store %arg13[%swap3A_494, %swap3A_495], %swap3A_498 {strides = array<i32>} : memref<80x128xf32, #tpu.memory_space<vmem>>, vector<1x16xf32>,
      }
      %scan3A_265 = arith.constant 80 : i32
      %gt3A = arith.constant 0 : i32
      %gt3A_266 = arith.cmpi sgt, %add3A_197, %gt3A : i32
      %convert_element_type3A_267 = arith.extui %gt3A_266 : i1 to i32
      %cond3A_268 = arith.constant 0 : i32
      %cond3A_269 = arith.cmpi ne, %convert_element_type3A_267, %cond3A_268 : i32
      scf.if %cond3A_269 {
        %dma_wait3A_363 = arith.constant 0 : i32
        %dma_wait3A_364 = arith.constant 0 : i32
        %dma_wait3A_365 = tpu.memref_slice %arg21[%dma_wait3A_363, %dma_wait3A_364] : memref<10000x128xf32, #tpu.memory_space<vmem_shared>> -> memref<10000x128xf32, #tpu.memory_space<vmem_shared>>
        tpu.wait_indirect_dma semaphore(%arg33 : memref<!tpu.dma_semaphore, #tpu.memory_space<semaphore_mem>>) src(%arg15 : memref<80x128xf32, #tpu.memory_space<vmem>>) dst(%dma_wait3A_365 : memref<10000x128xf32, #tpu.memory_space<vmem_shared>>)
        %dma_wait3A_366 = arith.constant 0 : i32
        %dma_wait3A_367 = tpu.memref_slice %arg22[%dma_wait3A_366] : memref<10000xf32, #tpu.memory_space<vmem_shared>> -> memref<10000xf32, #tpu.memory_space<vmem_shared>>
        tpu.wait_indirect_dma semaphore(%arg34 : memref<!tpu.dma_semaphore, #tpu.memory_space<semaphore_mem>>) src(%arg18 : memref<80xf32, #tpu.memory_space<vmem>>) dst(%dma_wait3A_367 : memref<10000xf32, #tpu.memory_space<vmem_shared>>)
      } else {
      }
      %dma_start3A_270 = arith.constant 0 : i32
      %dma_start3A_271 = arith.constant 0 : i32
      %dma_start3A_272 = tpu.memref_slice %arg3[%dma_start3A_270, %dma_start3A_271] : memref<10000x128xf32, #tpu.memory_space<hbm>> -> memref<10000x128xf32, #tpu.memory_space<hbm>>
      tpu.enqueue_indirect_dma source(%dma_start3A_272 : memref<10000x128xf32, #tpu.memory_space<hbm>>) target(%arg15 : memref<80x128xf32, #tpu.memory_space<vmem>>) offsets(%arg11 : memref<80xi32, #tpu.memory_space<vmem>>) semaphore(%arg26 : memref<!tpu.dma_semaphore, #tpu.memory_space<semaphore_mem>>)
      %dma_start3A_273 = arith.constant 0 : i32
      %dma_start3A_274 = arith.constant 0 : i32
      %dma_start3A_275 = tpu.memref_slice %arg21[%dma_start3A_273, %dma_start3A_274] : memref<10000x128xf32, #tpu.memory_space<vmem_shared>> -> memref<10000x128xf32, #tpu.memory_space<vmem_shared>>
      tpu.enqueue_indirect_dma source(%arg13 : memref<80x128xf32, #tpu.memory_space<vmem>>) target(%dma_start3A_275 : memref<10000x128xf32, #tpu.memory_space<vmem_shared>>) offsets(%arg16 : memref<80xi32, #tpu.memory_space<vmem>>) semaphore(%arg31 : memref<!tpu.dma_semaphore, #tpu.memory_space<semaphore_mem>>) {add = true}
      %dma_start3A_276 = arith.constant 0 : i32
      %dma_start3A_277 = tpu.memref_slice %arg22[%dma_start3A_276] : memref<10000xf32, #tpu.memory_space<vmem_shared>> -> memref<10000xf32, #tpu.memory_space<vmem_shared>>
      tpu.enqueue_indirect_dma source(%arg18 : memref<80xf32, #tpu.memory_space<vmem>>) target(%dma_start3A_277 : memref<10000xf32, #tpu.memory_space<vmem_shared>>) offsets(%arg16 : memref<80xi32, #tpu.memory_space<vmem>>) semaphore(%arg32 : memref<!tpu.dma_semaphore, #tpu.memory_space<semaphore_mem>>) {add = true}
      %mul3A_278 = arith.constant 2 : i32
      %mul3A_279 = arith.muli %mul3A_278, %scan3A_193 : i32
      %add3A_280 = arith.constant 1 : i32
      %add3A_281 = arith.addi %mul3A_279, %add3A_280 : i32
      %dma_wait3A_282 = arith.constant 0 : i32
      %dma_wait3A_283 = arith.constant 0 : i32
      %dma_wait3A_284 = tpu.memref_slice %arg2[%dma_wait3A_282, %dma_wait3A_283] : memref<10000x128xf32, #tpu.memory_space<hbm>> -> memref<10000x128xf32, #tpu.memory_space<hbm>>
      tpu.wait_indirect_dma semaphore(%arg25 : memref<!tpu.dma_semaphore, #tpu.memory_space<semaphore_mem>>) src(%dma_wait3A_284 : memref<10000x128xf32, #tpu.memory_space<hbm>>) dst(%arg14 : memref<80x128xf32, #tpu.memory_space<vmem>>)
      %dma_wait3A_285 = arith.constant 0 : i32
      %dma_wait3A_286 = arith.constant 0 : i32
      %dma_wait3A_287 = tpu.memref_slice %arg3[%dma_wait3A_285, %dma_wait3A_286] : memref<10000x128xf32, #tpu.memory_space<hbm>> -> memref<10000x128xf32, #tpu.memory_space<hbm>>
      tpu.wait_indirect_dma semaphore(%arg26 : memref<!tpu.dma_semaphore, #tpu.memory_space<semaphore_mem>>) src(%dma_wait3A_287 : memref<10000x128xf32, #tpu.memory_space<hbm>>) dst(%arg15 : memref<80x128xf32, #tpu.memory_space<vmem>>)
      %add3A_288 = arith.constant 1 : i32
      %add3A_289 = arith.addi %add3A_281, %add3A_288 : i32
      %mul3A_290 = arith.constant 80 : i32
      %mul3A_291 = arith.muli %add3A_289, %mul3A_290 : i32
      %add3A_292 = arith.addi %mul3A_2, %mul3A_291 : i32
      %dma_wait3A_293 = tpu.memref_slice %arg4[%add3A_292] : memref<320160xi32, #tpu.memory_space<hbm>> -> memref<80xi32, #tpu.memory_space<hbm>>
      %dma_wait3A_294 = tpu.memref_slice %arg4[%add3A_292] : memref<320160xi32, #tpu.memory_space<hbm>> -> memref<80xi32, #tpu.memory_space<hbm>>
      tpu.wait_dma2 semaphore(%arg27 : memref<!tpu.dma_semaphore, #tpu.memory_space<semaphore_mem>>) src(%dma_wait3A_294 : memref<80xi32, #tpu.memory_space<hbm>>) dst(%arg8 : memref<80xi32, #tpu.memory_space<vmem>>)
      %dma_wait3A_295 = tpu.memref_slice %arg5[%add3A_292] : memref<320160xi32, #tpu.memory_space<hbm>> -> memref<80xi32, #tpu.memory_space<hbm>>
      %dma_wait3A_296 = tpu.memref_slice %arg5[%add3A_292] : memref<320160xi32, #tpu.memory_space<hbm>> -> memref<80xi32, #tpu.memory_space<hbm>>
      tpu.wait_dma2 semaphore(%arg28 : memref<!tpu.dma_semaphore, #tpu.memory_space<semaphore_mem>>) src(%dma_wait3A_296 : memref<80xi32, #tpu.memory_space<hbm>>) dst(%arg9 : memref<80xi32, #tpu.memory_space<vmem>>)
      %dma_start3A_297 = arith.constant 0 : i32
      %dma_start3A_298 = arith.constant 0 : i32
      %dma_start3A_299 = tpu.memref_slice %arg2[%dma_start3A_297, %dma_start3A_298] : memref<10000x128xf32, #tpu.memory_space<hbm>> -> memref<10000x128xf32, #tpu.memory_space<hbm>>
      tpu.enqueue_indirect_dma source(%dma_start3A_299 : memref<10000x128xf32, #tpu.memory_space<hbm>>) target(%arg12 : memref<80x128xf32, #tpu.memory_space<vmem>>) offsets(%arg8 : memref<80xi32, #tpu.memory_space<vmem>>) semaphore(%arg23 : memref<!tpu.dma_semaphore, #tpu.memory_space<semaphore_mem>>)
      %get3A_300 = arith.constant 0 : index
      %get3A_301 = tpu.vector_load %arg11[%get3A_300] {strides = array<i32>} : memref<80xi32, #tpu.memory_space<vmem>>, vector<16xi32>,
      %get3A_302 = vector.shape_cast %get3A_301 : vector<16xi32> to vector<16xi32>
      %swap3A_303 = arith.constant 0 : index
      %swap3A_304 = tpu.vector_load %arg17[%swap3A_303] {strides = array<i32>} : memref<80xi32, #tpu.memory_space<vmem>>, vector<16xi32>,
      %swap3A_305 = vector.shape_cast %swap3A_304 : vector<16xi32> to vector<16xi32>
      %swap3A_306 = vector.shape_cast %get3A_302 : vector<16xi32> to vector<16xi32>
      tpu.vector_store %arg17[%swap3A_303], %swap3A_306 {strides = array<i32>} : memref<80xi32, #tpu.memory_space<vmem>>, vector<16xi32>,
      %get3A_307 = arith.constant 16 : index
      %get3A_308 = tpu.vector_load %arg11[%get3A_307] {strides = array<i32>} : memref<80xi32, #tpu.memory_space<vmem>>, vector<16xi32>,
      %get3A_309 = vector.shape_cast %get3A_308 : vector<16xi32> to vector<16xi32>
      %swap3A_310 = arith.constant 16 : index
      %swap3A_311 = tpu.vector_load %arg17[%swap3A_310] {strides = array<i32>} : memref<80xi32, #tpu.memory_space<vmem>>, vector<16xi32>,
      %swap3A_312 = vector.shape_cast %swap3A_311 : vector<16xi32> to vector<16xi32>
      %swap3A_313 = vector.shape_cast %get3A_309 : vector<16xi32> to vector<16xi32>
      tpu.vector_store %arg17[%swap3A_310], %swap3A_313 {strides = array<i32>} : memref<80xi32, #tpu.memory_space<vmem>>, vector<16xi32>,
      %get3A_314 = arith.constant 32 : index
      %get3A_315 = tpu.vector_load %arg11[%get3A_314] {strides = array<i32>} : memref<80xi32, #tpu.memory_space<vmem>>, vector<16xi32>,
      %get3A_316 = vector.shape_cast %get3A_315 : vector<16xi32> to vector<16xi32>
      %swap3A_317 = arith.constant 32 : index
      %swap3A_318 = tpu.vector_load %arg17[%swap3A_317] {strides = array<i32>} : memref<80xi32, #tpu.memory_space<vmem>>, vector<16xi32>,
      %swap3A_319 = vector.shape_cast %swap3A_318 : vector<16xi32> to vector<16xi32>
      %swap3A_320 = vector.shape_cast %get3A_316 : vector<16xi32> to vector<16xi32>
      tpu.vector_store %arg17[%swap3A_317], %swap3A_320 {strides = array<i32>} : memref<80xi32, #tpu.memory_space<vmem>>, vector<16xi32>,
      %get3A_321 = arith.constant 48 : index
      %get3A_322 = tpu.vector_load %arg11[%get3A_321] {strides = array<i32>} : memref<80xi32, #tpu.memory_space<vmem>>, vector<16xi32>,
      %get3A_323 = vector.shape_cast %get3A_322 : vector<16xi32> to vector<16xi32>
      %swap3A_324 = arith.constant 48 : index
      %swap3A_325 = tpu.vector_load %arg17[%swap3A_324] {strides = array<i32>} : memref<80xi32, #tpu.memory_space<vmem>>, vector<16xi32>,
      %swap3A_326 = vector.shape_cast %swap3A_325 : vector<16xi32> to vector<16xi32>
      %swap3A_327 = vector.shape_cast %get3A_323 : vector<16xi32> to vector<16xi32>
      tpu.vector_store %arg17[%swap3A_324], %swap3A_327 {strides = array<i32>} : memref<80xi32, #tpu.memory_space<vmem>>, vector<16xi32>,
      %get3A_328 = arith.constant 64 : index
      %get3A_329 = tpu.vector_load %arg11[%get3A_328] {strides = array<i32>} : memref<80xi32, #tpu.memory_space<vmem>>, vector<16xi32>,
      %get3A_330 = vector.shape_cast %get3A_329 : vector<16xi32> to vector<16xi32>
      %swap3A_331 = arith.constant 64 : index
      %swap3A_332 = tpu.vector_load %arg17[%swap3A_331] {strides = array<i32>} : memref<80xi32, #tpu.memory_space<vmem>>, vector<16xi32>,
      %swap3A_333 = vector.shape_cast %swap3A_332 : vector<16xi32> to vector<16xi32>
      %swap3A_334 = vector.shape_cast %get3A_330 : vector<16xi32> to vector<16xi32>
      tpu.vector_store %arg17[%swap3A_331], %swap3A_334 {strides = array<i32>} : memref<80xi32, #tpu.memory_space<vmem>>, vector<16xi32>,
      %add3A_335 = arith.constant 2 : i32
      %add3A_336 = arith.addi %add3A_281, %add3A_335 : i32
      %mul3A_337 = arith.constant 80 : i32
      %mul3A_338 = arith.muli %add3A_336, %mul3A_337 : i32
      %add3A_339 = arith.addi %mul3A_2, %mul3A_338 : i32
      %dma_start3A_340 = tpu.memref_slice %arg4[%add3A_339] : memref<320160xi32, #tpu.memory_space<hbm>> -> memref<80xi32, #tpu.memory_space<hbm>>
      %dma_start3A_341 = tpu.memref_slice %arg4[%add3A_339] : memref<320160xi32, #tpu.memory_space<hbm>> -> memref<80xi32, #tpu.memory_space<hbm>>
      tpu.enqueue_dma source(%dma_start3A_341 : memref<80xi32, #tpu.memory_space<hbm>>) target(%arg10 : memref<80xi32, #tpu.memory_space<vmem>>) target_semaphore(%arg29 : memref<!tpu.dma_semaphore, #tpu.memory_space<semaphore_mem>>)
      %dma_start3A_342 = tpu.memref_slice %arg5[%add3A_339] : memref<320160xi32, #tpu.memory_space<hbm>> -> memref<80xi32, #tpu.memory_space<hbm>>
      %dma_start3A_343 = tpu.memref_slice %arg5[%add3A_339] : memref<320160xi32, #tpu.memory_space<hbm>> -> memref<80xi32, #tpu.memory_space<hbm>>
      tpu.enqueue_dma source(%dma_start3A_343 : memref<80xi32, #tpu.memory_space<hbm>>) target(%arg11 : memref<80xi32, #tpu.memory_space<vmem>>) target_semaphore(%arg30 : memref<!tpu.dma_semaphore, #tpu.memory_space<semaphore_mem>>)
      %scan3A_344 = arith.constant 0 : i32
      %scan3A_345 = arith.constant 0 : i32
      %scan3A_346 = arith.constant 80 : i32
      %scan3A_347 = arith.addi %scan3A_345, %scan3A_346 : i32
      %scan3A_348 = arith.constant 1 : i32
      scf.for %scan3A_363 = %scan3A_345 to %scan3A_347 step %scan3A_348  : i32 {
        %get3A_364 = arith.index_cast %scan3A_363 : i32 to index
        %get3A_365 = arith.constant 0 : index
        %get3A_366 = tpu.vector_load %arg14[%get3A_364, %get3A_365] {strides = array<i32>} : memref<80x128xf32, #tpu.memory_space<vmem>>, vector<1x16xf32>,
        %get3A_367 = vector.shape_cast %get3A_366 : vector<1x16xf32> to vector<16xf32>
        %get3A_368 = arith.index_cast %scan3A_363 : i32 to index
        %get3A_369 = arith.constant 0 : index
        %get3A_370 = tpu.vector_load %arg15[%get3A_368, %get3A_369] {strides = array<i32>} : memref<80x128xf32, #tpu.memory_space<vmem>>, vector<1x16xf32>,
        %get3A_371 = vector.shape_cast %get3A_370 : vector<1x16xf32> to vector<16xf32>
        %add3A_372 = arith.addf %get3A_367, %get3A_371 : vector<16xf32>
        %max3A = arith.constant 0.000000e+00 : f32
        %max3A_373 = vector.broadcast %max3A : f32 to vector<16xf32>
        %max3A_374 = arith.maximumf %add3A_372, %max3A_373 : vector<16xf32>
        %swap3A_375 = arith.index_cast %scan3A_363 : i32 to index
        %swap3A_376 = arith.constant 0 : index
        %swap3A_377 = tpu.vector_load %arg15[%swap3A_375, %swap3A_376] {strides = array<i32>} : memref<80x128xf32, #tpu.memory_space<vmem>>, vector<1x16xf32>,
        %swap3A_378 = vector.shape_cast %swap3A_377 : vector<1x16xf32> to vector<16xf32>
        %swap3A_379 = vector.shape_cast %max3A_374 : vector<16xf32> to vector<1x16xf32>
        tpu.vector_store %arg15[%swap3A_375, %swap3A_376], %swap3A_379 {strides = array<i32>} : memref<80x128xf32, #tpu.memory_space<vmem>>, vector<1x16xf32>,
        %get3A_380 = arith.index_cast %scan3A_363 : i32 to index
        %get3A_381 = arith.constant 16 : index
        %get3A_382 = tpu.vector_load %arg14[%get3A_380, %get3A_381] {strides = array<i32>} : memref<80x128xf32, #tpu.memory_space<vmem>>, vector<1x16xf32>,
        %get3A_383 = vector.shape_cast %get3A_382 : vector<1x16xf32> to vector<16xf32>
        %get3A_384 = arith.index_cast %scan3A_363 : i32 to index
        %get3A_385 = arith.constant 16 : index
        %get3A_386 = tpu.vector_load %arg15[%get3A_384, %get3A_385] {strides = array<i32>} : memref<80x128xf32, #tpu.memory_space<vmem>>, vector<1x16xf32>,
        %get3A_387 = vector.shape_cast %get3A_386 : vector<1x16xf32> to vector<16xf32>
        %add3A_388 = arith.addf %get3A_383, %get3A_387 : vector<16xf32>
        %max3A_389 = arith.constant 0.000000e+00 : f32
        %max3A_390 = vector.broadcast %max3A_389 : f32 to vector<16xf32>
        %max3A_391 = arith.maximumf %add3A_388, %max3A_390 : vector<16xf32>
        %swap3A_392 = arith.index_cast %scan3A_363 : i32 to index
        %swap3A_393 = arith.constant 16 : index
        %swap3A_394 = tpu.vector_load %arg15[%swap3A_392, %swap3A_393] {strides = array<i32>} : memref<80x128xf32, #tpu.memory_space<vmem>>, vector<1x16xf32>,
        %swap3A_395 = vector.shape_cast %swap3A_394 : vector<1x16xf32> to vector<16xf32>
        %swap3A_396 = vector.shape_cast %max3A_391 : vector<16xf32> to vector<1x16xf32>
        tpu.vector_store %arg15[%swap3A_392, %swap3A_393], %swap3A_396 {strides = array<i32>} : memref<80x128xf32, #tpu.memory_space<vmem>>, vector<1x16xf32>,
        %get3A_397 = arith.index_cast %scan3A_363 : i32 to index
        %get3A_398 = arith.constant 32 : index
        %get3A_399 = tpu.vector_load %arg14[%get3A_397, %get3A_398] {strides = array<i32>} : memref<80x128xf32, #tpu.memory_space<vmem>>, vector<1x16xf32>,
        %get3A_400 = vector.shape_cast %get3A_399 : vector<1x16xf32> to vector<16xf32>
        %get3A_401 = arith.index_cast %scan3A_363 : i32 to index
        %get3A_402 = arith.constant 32 : index
        %get3A_403 = tpu.vector_load %arg15[%get3A_401, %get3A_402] {strides = array<i32>} : memref<80x128xf32, #tpu.memory_space<vmem>>, vector<1x16xf32>,
        %get3A_404 = vector.shape_cast %get3A_403 : vector<1x16xf32> to vector<16xf32>
        %add3A_405 = arith.addf %get3A_400, %get3A_404 : vector<16xf32>
        %max3A_406 = arith.constant 0.000000e+00 : f32
        %max3A_407 = vector.broadcast %max3A_406 : f32 to vector<16xf32>
        %max3A_408 = arith.maximumf %add3A_405, %max3A_407 : vector<16xf32>
        %swap3A_409 = arith.index_cast %scan3A_363 : i32 to index
        %swap3A_410 = arith.constant 32 : index
        %swap3A_411 = tpu.vector_load %arg15[%swap3A_409, %swap3A_410] {strides = array<i32>} : memref<80x128xf32, #tpu.memory_space<vmem>>, vector<1x16xf32>,
        %swap3A_412 = vector.shape_cast %swap3A_411 : vector<1x16xf32> to vector<16xf32>
        %swap3A_413 = vector.shape_cast %max3A_408 : vector<16xf32> to vector<1x16xf32>
        tpu.vector_store %arg15[%swap3A_409, %swap3A_410], %swap3A_413 {strides = array<i32>} : memref<80x128xf32, #tpu.memory_space<vmem>>, vector<1x16xf32>,
        %get3A_414 = arith.index_cast %scan3A_363 : i32 to index
        %get3A_415 = arith.constant 48 : index
        %get3A_416 = tpu.vector_load %arg14[%get3A_414, %get3A_415] {strides = array<i32>} : memref<80x128xf32, #tpu.memory_space<vmem>>, vector<1x16xf32>,
        %get3A_417 = vector.shape_cast %get3A_416 : vector<1x16xf32> to vector<16xf32>
        %get3A_418 = arith.index_cast %scan3A_363 : i32 to index
        %get3A_419 = arith.constant 48 : index
        %get3A_420 = tpu.vector_load %arg15[%get3A_418, %get3A_419] {strides = array<i32>} : memref<80x128xf32, #tpu.memory_space<vmem>>, vector<1x16xf32>,
        %get3A_421 = vector.shape_cast %get3A_420 : vector<1x16xf32> to vector<16xf32>
        %add3A_422 = arith.addf %get3A_417, %get3A_421 : vector<16xf32>
        %max3A_423 = arith.constant 0.000000e+00 : f32
        %max3A_424 = vector.broadcast %max3A_423 : f32 to vector<16xf32>
        %max3A_425 = arith.maximumf %add3A_422, %max3A_424 : vector<16xf32>
        %swap3A_426 = arith.index_cast %scan3A_363 : i32 to index
        %swap3A_427 = arith.constant 48 : index
        %swap3A_428 = tpu.vector_load %arg15[%swap3A_426, %swap3A_427] {strides = array<i32>} : memref<80x128xf32, #tpu.memory_space<vmem>>, vector<1x16xf32>,
        %swap3A_429 = vector.shape_cast %swap3A_428 : vector<1x16xf32> to vector<16xf32>
        %swap3A_430 = vector.shape_cast %max3A_425 : vector<16xf32> to vector<1x16xf32>
        tpu.vector_store %arg15[%swap3A_426, %swap3A_427], %swap3A_430 {strides = array<i32>} : memref<80x128xf32, #tpu.memory_space<vmem>>, vector<1x16xf32>,
        %get3A_431 = arith.index_cast %scan3A_363 : i32 to index
        %get3A_432 = arith.constant 64 : index
        %get3A_433 = tpu.vector_load %arg14[%get3A_431, %get3A_432] {strides = array<i32>} : memref<80x128xf32, #tpu.memory_space<vmem>>, vector<1x16xf32>,
        %get3A_434 = vector.shape_cast %get3A_433 : vector<1x16xf32> to vector<16xf32>
        %get3A_435 = arith.index_cast %scan3A_363 : i32 to index
        %get3A_436 = arith.constant 64 : index
        %get3A_437 = tpu.vector_load %arg15[%get3A_435, %get3A_436] {strides = array<i32>} : memref<80x128xf32, #tpu.memory_space<vmem>>, vector<1x16xf32>,
        %get3A_438 = vector.shape_cast %get3A_437 : vector<1x16xf32> to vector<16xf32>
        %add3A_439 = arith.addf %get3A_434, %get3A_438 : vector<16xf32>
        %max3A_440 = arith.constant 0.000000e+00 : f32
        %max3A_441 = vector.broadcast %max3A_440 : f32 to vector<16xf32>
        %max3A_442 = arith.maximumf %add3A_439, %max3A_441 : vector<16xf32>
        %swap3A_443 = arith.index_cast %scan3A_363 : i32 to index
        %swap3A_444 = arith.constant 64 : index
        %swap3A_445 = tpu.vector_load %arg15[%swap3A_443, %swap3A_444] {strides = array<i32>} : memref<80x128xf32, #tpu.memory_space<vmem>>, vector<1x16xf32>,
        %swap3A_446 = vector.shape_cast %swap3A_445 : vector<1x16xf32> to vector<16xf32>
        %swap3A_447 = vector.shape_cast %max3A_442 : vector<16xf32> to vector<1x16xf32>
        tpu.vector_store %arg15[%swap3A_443, %swap3A_444], %swap3A_447 {strides = array<i32>} : memref<80x128xf32, #tpu.memory_space<vmem>>, vector<1x16xf32>,
        %get3A_448 = arith.index_cast %scan3A_363 : i32 to index
        %get3A_449 = arith.constant 80 : index
        %get3A_450 = tpu.vector_load %arg14[%get3A_448, %get3A_449] {strides = array<i32>} : memref<80x128xf32, #tpu.memory_space<vmem>>, vector<1x16xf32>,
        %get3A_451 = vector.shape_cast %get3A_450 : vector<1x16xf32> to vector<16xf32>
        %get3A_452 = arith.index_cast %scan3A_363 : i32 to index
        %get3A_453 = arith.constant 80 : index
        %get3A_454 = tpu.vector_load %arg15[%get3A_452, %get3A_453] {strides = array<i32>} : memref<80x128xf32, #tpu.memory_space<vmem>>, vector<1x16xf32>,
        %get3A_455 = vector.shape_cast %get3A_454 : vector<1x16xf32> to vector<16xf32>
        %add3A_456 = arith.addf %get3A_451, %get3A_455 : vector<16xf32>
        %max3A_457 = arith.constant 0.000000e+00 : f32
        %max3A_458 = vector.broadcast %max3A_457 : f32 to vector<16xf32>
        %max3A_459 = arith.maximumf %add3A_456, %max3A_458 : vector<16xf32>
        %swap3A_460 = arith.index_cast %scan3A_363 : i32 to index
        %swap3A_461 = arith.constant 80 : index
        %swap3A_462 = tpu.vector_load %arg15[%swap3A_460, %swap3A_461] {strides = array<i32>} : memref<80x128xf32, #tpu.memory_space<vmem>>, vector<1x16xf32>,
        %swap3A_463 = vector.shape_cast %swap3A_462 : vector<1x16xf32> to vector<16xf32>
        %swap3A_464 = vector.shape_cast %max3A_459 : vector<16xf32> to vector<1x16xf32>
        tpu.vector_store %arg15[%swap3A_460, %swap3A_461], %swap3A_464 {strides = array<i32>} : memref<80x128xf32, #tpu.memory_space<vmem>>, vector<1x16xf32>,
        %get3A_465 = arith.index_cast %scan3A_363 : i32 to index
        %get3A_466 = arith.constant 96 : index
        %get3A_467 = tpu.vector_load %arg14[%get3A_465, %get3A_466] {strides = array<i32>} : memref<80x128xf32, #tpu.memory_space<vmem>>, vector<1x16xf32>,
        %get3A_468 = vector.shape_cast %get3A_467 : vector<1x16xf32> to vector<16xf32>
        %get3A_469 = arith.index_cast %scan3A_363 : i32 to index
        %get3A_470 = arith.constant 96 : index
        %get3A_471 = tpu.vector_load %arg15[%get3A_469, %get3A_470] {strides = array<i32>} : memref<80x128xf32, #tpu.memory_space<vmem>>, vector<1x16xf32>,
        %get3A_472 = vector.shape_cast %get3A_471 : vector<1x16xf32> to vector<16xf32>
        %add3A_473 = arith.addf %get3A_468, %get3A_472 : vector<16xf32>
        %max3A_474 = arith.constant 0.000000e+00 : f32
        %max3A_475 = vector.broadcast %max3A_474 : f32 to vector<16xf32>
        %max3A_476 = arith.maximumf %add3A_473, %max3A_475 : vector<16xf32>
        %swap3A_477 = arith.index_cast %scan3A_363 : i32 to index
        %swap3A_478 = arith.constant 96 : index
        %swap3A_479 = tpu.vector_load %arg15[%swap3A_477, %swap3A_478] {strides = array<i32>} : memref<80x128xf32, #tpu.memory_space<vmem>>, vector<1x16xf32>,
        %swap3A_480 = vector.shape_cast %swap3A_479 : vector<1x16xf32> to vector<16xf32>
        %swap3A_481 = vector.shape_cast %max3A_476 : vector<16xf32> to vector<1x16xf32>
        tpu.vector_store %arg15[%swap3A_477, %swap3A_478], %swap3A_481 {strides = array<i32>} : memref<80x128xf32, #tpu.memory_space<vmem>>, vector<1x16xf32>,
        %get3A_482 = arith.index_cast %scan3A_363 : i32 to index
        %get3A_483 = arith.constant 112 : index
        %get3A_484 = tpu.vector_load %arg14[%get3A_482, %get3A_483] {strides = array<i32>} : memref<80x128xf32, #tpu.memory_space<vmem>>, vector<1x16xf32>,
        %get3A_485 = vector.shape_cast %get3A_484 : vector<1x16xf32> to vector<16xf32>
        %get3A_486 = arith.index_cast %scan3A_363 : i32 to index
        %get3A_487 = arith.constant 112 : index
        %get3A_488 = tpu.vector_load %arg15[%get3A_486, %get3A_487] {strides = array<i32>} : memref<80x128xf32, #tpu.memory_space<vmem>>, vector<1x16xf32>,
        %get3A_489 = vector.shape_cast %get3A_488 : vector<1x16xf32> to vector<16xf32>
        %add3A_490 = arith.addf %get3A_485, %get3A_489 : vector<16xf32>
        %max3A_491 = arith.constant 0.000000e+00 : f32
        %max3A_492 = vector.broadcast %max3A_491 : f32 to vector<16xf32>
        %max3A_493 = arith.maximumf %add3A_490, %max3A_492 : vector<16xf32>
        %swap3A_494 = arith.index_cast %scan3A_363 : i32 to index
        %swap3A_495 = arith.constant 112 : index
        %swap3A_496 = tpu.vector_load %arg15[%swap3A_494, %swap3A_495] {strides = array<i32>} : memref<80x128xf32, #tpu.memory_space<vmem>>, vector<1x16xf32>,
        %swap3A_497 = vector.shape_cast %swap3A_496 : vector<1x16xf32> to vector<16xf32>
        %swap3A_498 = vector.shape_cast %max3A_493 : vector<16xf32> to vector<1x16xf32>
        tpu.vector_store %arg15[%swap3A_494, %swap3A_495], %swap3A_498 {strides = array<i32>} : memref<80x128xf32, #tpu.memory_space<vmem>>, vector<1x16xf32>,
      }
      %scan3A_349 = arith.constant 80 : i32
      %gt3A_350 = arith.constant 0 : i32
      %gt3A_351 = arith.cmpi sgt, %add3A_281, %gt3A_350 : i32
      %convert_element_type3A_352 = arith.extui %gt3A_351 : i1 to i32
      %cond3A_353 = arith.constant 0 : i32
      %cond3A_354 = arith.cmpi ne, %convert_element_type3A_352, %cond3A_353 : i32
      scf.if %cond3A_354 {
        %dma_wait3A_363 = arith.constant 0 : i32
        %dma_wait3A_364 = arith.constant 0 : i32
        %dma_wait3A_365 = tpu.memref_slice %arg21[%dma_wait3A_363, %dma_wait3A_364] : memref<10000x128xf32, #tpu.memory_space<vmem_shared>> -> memref<10000x128xf32, #tpu.memory_space<vmem_shared>>
        tpu.wait_indirect_dma semaphore(%arg31 : memref<!tpu.dma_semaphore, #tpu.memory_space<semaphore_mem>>) src(%arg13 : memref<80x128xf32, #tpu.memory_space<vmem>>) dst(%dma_wait3A_365 : memref<10000x128xf32, #tpu.memory_space<vmem_shared>>)
        %dma_wait3A_366 = arith.constant 0 : i32
        %dma_wait3A_367 = tpu.memref_slice %arg22[%dma_wait3A_366] : memref<10000xf32, #tpu.memory_space<vmem_shared>> -> memref<10000xf32, #tpu.memory_space<vmem_shared>>
        tpu.wait_indirect_dma semaphore(%arg32 : memref<!tpu.dma_semaphore, #tpu.memory_space<semaphore_mem>>) src(%arg18 : memref<80xf32, #tpu.memory_space<vmem>>) dst(%dma_wait3A_367 : memref<10000xf32, #tpu.memory_space<vmem_shared>>)
      } else {
      }
      %dma_start3A_355 = arith.constant 0 : i32
      %dma_start3A_356 = arith.constant 0 : i32
      %dma_start3A_357 = tpu.memref_slice %arg3[%dma_start3A_355, %dma_start3A_356] : memref<10000x128xf32, #tpu.memory_space<hbm>> -> memref<10000x128xf32, #tpu.memory_space<hbm>>
      tpu.enqueue_indirect_dma source(%dma_start3A_357 : memref<10000x128xf32, #tpu.memory_space<hbm>>) target(%arg13 : memref<80x128xf32, #tpu.memory_space<vmem>>) offsets(%arg9 : memref<80xi32, #tpu.memory_space<vmem>>) semaphore(%arg24 : memref<!tpu.dma_semaphore, #tpu.memory_space<semaphore_mem>>)
      %dma_start3A_358 = arith.constant 0 : i32
      %dma_start3A_359 = arith.constant 0 : i32
      %dma_start3A_360 = tpu.memref_slice %arg21[%dma_start3A_358, %dma_start3A_359] : memref<10000x128xf32, #tpu.memory_space<vmem_shared>> -> memref<10000x128xf32, #tpu.memory_space<vmem_shared>>
      tpu.enqueue_indirect_dma source(%arg15 : memref<80x128xf32, #tpu.memory_space<vmem>>) target(%dma_start3A_360 : memref<10000x128xf32, #tpu.memory_space<vmem_shared>>) offsets(%arg17 : memref<80xi32, #tpu.memory_space<vmem>>) semaphore(%arg33 : memref<!tpu.dma_semaphore, #tpu.memory_space<semaphore_mem>>) {add = true}
      %dma_start3A_361 = arith.constant 0 : i32
      %dma_start3A_362 = tpu.memref_slice %arg22[%dma_start3A_361] : memref<10000xf32, #tpu.memory_space<vmem_shared>> -> memref<10000xf32, #tpu.memory_space<vmem_shared>>
      tpu.enqueue_indirect_dma source(%arg18 : memref<80xf32, #tpu.memory_space<vmem>>) target(%dma_start3A_362 : memref<10000xf32, #tpu.memory_space<vmem_shared>>) offsets(%arg17 : memref<80xi32, #tpu.memory_space<vmem>>) semaphore(%arg34 : memref<!tpu.dma_semaphore, #tpu.memory_space<semaphore_mem>>) {add = true}
    }
    %scan3A_113 = arith.constant 62 : i32
    %dma_wait3A_114 = arith.constant 0 : i32
    %dma_wait3A_115 = arith.constant 0 : i32
    %dma_wait3A_116 = tpu.memref_slice %arg2[%dma_wait3A_114, %dma_wait3A_115] : memref<10000x128xf32, #tpu.memory_space<hbm>> -> memref<10000x128xf32, #tpu.memory_space<hbm>>
    tpu.wait_indirect_dma semaphore(%arg23 : memref<!tpu.dma_semaphore, #tpu.memory_space<semaphore_mem>>) src(%dma_wait3A_116 : memref<10000x128xf32, #tpu.memory_space<hbm>>) dst(%arg12 : memref<80x128xf32, #tpu.memory_space<vmem>>)
    %dma_wait3A_117 = arith.constant 0 : i32
    %dma_wait3A_118 = arith.constant 0 : i32
    %dma_wait3A_119 = tpu.memref_slice %arg3[%dma_wait3A_117, %dma_wait3A_118] : memref<10000x128xf32, #tpu.memory_space<hbm>> -> memref<10000x128xf32, #tpu.memory_space<hbm>>
    tpu.wait_indirect_dma semaphore(%arg24 : memref<!tpu.dma_semaphore, #tpu.memory_space<semaphore_mem>>) src(%dma_wait3A_119 : memref<10000x128xf32, #tpu.memory_space<hbm>>) dst(%arg13 : memref<80x128xf32, #tpu.memory_space<vmem>>)
    %dma_wait3A_120 = arith.constant 0 : i32
    %dma_wait3A_121 = arith.constant 0 : i32
    %dma_wait3A_122 = tpu.memref_slice %arg21[%dma_wait3A_120, %dma_wait3A_121] : memref<10000x128xf32, #tpu.memory_space<vmem_shared>> -> memref<10000x128xf32, #tpu.memory_space<vmem_shared>>
    tpu.wait_indirect_dma semaphore(%arg33 : memref<!tpu.dma_semaphore, #tpu.memory_space<semaphore_mem>>) src(%arg15 : memref<80x128xf32, #tpu.memory_space<vmem>>) dst(%dma_wait3A_122 : memref<10000x128xf32, #tpu.memory_space<vmem_shared>>)
    %dma_wait3A_123 = arith.constant 0 : i32
    %dma_wait3A_124 = tpu.memref_slice %arg22[%dma_wait3A_123] : memref<10000xf32, #tpu.memory_space<vmem_shared>> -> memref<10000xf32, #tpu.memory_space<vmem_shared>>
    tpu.wait_indirect_dma semaphore(%arg34 : memref<!tpu.dma_semaphore, #tpu.memory_space<semaphore_mem>>) src(%arg18 : memref<80xf32, #tpu.memory_space<vmem>>) dst(%dma_wait3A_124 : memref<10000xf32, #tpu.memory_space<vmem_shared>>)
    %get3A = arith.constant 0 : index
    %get3A_125 = tpu.vector_load %arg9[%get3A] {strides = array<i32>} : memref<80xi32, #tpu.memory_space<vmem>>, vector<16xi32>,
    %get3A_126 = vector.shape_cast %get3A_125 : vector<16xi32> to vector<16xi32>
    %swap3A_127 = arith.constant 0 : index
    %swap3A_128 = tpu.vector_load %arg16[%swap3A_127] {strides = array<i32>} : memref<80xi32, #tpu.memory_space<vmem>>, vector<16xi32>,
    %swap3A_129 = vector.shape_cast %swap3A_128 : vector<16xi32> to vector<16xi32>
    %swap3A_130 = vector.shape_cast %get3A_126 : vector<16xi32> to vector<16xi32>
    tpu.vector_store %arg16[%swap3A_127], %swap3A_130 {strides = array<i32>} : memref<80xi32, #tpu.memory_space<vmem>>, vector<16xi32>,
    %get3A_131 = arith.constant 16 : index
    %get3A_132 = tpu.vector_load %arg9[%get3A_131] {strides = array<i32>} : memref<80xi32, #tpu.memory_space<vmem>>, vector<16xi32>,
    %get3A_133 = vector.shape_cast %get3A_132 : vector<16xi32> to vector<16xi32>
    %swap3A_134 = arith.constant 16 : index
    %swap3A_135 = tpu.vector_load %arg16[%swap3A_134] {strides = array<i32>} : memref<80xi32, #tpu.memory_space<vmem>>, vector<16xi32>,
    %swap3A_136 = vector.shape_cast %swap3A_135 : vector<16xi32> to vector<16xi32>
    %swap3A_137 = vector.shape_cast %get3A_133 : vector<16xi32> to vector<16xi32>
    tpu.vector_store %arg16[%swap3A_134], %swap3A_137 {strides = array<i32>} : memref<80xi32, #tpu.memory_space<vmem>>, vector<16xi32>,
    %get3A_138 = arith.constant 32 : index
    %get3A_139 = tpu.vector_load %arg9[%get3A_138] {strides = array<i32>} : memref<80xi32, #tpu.memory_space<vmem>>, vector<16xi32>,
    %get3A_140 = vector.shape_cast %get3A_139 : vector<16xi32> to vector<16xi32>
    %swap3A_141 = arith.constant 32 : index
    %swap3A_142 = tpu.vector_load %arg16[%swap3A_141] {strides = array<i32>} : memref<80xi32, #tpu.memory_space<vmem>>, vector<16xi32>,
    %swap3A_143 = vector.shape_cast %swap3A_142 : vector<16xi32> to vector<16xi32>
    %swap3A_144 = vector.shape_cast %get3A_140 : vector<16xi32> to vector<16xi32>
    tpu.vector_store %arg16[%swap3A_141], %swap3A_144 {strides = array<i32>} : memref<80xi32, #tpu.memory_space<vmem>>, vector<16xi32>,
    %get3A_145 = arith.constant 48 : index
    %get3A_146 = tpu.vector_load %arg9[%get3A_145] {strides = array<i32>} : memref<80xi32, #tpu.memory_space<vmem>>, vector<16xi32>,
    %get3A_147 = vector.shape_cast %get3A_146 : vector<16xi32> to vector<16xi32>
    %swap3A_148 = arith.constant 48 : index
    %swap3A_149 = tpu.vector_load %arg16[%swap3A_148] {strides = array<i32>} : memref<80xi32, #tpu.memory_space<vmem>>, vector<16xi32>,
    %swap3A_150 = vector.shape_cast %swap3A_149 : vector<16xi32> to vector<16xi32>
    %swap3A_151 = vector.shape_cast %get3A_147 : vector<16xi32> to vector<16xi32>
    tpu.vector_store %arg16[%swap3A_148], %swap3A_151 {strides = array<i32>} : memref<80xi32, #tpu.memory_space<vmem>>, vector<16xi32>,
    %get3A_152 = arith.constant 64 : index
    %get3A_153 = tpu.vector_load %arg9[%get3A_152] {strides = array<i32>} : memref<80xi32, #tpu.memory_space<vmem>>, vector<16xi32>,
    %get3A_154 = vector.shape_cast %get3A_153 : vector<16xi32> to vector<16xi32>
    %swap3A_155 = arith.constant 64 : index
    %swap3A_156 = tpu.vector_load %arg16[%swap3A_155] {strides = array<i32>} : memref<80xi32, #tpu.memory_space<vmem>>, vector<16xi32>,
    %swap3A_157 = vector.shape_cast %swap3A_156 : vector<16xi32> to vector<16xi32>
    %swap3A_158 = vector.shape_cast %get3A_154 : vector<16xi32> to vector<16xi32>
    tpu.vector_store %arg16[%swap3A_155], %swap3A_158 {strides = array<i32>} : memref<80xi32, #tpu.memory_space<vmem>>, vector<16xi32>,
    %scan3A_159 = arith.constant 0 : i32
    %scan3A_160 = arith.constant 0 : i32
    %scan3A_161 = arith.constant 80 : i32
    %scan3A_162 = arith.addi %scan3A_160, %scan3A_161 : i32
    %scan3A_163 = arith.constant 1 : i32
    scf.for %scan3A_193 = %scan3A_160 to %scan3A_162 step %scan3A_163  : i32 {
      %get3A_194 = arith.index_cast %scan3A_193 : i32 to index
      %get3A_195 = arith.constant 0 : index
      %get3A_196 = tpu.vector_load %arg12[%get3A_194, %get3A_195] {strides = array<i32>} : memref<80x128xf32, #tpu.memory_space<vmem>>, vector<1x16xf32>,
      %get3A_197 = vector.shape_cast %get3A_196 : vector<1x16xf32> to vector<16xf32>
      %get3A_198 = arith.index_cast %scan3A_193 : i32 to index
      %get3A_199 = arith.constant 0 : index
      %get3A_200 = tpu.vector_load %arg13[%get3A_198, %get3A_199] {strides = array<i32>} : memref<80x128xf32, #tpu.memory_space<vmem>>, vector<1x16xf32>,
      %get3A_201 = vector.shape_cast %get3A_200 : vector<1x16xf32> to vector<16xf32>
      %add3A_202 = arith.addf %get3A_197, %get3A_201 : vector<16xf32>
      %max3A = arith.constant 0.000000e+00 : f32
      %max3A_203 = vector.broadcast %max3A : f32 to vector<16xf32>
      %max3A_204 = arith.maximumf %add3A_202, %max3A_203 : vector<16xf32>
      %swap3A_205 = arith.index_cast %scan3A_193 : i32 to index
      %swap3A_206 = arith.constant 0 : index
      %swap3A_207 = tpu.vector_load %arg13[%swap3A_205, %swap3A_206] {strides = array<i32>} : memref<80x128xf32, #tpu.memory_space<vmem>>, vector<1x16xf32>,
      %swap3A_208 = vector.shape_cast %swap3A_207 : vector<1x16xf32> to vector<16xf32>
      %swap3A_209 = vector.shape_cast %max3A_204 : vector<16xf32> to vector<1x16xf32>
      tpu.vector_store %arg13[%swap3A_205, %swap3A_206], %swap3A_209 {strides = array<i32>} : memref<80x128xf32, #tpu.memory_space<vmem>>, vector<1x16xf32>,
      %get3A_210 = arith.index_cast %scan3A_193 : i32 to index
      %get3A_211 = arith.constant 16 : index
      %get3A_212 = tpu.vector_load %arg12[%get3A_210, %get3A_211] {strides = array<i32>} : memref<80x128xf32, #tpu.memory_space<vmem>>, vector<1x16xf32>,
      %get3A_213 = vector.shape_cast %get3A_212 : vector<1x16xf32> to vector<16xf32>
      %get3A_214 = arith.index_cast %scan3A_193 : i32 to index
      %get3A_215 = arith.constant 16 : index
      %get3A_216 = tpu.vector_load %arg13[%get3A_214, %get3A_215] {strides = array<i32>} : memref<80x128xf32, #tpu.memory_space<vmem>>, vector<1x16xf32>,
      %get3A_217 = vector.shape_cast %get3A_216 : vector<1x16xf32> to vector<16xf32>
      %add3A_218 = arith.addf %get3A_213, %get3A_217 : vector<16xf32>
      %max3A_219 = arith.constant 0.000000e+00 : f32
      %max3A_220 = vector.broadcast %max3A_219 : f32 to vector<16xf32>
      %max3A_221 = arith.maximumf %add3A_218, %max3A_220 : vector<16xf32>
      %swap3A_222 = arith.index_cast %scan3A_193 : i32 to index
      %swap3A_223 = arith.constant 16 : index
      %swap3A_224 = tpu.vector_load %arg13[%swap3A_222, %swap3A_223] {strides = array<i32>} : memref<80x128xf32, #tpu.memory_space<vmem>>, vector<1x16xf32>,
      %swap3A_225 = vector.shape_cast %swap3A_224 : vector<1x16xf32> to vector<16xf32>
      %swap3A_226 = vector.shape_cast %max3A_221 : vector<16xf32> to vector<1x16xf32>
      tpu.vector_store %arg13[%swap3A_222, %swap3A_223], %swap3A_226 {strides = array<i32>} : memref<80x128xf32, #tpu.memory_space<vmem>>, vector<1x16xf32>,
      %get3A_227 = arith.index_cast %scan3A_193 : i32 to index
      %get3A_228 = arith.constant 32 : index
      %get3A_229 = tpu.vector_load %arg12[%get3A_227, %get3A_228] {strides = array<i32>} : memref<80x128xf32, #tpu.memory_space<vmem>>, vector<1x16xf32>,
      %get3A_230 = vector.shape_cast %get3A_229 : vector<1x16xf32> to vector<16xf32>
      %get3A_231 = arith.index_cast %scan3A_193 : i32 to index
      %get3A_232 = arith.constant 32 : index
      %get3A_233 = tpu.vector_load %arg13[%get3A_231, %get3A_232] {strides = array<i32>} : memref<80x128xf32, #tpu.memory_space<vmem>>, vector<1x16xf32>,
      %get3A_234 = vector.shape_cast %get3A_233 : vector<1x16xf32> to vector<16xf32>
      %add3A_235 = arith.addf %get3A_230, %get3A_234 : vector<16xf32>
      %max3A_236 = arith.constant 0.000000e+00 : f32
      %max3A_237 = vector.broadcast %max3A_236 : f32 to vector<16xf32>
      %max3A_238 = arith.maximumf %add3A_235, %max3A_237 : vector<16xf32>
      %swap3A_239 = arith.index_cast %scan3A_193 : i32 to index
      %swap3A_240 = arith.constant 32 : index
      %swap3A_241 = tpu.vector_load %arg13[%swap3A_239, %swap3A_240] {strides = array<i32>} : memref<80x128xf32, #tpu.memory_space<vmem>>, vector<1x16xf32>,
      %swap3A_242 = vector.shape_cast %swap3A_241 : vector<1x16xf32> to vector<16xf32>
      %swap3A_243 = vector.shape_cast %max3A_238 : vector<16xf32> to vector<1x16xf32>
      tpu.vector_store %arg13[%swap3A_239, %swap3A_240], %swap3A_243 {strides = array<i32>} : memref<80x128xf32, #tpu.memory_space<vmem>>, vector<1x16xf32>,
      %get3A_244 = arith.index_cast %scan3A_193 : i32 to index
      %get3A_245 = arith.constant 48 : index
      %get3A_246 = tpu.vector_load %arg12[%get3A_244, %get3A_245] {strides = array<i32>} : memref<80x128xf32, #tpu.memory_space<vmem>>, vector<1x16xf32>,
      %get3A_247 = vector.shape_cast %get3A_246 : vector<1x16xf32> to vector<16xf32>
      %get3A_248 = arith.index_cast %scan3A_193 : i32 to index
      %get3A_249 = arith.constant 48 : index
      %get3A_250 = tpu.vector_load %arg13[%get3A_248, %get3A_249] {strides = array<i32>} : memref<80x128xf32, #tpu.memory_space<vmem>>, vector<1x16xf32>,
      %get3A_251 = vector.shape_cast %get3A_250 : vector<1x16xf32> to vector<16xf32>
      %add3A_252 = arith.addf %get3A_247, %get3A_251 : vector<16xf32>
      %max3A_253 = arith.constant 0.000000e+00 : f32
      %max3A_254 = vector.broadcast %max3A_253 : f32 to vector<16xf32>
      %max3A_255 = arith.maximumf %add3A_252, %max3A_254 : vector<16xf32>
      %swap3A_256 = arith.index_cast %scan3A_193 : i32 to index
      %swap3A_257 = arith.constant 48 : index
      %swap3A_258 = tpu.vector_load %arg13[%swap3A_256, %swap3A_257] {strides = array<i32>} : memref<80x128xf32, #tpu.memory_space<vmem>>, vector<1x16xf32>,
      %swap3A_259 = vector.shape_cast %swap3A_258 : vector<1x16xf32> to vector<16xf32>
      %swap3A_260 = vector.shape_cast %max3A_255 : vector<16xf32> to vector<1x16xf32>
      tpu.vector_store %arg13[%swap3A_256, %swap3A_257], %swap3A_260 {strides = array<i32>} : memref<80x128xf32, #tpu.memory_space<vmem>>, vector<1x16xf32>,
      %get3A_261 = arith.index_cast %scan3A_193 : i32 to index
      %get3A_262 = arith.constant 64 : index
      %get3A_263 = tpu.vector_load %arg12[%get3A_261, %get3A_262] {strides = array<i32>} : memref<80x128xf32, #tpu.memory_space<vmem>>, vector<1x16xf32>,
      %get3A_264 = vector.shape_cast %get3A_263 : vector<1x16xf32> to vector<16xf32>
      %get3A_265 = arith.index_cast %scan3A_193 : i32 to index
      %get3A_266 = arith.constant 64 : index
      %get3A_267 = tpu.vector_load %arg13[%get3A_265, %get3A_266] {strides = array<i32>} : memref<80x128xf32, #tpu.memory_space<vmem>>, vector<1x16xf32>,
      %get3A_268 = vector.shape_cast %get3A_267 : vector<1x16xf32> to vector<16xf32>
      %add3A_269 = arith.addf %get3A_264, %get3A_268 : vector<16xf32>
      %max3A_270 = arith.constant 0.000000e+00 : f32
      %max3A_271 = vector.broadcast %max3A_270 : f32 to vector<16xf32>
      %max3A_272 = arith.maximumf %add3A_269, %max3A_271 : vector<16xf32>
      %swap3A_273 = arith.index_cast %scan3A_193 : i32 to index
      %swap3A_274 = arith.constant 64 : index
      %swap3A_275 = tpu.vector_load %arg13[%swap3A_273, %swap3A_274] {strides = array<i32>} : memref<80x128xf32, #tpu.memory_space<vmem>>, vector<1x16xf32>,
      %swap3A_276 = vector.shape_cast %swap3A_275 : vector<1x16xf32> to vector<16xf32>
      %swap3A_277 = vector.shape_cast %max3A_272 : vector<16xf32> to vector<1x16xf32>
      tpu.vector_store %arg13[%swap3A_273, %swap3A_274], %swap3A_277 {strides = array<i32>} : memref<80x128xf32, #tpu.memory_space<vmem>>, vector<1x16xf32>,
      %get3A_278 = arith.index_cast %scan3A_193 : i32 to index
      %get3A_279 = arith.constant 80 : index
      %get3A_280 = tpu.vector_load %arg12[%get3A_278, %get3A_279] {strides = array<i32>} : memref<80x128xf32, #tpu.memory_space<vmem>>, vector<1x16xf32>,
      %get3A_281 = vector.shape_cast %get3A_280 : vector<1x16xf32> to vector<16xf32>
      %get3A_282 = arith.index_cast %scan3A_193 : i32 to index
      %get3A_283 = arith.constant 80 : index
      %get3A_284 = tpu.vector_load %arg13[%get3A_282, %get3A_283] {strides = array<i32>} : memref<80x128xf32, #tpu.memory_space<vmem>>, vector<1x16xf32>,
      %get3A_285 = vector.shape_cast %get3A_284 : vector<1x16xf32> to vector<16xf32>
      %add3A_286 = arith.addf %get3A_281, %get3A_285 : vector<16xf32>
      %max3A_287 = arith.constant 0.000000e+00 : f32
      %max3A_288 = vector.broadcast %max3A_287 : f32 to vector<16xf32>
      %max3A_289 = arith.maximumf %add3A_286, %max3A_288 : vector<16xf32>
      %swap3A_290 = arith.index_cast %scan3A_193 : i32 to index
      %swap3A_291 = arith.constant 80 : index
      %swap3A_292 = tpu.vector_load %arg13[%swap3A_290, %swap3A_291] {strides = array<i32>} : memref<80x128xf32, #tpu.memory_space<vmem>>, vector<1x16xf32>,
      %swap3A_293 = vector.shape_cast %swap3A_292 : vector<1x16xf32> to vector<16xf32>
      %swap3A_294 = vector.shape_cast %max3A_289 : vector<16xf32> to vector<1x16xf32>
      tpu.vector_store %arg13[%swap3A_290, %swap3A_291], %swap3A_294 {strides = array<i32>} : memref<80x128xf32, #tpu.memory_space<vmem>>, vector<1x16xf32>,
      %get3A_295 = arith.index_cast %scan3A_193 : i32 to index
      %get3A_296 = arith.constant 96 : index
      %get3A_297 = tpu.vector_load %arg12[%get3A_295, %get3A_296] {strides = array<i32>} : memref<80x128xf32, #tpu.memory_space<vmem>>, vector<1x16xf32>,
      %get3A_298 = vector.shape_cast %get3A_297 : vector<1x16xf32> to vector<16xf32>
      %get3A_299 = arith.index_cast %scan3A_193 : i32 to index
      %get3A_300 = arith.constant 96 : index
      %get3A_301 = tpu.vector_load %arg13[%get3A_299, %get3A_300] {strides = array<i32>} : memref<80x128xf32, #tpu.memory_space<vmem>>, vector<1x16xf32>,
      %get3A_302 = vector.shape_cast %get3A_301 : vector<1x16xf32> to vector<16xf32>
      %add3A_303 = arith.addf %get3A_298, %get3A_302 : vector<16xf32>
      %max3A_304 = arith.constant 0.000000e+00 : f32
      %max3A_305 = vector.broadcast %max3A_304 : f32 to vector<16xf32>
      %max3A_306 = arith.maximumf %add3A_303, %max3A_305 : vector<16xf32>
      %swap3A_307 = arith.index_cast %scan3A_193 : i32 to index
      %swap3A_308 = arith.constant 96 : index
      %swap3A_309 = tpu.vector_load %arg13[%swap3A_307, %swap3A_308] {strides = array<i32>} : memref<80x128xf32, #tpu.memory_space<vmem>>, vector<1x16xf32>,
      %swap3A_310 = vector.shape_cast %swap3A_309 : vector<1x16xf32> to vector<16xf32>
      %swap3A_311 = vector.shape_cast %max3A_306 : vector<16xf32> to vector<1x16xf32>
      tpu.vector_store %arg13[%swap3A_307, %swap3A_308], %swap3A_311 {strides = array<i32>} : memref<80x128xf32, #tpu.memory_space<vmem>>, vector<1x16xf32>,
      %get3A_312 = arith.index_cast %scan3A_193 : i32 to index
      %get3A_313 = arith.constant 112 : index
      %get3A_314 = tpu.vector_load %arg12[%get3A_312, %get3A_313] {strides = array<i32>} : memref<80x128xf32, #tpu.memory_space<vmem>>, vector<1x16xf32>,
      %get3A_315 = vector.shape_cast %get3A_314 : vector<1x16xf32> to vector<16xf32>
      %get3A_316 = arith.index_cast %scan3A_193 : i32 to index
      %get3A_317 = arith.constant 112 : index
      %get3A_318 = tpu.vector_load %arg13[%get3A_316, %get3A_317] {strides = array<i32>} : memref<80x128xf32, #tpu.memory_space<vmem>>, vector<1x16xf32>,
      %get3A_319 = vector.shape_cast %get3A_318 : vector<1x16xf32> to vector<16xf32>
      %add3A_320 = arith.addf %get3A_315, %get3A_319 : vector<16xf32>
      %max3A_321 = arith.constant 0.000000e+00 : f32
      %max3A_322 = vector.broadcast %max3A_321 : f32 to vector<16xf32>
      %max3A_323 = arith.maximumf %add3A_320, %max3A_322 : vector<16xf32>
      %swap3A_324 = arith.index_cast %scan3A_193 : i32 to index
      %swap3A_325 = arith.constant 112 : index
      %swap3A_326 = tpu.vector_load %arg13[%swap3A_324, %swap3A_325] {strides = array<i32>} : memref<80x128xf32, #tpu.memory_space<vmem>>, vector<1x16xf32>,
      %swap3A_327 = vector.shape_cast %swap3A_326 : vector<1x16xf32> to vector<16xf32>
      %swap3A_328 = vector.shape_cast %max3A_323 : vector<16xf32> to vector<1x16xf32>
      tpu.vector_store %arg13[%swap3A_324, %swap3A_325], %swap3A_328 {strides = array<i32>} : memref<80x128xf32, #tpu.memory_space<vmem>>, vector<1x16xf32>,
    }
    %scan3A_164 = arith.constant 80 : i32
    %dma_start3A_165 = arith.constant 0 : i32
    %dma_start3A_166 = arith.constant 0 : i32
    %dma_start3A_167 = tpu.memref_slice %arg21[%dma_start3A_165, %dma_start3A_166] : memref<10000x128xf32, #tpu.memory_space<vmem_shared>> -> memref<10000x128xf32, #tpu.memory_space<vmem_shared>>
    tpu.enqueue_indirect_dma source(%arg13 : memref<80x128xf32, #tpu.memory_space<vmem>>) target(%dma_start3A_167 : memref<10000x128xf32, #tpu.memory_space<vmem_shared>>) offsets(%arg16 : memref<80xi32, #tpu.memory_space<vmem>>) semaphore(%arg31 : memref<!tpu.dma_semaphore, #tpu.memory_space<semaphore_mem>>) {add = true}
    %dma_start3A_168 = arith.constant 0 : i32
    %dma_start3A_169 = tpu.memref_slice %arg22[%dma_start3A_168] : memref<10000xf32, #tpu.memory_space<vmem_shared>> -> memref<10000xf32, #tpu.memory_space<vmem_shared>>
    tpu.enqueue_indirect_dma source(%arg18 : memref<80xf32, #tpu.memory_space<vmem>>) target(%dma_start3A_169 : memref<10000xf32, #tpu.memory_space<vmem_shared>>) offsets(%arg16 : memref<80xi32, #tpu.memory_space<vmem>>) semaphore(%arg32 : memref<!tpu.dma_semaphore, #tpu.memory_space<semaphore_mem>>) {add = true}
    %dma_wait3A_170 = arith.constant 0 : i32
    %dma_wait3A_171 = arith.constant 0 : i32
    %dma_wait3A_172 = tpu.memref_slice %arg21[%dma_wait3A_170, %dma_wait3A_171] : memref<10000x128xf32, #tpu.memory_space<vmem_shared>> -> memref<10000x128xf32, #tpu.memory_space<vmem_shared>>
    tpu.wait_indirect_dma semaphore(%arg31 : memref<!tpu.dma_semaphore, #tpu.memory_space<semaphore_mem>>) src(%arg13 : memref<80x128xf32, #tpu.memory_space<vmem>>) dst(%dma_wait3A_172 : memref<10000x128xf32, #tpu.memory_space<vmem_shared>>)
    %dma_wait3A_173 = arith.constant 0 : i32
    %dma_wait3A_174 = tpu.memref_slice %arg22[%dma_wait3A_173] : memref<10000xf32, #tpu.memory_space<vmem_shared>> -> memref<10000xf32, #tpu.memory_space<vmem_shared>>
    tpu.wait_indirect_dma semaphore(%arg32 : memref<!tpu.dma_semaphore, #tpu.memory_space<semaphore_mem>>) src(%arg18 : memref<80xf32, #tpu.memory_space<vmem>>) dst(%dma_wait3A_174 : memref<10000xf32, #tpu.memory_space<vmem_shared>>)
    %add3A_175 = arith.constant 10000 : i32
    %add3A_176 = arith.addi %mul3A_2, %add3A_175 : i32
    %dma_wait3A_177 = tpu.memref_slice %arg4[%add3A_176] : memref<320160xi32, #tpu.memory_space<hbm>> -> memref<80xi32, #tpu.memory_space<hbm>>
    %dma_wait3A_178 = tpu.memref_slice %arg4[%add3A_176] : memref<320160xi32, #tpu.memory_space<hbm>> -> memref<80xi32, #tpu.memory_space<hbm>>
    tpu.wait_dma2 semaphore(%arg29 : memref<!tpu.dma_semaphore, #tpu.memory_space<semaphore_mem>>) src(%dma_wait3A_178 : memref<80xi32, #tpu.memory_space<hbm>>) dst(%arg10 : memref<80xi32, #tpu.memory_space<vmem>>)
    %dma_wait3A_179 = tpu.memref_slice %arg5[%add3A_176] : memref<320160xi32, #tpu.memory_space<hbm>> -> memref<80xi32, #tpu.memory_space<hbm>>
    %dma_wait3A_180 = tpu.memref_slice %arg5[%add3A_176] : memref<320160xi32, #tpu.memory_space<hbm>> -> memref<80xi32, #tpu.memory_space<hbm>>
    tpu.wait_dma2 semaphore(%arg30 : memref<!tpu.dma_semaphore, #tpu.memory_space<semaphore_mem>>) src(%dma_wait3A_180 : memref<80xi32, #tpu.memory_space<hbm>>) dst(%arg11 : memref<80xi32, #tpu.memory_space<vmem>>)
    %barrier3A_181 = arith.constant 0 : index
    tpu.barrier barrier_id(%barrier3A_181)
    %mul3A_182 = arith.constant 10000 : i32
    %mul3A_183 = arith.muli %arg0, %mul3A_182 : i32
    %add3A_184 = arith.addi %mul3A_183, %mul3A_51 : i32
    "tpu.region"() ({
      %run_scoped3A = tpu.sem_alloc : memref<!tpu.dma_semaphore, #tpu.memory_space<semaphore_mem>>
      %dma_start3A_193 = arith.constant 0 : i32
      %dma_start3A_194 = tpu.memref_slice %arg6[%add3A_184, %dma_start3A_193] : memref<20000x128xf32, #tpu.memory_space<hbm>> -> memref<624x128xf32, #tpu.memory_space<hbm>>
      %dma_start3A_195 = arith.constant 0 : i32
      %dma_start3A_196 = tpu.memref_slice %arg21[%mul3A_51, %dma_start3A_195] : memref<10000x128xf32, #tpu.memory_space<vmem_shared>> -> memref<624x128xf32, #tpu.memory_space<vmem_shared>>
      tpu.enqueue_dma source(%dma_start3A_196 : memref<624x128xf32, #tpu.memory_space<vmem_shared>>) target(%dma_start3A_194 : memref<624x128xf32, #tpu.memory_space<hbm>>) target_semaphore(%run_scoped3A : memref<!tpu.dma_semaphore, #tpu.memory_space<semaphore_mem>>)
      %dma_wait3A_197 = arith.constant 0 : i32
      %dma_wait3A_198 = tpu.memref_slice %arg6[%add3A_184, %dma_wait3A_197] : memref<20000x128xf32, #tpu.memory_space<hbm>> -> memref<624x128xf32, #tpu.memory_space<hbm>>
      %dma_wait3A_199 = arith.constant 0 : i32
      %dma_wait3A_200 = tpu.memref_slice %arg21[%mul3A_51, %dma_wait3A_199] : memref<10000x128xf32, #tpu.memory_space<vmem_shared>> -> memref<624x128xf32, #tpu.memory_space<vmem_shared>>
      tpu.wait_dma2 semaphore(%run_scoped3A : memref<!tpu.dma_semaphore, #tpu.memory_space<semaphore_mem>>) src(%dma_wait3A_200 : memref<624x128xf32, #tpu.memory_space<vmem_shared>>) dst(%dma_wait3A_198 : memref<624x128xf32, #tpu.memory_space<hbm>>)
      tpu.yield
    }) : () -> ()
    "tpu.region"() ({
      %run_scoped3A = tpu.sem_alloc : memref<!tpu.dma_semaphore, #tpu.memory_space<semaphore_mem>>
      %dma_start3A_193 = tpu.memref_slice %arg22[%mul3A_51] : memref<10000xf32, #tpu.memory_space<vmem_shared>> -> memref<624xf32, #tpu.memory_space<vmem_shared>>
      %dma_start3A_194 = tpu.memref_slice %arg22[%mul3A_51] : memref<10000xf32, #tpu.memory_space<vmem_shared>> -> memref<624xf32, #tpu.memory_space<vmem_shared>>
      tpu.enqueue_dma source(%dma_start3A_194 : memref<624xf32, #tpu.memory_space<vmem_shared>>) target(%arg20 : memref<624xf32, #tpu.memory_space<vmem>>) target_semaphore(%run_scoped3A : memref<!tpu.dma_semaphore, #tpu.memory_space<semaphore_mem>>)
      %dma_wait3A_195 = tpu.memref_slice %arg22[%mul3A_51] : memref<10000xf32, #tpu.memory_space<vmem_shared>> -> memref<624xf32, #tpu.memory_space<vmem_shared>>
      %dma_wait3A_196 = tpu.memref_slice %arg22[%mul3A_51] : memref<10000xf32, #tpu.memory_space<vmem_shared>> -> memref<624xf32, #tpu.memory_space<vmem_shared>>
      tpu.wait_dma2 semaphore(%run_scoped3A : memref<!tpu.dma_semaphore, #tpu.memory_space<semaphore_mem>>) src(%dma_wait3A_196 : memref<624xf32, #tpu.memory_space<vmem_shared>>) dst(%arg20 : memref<624xf32, #tpu.memory_space<vmem>>)
      tpu.yield
    }) : () -> ()
    %mul3A_185 = arith.constant 10000 : i32
    %mul3A_186 = arith.muli %arg0, %mul3A_185 : i32
    %add3A_187 = arith.addi %mul3A_186, %mul3A_51 : i32
    "tpu.region"() ({
      %run_scoped3A = tpu.sem_alloc : memref<!tpu.dma_semaphore, #tpu.memory_space<semaphore_mem>>
      %dma_start3A_193 = tpu.memref_slice %arg7[%add3A_187] : memref<20000xf32, #tpu.memory_space<hbm>> -> memref<624xf32, #tpu.memory_space<hbm>>
      %dma_start3A_194 = tpu.memref_slice %arg7[%add3A_187] : memref<20000xf32, #tpu.memory_space<hbm>> -> memref<624xf32, #tpu.memory_space<hbm>>
      tpu.enqueue_dma source(%arg20 : memref<624xf32, #tpu.memory_space<vmem>>) target(%dma_start3A_194 : memref<624xf32, #tpu.memory_space<hbm>>) target_semaphore(%run_scoped3A : memref<!tpu.dma_semaphore, #tpu.memory_space<semaphore_mem>>)
      %dma_wait3A_195 = tpu.memref_slice %arg7[%add3A_187] : memref<20000xf32, #tpu.memory_space<hbm>> -> memref<624xf32, #tpu.memory_space<hbm>>
      %dma_wait3A_196 = tpu.memref_slice %arg7[%add3A_187] : memref<20000xf32, #tpu.memory_space<hbm>> -> memref<624xf32, #tpu.memory_space<hbm>>
      tpu.wait_dma2 semaphore(%run_scoped3A : memref<!tpu.dma_semaphore, #tpu.memory_space<semaphore_mem>>) src(%arg20 : memref<624xf32, #tpu.memory_space<vmem>>) dst(%dma_wait3A_196 : memref<624xf32, #tpu.memory_space<hbm>>)
      tpu.yield
    }) : () -> ()
    %eq3A_188 = arith.constant 15 : i32
    %eq3A_189 = arith.cmpi eq, %arg1, %eq3A_188 : i32
    %convert_element_type3A_190 = arith.extui %eq3A_189 : i1 to i32
    %cond3A_191 = arith.constant 0 : i32
    %cond3A_192 = arith.cmpi ne, %convert_element_type3A_190, %cond3A_191 : i32
    scf.if %cond3A_192 {
      %mul3A_193 = arith.constant 10000 : i32
      %mul3A_194 = arith.muli %arg0, %mul3A_193 : i32
      %add3A_195 = arith.constant 9984 : i32
      %add3A_196 = arith.addi %mul3A_194, %add3A_195 : i32
      "tpu.region"() ({
        %run_scoped3A = tpu.sem_alloc : memref<!tpu.dma_semaphore, #tpu.memory_space<semaphore_mem>>
        %dma_start3A_201 = arith.constant 0 : i32
        %dma_start3A_202 = tpu.memref_slice %arg6[%add3A_196, %dma_start3A_201] : memref<20000x128xf32, #tpu.memory_space<hbm>> -> memref<16x128xf32, #tpu.memory_space<hbm>>
        %dma_start3A_203 = arith.constant 9984 : i32
        %dma_start3A_204 = arith.constant 0 : i32
        %dma_start3A_205 = tpu.memref_slice %arg21[%dma_start3A_203, %dma_start3A_204] : memref<10000x128xf32, #tpu.memory_space<vmem_shared>> -> memref<16x128xf32, #tpu.memory_space<vmem_shared>>
        tpu.enqueue_dma source(%dma_start3A_205 : memref<16x128xf32, #tpu.memory_space<vmem_shared>>) target(%dma_start3A_202 : memref<16x128xf32, #tpu.memory_space<hbm>>) target_semaphore(%run_scoped3A : memref<!tpu.dma_semaphore, #tpu.memory_space<semaphore_mem>>)
        %dma_wait3A_206 = arith.constant 0 : i32
        %dma_wait3A_207 = tpu.memref_slice %arg6[%add3A_196, %dma_wait3A_206] : memref<20000x128xf32, #tpu.memory_space<hbm>> -> memref<16x128xf32, #tpu.memory_space<hbm>>
        %dma_wait3A_208 = arith.constant 9984 : i32
        %dma_wait3A_209 = arith.constant 0 : i32
        %dma_wait3A_210 = tpu.memref_slice %arg21[%dma_wait3A_208, %dma_wait3A_209] : memref<10000x128xf32, #tpu.memory_space<vmem_shared>> -> memref<16x128xf32, #tpu.memory_space<vmem_shared>>
        tpu.wait_dma2 semaphore(%run_scoped3A : memref<!tpu.dma_semaphore, #tpu.memory_space<semaphore_mem>>) src(%dma_wait3A_210 : memref<16x128xf32, #tpu.memory_space<vmem_shared>>) dst(%dma_wait3A_207 : memref<16x128xf32, #tpu.memory_space<hbm>>)
        tpu.yield
      }) : () -> ()
      "tpu.region"() ({
        %run_scoped3A = tpu.sem_alloc : memref<!tpu.dma_semaphore, #tpu.memory_space<semaphore_mem>>
        %dma_start3A_201 = arith.constant 0 : i32
        %dma_start3A_202 = tpu.memref_slice %arg20[%dma_start3A_201] : memref<624xf32, #tpu.memory_space<vmem>> -> memref<16xf32, #tpu.memory_space<vmem>>
        %dma_start3A_203 = arith.constant 9984 : i32
        %dma_start3A_204 = tpu.memref_slice %arg22[%dma_start3A_203] : memref<10000xf32, #tpu.memory_space<vmem_shared>> -> memref<16xf32, #tpu.memory_space<vmem_shared>>
        %dma_start3A_205 = arith.constant 0 : i32
        %dma_start3A_206 = tpu.memref_slice %arg20[%dma_start3A_205] : memref<624xf32, #tpu.memory_space<vmem>> -> memref<16xf32, #tpu.memory_space<vmem>>
        %dma_start3A_207 = arith.constant 9984 : i32
        %dma_start3A_208 = tpu.memref_slice %arg22[%dma_start3A_207] : memref<10000xf32, #tpu.memory_space<vmem_shared>> -> memref<16xf32, #tpu.memory_space<vmem_shared>>
        tpu.enqueue_dma source(%dma_start3A_208 : memref<16xf32, #tpu.memory_space<vmem_shared>>) target(%dma_start3A_206 : memref<16xf32, #tpu.memory_space<vmem>>) target_semaphore(%run_scoped3A : memref<!tpu.dma_semaphore, #tpu.memory_space<semaphore_mem>>)
        %dma_wait3A_209 = arith.constant 0 : i32
        %dma_wait3A_210 = tpu.memref_slice %arg20[%dma_wait3A_209] : memref<624xf32, #tpu.memory_space<vmem>> -> memref<16xf32, #tpu.memory_space<vmem>>
        %dma_wait3A_211 = arith.constant 9984 : i32
        %dma_wait3A_212 = tpu.memref_slice %arg22[%dma_wait3A_211] : memref<10000xf32, #tpu.memory_space<vmem_shared>> -> memref<16xf32, #tpu.memory_space<vmem_shared>>
        %dma_wait3A_213 = arith.constant 0 : i32
        %dma_wait3A_214 = tpu.memref_slice %arg20[%dma_wait3A_213] : memref<624xf32, #tpu.memory_space<vmem>> -> memref<16xf32, #tpu.memory_space<vmem>>
        %dma_wait3A_215 = arith.constant 9984 : i32
        %dma_wait3A_216 = tpu.memref_slice %arg22[%dma_wait3A_215] : memref<10000xf32, #tpu.memory_space<vmem_shared>> -> memref<16xf32, #tpu.memory_space<vmem_shared>>
        tpu.wait_dma2 semaphore(%run_scoped3A : memref<!tpu.dma_semaphore, #tpu.memory_space<semaphore_mem>>) src(%dma_wait3A_216 : memref<16xf32, #tpu.memory_space<vmem_shared>>) dst(%dma_wait3A_214 : memref<16xf32, #tpu.memory_space<vmem>>)
        tpu.yield
      }) : () -> ()
      %mul3A_197 = arith.constant 10000 : i32
      %mul3A_198 = arith.muli %arg0, %mul3A_197 : i32
      %add3A_199 = arith.constant 9984 : i32
      %add3A_200 = arith.addi %mul3A_198, %add3A_199 : i32
      "tpu.region"() ({
        %run_scoped3A = tpu.sem_alloc : memref<!tpu.dma_semaphore, #tpu.memory_space<semaphore_mem>>
        %dma_start3A_201 = arith.constant 0 : i32
        %dma_start3A_202 = tpu.memref_slice %arg20[%dma_start3A_201] : memref<624xf32, #tpu.memory_space<vmem>> -> memref<16xf32, #tpu.memory_space<vmem>>
        %dma_start3A_203 = tpu.memref_slice %arg7[%add3A_200] : memref<20000xf32, #tpu.memory_space<hbm>> -> memref<16xf32, #tpu.memory_space<hbm>>
        %dma_start3A_204 = tpu.memref_slice %arg7[%add3A_200] : memref<20000xf32, #tpu.memory_space<hbm>> -> memref<16xf32, #tpu.memory_space<hbm>>
        %dma_start3A_205 = arith.constant 0 : i32
        %dma_start3A_206 = tpu.memref_slice %arg20[%dma_start3A_205] : memref<624xf32, #tpu.memory_space<vmem>> -> memref<16xf32, #tpu.memory_space<vmem>>
        tpu.enqueue_dma source(%dma_start3A_206 : memref<16xf32, #tpu.memory_space<vmem>>) target(%dma_start3A_204 : memref<16xf32, #tpu.memory_space<hbm>>) target_semaphore(%run_scoped3A : memref<!tpu.dma_semaphore, #tpu.memory_space<semaphore_mem>>)
        %dma_wait3A_207 = arith.constant 0 : i32
        %dma_wait3A_208 = tpu.memref_slice %arg20[%dma_wait3A_207] : memref<624xf32, #tpu.memory_space<vmem>> -> memref<16xf32, #tpu.memory_space<vmem>>
        %dma_wait3A_209 = tpu.memref_slice %arg7[%add3A_200] : memref<20000xf32, #tpu.memory_space<hbm>> -> memref<16xf32, #tpu.memory_space<hbm>>
        %dma_wait3A_210 = tpu.memref_slice %arg7[%add3A_200] : memref<20000xf32, #tpu.memory_space<hbm>> -> memref<16xf32, #tpu.memory_space<hbm>>
        %dma_wait3A_211 = arith.constant 0 : i32
        %dma_wait3A_212 = tpu.memref_slice %arg20[%dma_wait3A_211] : memref<624xf32, #tpu.memory_space<vmem>> -> memref<16xf32, #tpu.memory_space<vmem>>
        tpu.wait_dma2 semaphore(%run_scoped3A : memref<!tpu.dma_semaphore, #tpu.memory_space<semaphore_mem>>) src(%dma_wait3A_212 : memref<16xf32, #tpu.memory_space<vmem>>) dst(%dma_wait3A_210 : memref<16xf32, #tpu.memory_space<hbm>>)
        tpu.yield
      }) : () -> ()
    } else {
    }
    return
  }
}

module attributes {stable_mosaic.version = 14 : i64} {
  func.func @_pre_body(%arg0: i32, %arg1: memref<2000x128xf32, #tpu.memory_space<vmem>>, %arg2: memref<128x128xf32, #tpu.memory_space<vmem>>, %arg3: memref<128x128xf32, #tpu.memory_space<vmem>>, %arg4: memref<1x128xf32, #tpu.memory_space<vmem>>, %arg5: memref<2000x128xf32, #tpu.memory_space<vmem>>, %arg6: memref<2000x128xf32, #tpu.memory_space<vmem>>) attributes {dimension_semantics = [#tpu.dimension_semantics<arbitrary>], iteration_bounds = array<i64: 5>, scalar_prefetch = 0 : i64, scratch_operands = 0 : i64, tpu.core_type = #tpu.core_type<tc>, window_params = [{transform_indices = @transform_0, window_bounds = array<i64: 2000, 128>}, {pipeline_mode = #tpu.pipeline_mode<synchronous>, transform_indices = @transform_1, window_bounds = array<i64: 128, 128>}, {pipeline_mode = #tpu.pipeline_mode<synchronous>, transform_indices = @transform_2, window_bounds = array<i64: 128, 128>}, {pipeline_mode = #tpu.pipeline_mode<synchronous>, transform_indices = @transform_3, window_bounds = array<i64: 1, 128>}, {transform_indices = @transform_4, window_bounds = array<i64: 2000, 128>}, {transform_indices = @transform_5, window_bounds = array<i64: 2000, 128>}]} {
    %get3A = arith.constant 0 : index
    %get3A_0 = arith.constant 0 : index
    %get3A_1 = vector.load %arg1[%get3A, %get3A_0] : memref<2000x128xf32, #tpu.memory_space<vmem>>, vector<2000x128xf32>
    %get3A_2 = arith.constant 0 : index
    %get3A_3 = arith.constant 0 : index
    %get3A_4 = vector.load %arg2[%get3A_2, %get3A_3] : memref<128x128xf32, #tpu.memory_space<vmem>>, vector<128x128xf32>
    %dot_general3A = arith.constant dense<0.000000e+00> : vector<2000x128xf32>
    %dot_general3A_5 = tpu.matmul %get3A_1, %get3A_4, %dot_general3A {dimension_numbers = #tpu.dot_dimension_numbers<[1], [0], [0], [1], [0, 0, 1, 1], [], []>, transpose_lhs_hint = false} : vector<2000x128xf32>, vector<128x128xf32>, vector<2000x128xf32> -> vector<2000x128xf32>
    %swap3A = arith.constant 0 : index
    %swap3A_6 = arith.constant 0 : index
    %swap3A_7 = vector.load %arg5[%swap3A, %swap3A_6] : memref<2000x128xf32, #tpu.memory_space<vmem>>, vector<2000x128xf32>
    tpu.vector_store %arg5[%swap3A, %swap3A_6], %dot_general3A_5 {strides = array<i32>} : memref<2000x128xf32, #tpu.memory_space<vmem>>, vector<2000x128xf32>,
    %get3A_8 = arith.constant 0 : index
    %get3A_9 = arith.constant 0 : index
    %get3A_10 = vector.load %arg3[%get3A_8, %get3A_9] : memref<128x128xf32, #tpu.memory_space<vmem>>, vector<128x128xf32>
    %dot_general3A_11 = arith.constant dense<0.000000e+00> : vector<2000x128xf32>
    %dot_general3A_12 = tpu.matmul %get3A_1, %get3A_10, %dot_general3A_11 {dimension_numbers = #tpu.dot_dimension_numbers<[1], [0], [0], [1], [0, 0, 1, 1], [], []>, transpose_lhs_hint = false} : vector<2000x128xf32>, vector<128x128xf32>, vector<2000x128xf32> -> vector<2000x128xf32>
    %get3A_13 = arith.constant 0 : index
    %get3A_14 = arith.constant 0 : index
    %get3A_15 = vector.load %arg4[%get3A_13, %get3A_14] : memref<1x128xf32, #tpu.memory_space<vmem>>, vector<1x128xf32>
    %add3A = vector.broadcast %get3A_15 : vector<1x128xf32> to vector<2000x128xf32>
    %add3A_16 = arith.addf %dot_general3A_12, %add3A : vector<2000x128xf32>
    %swap3A_17 = arith.constant 0 : index
    %swap3A_18 = arith.constant 0 : index
    %swap3A_19 = vector.load %arg6[%swap3A_17, %swap3A_18] : memref<2000x128xf32, #tpu.memory_space<vmem>>, vector<2000x128xf32>
    tpu.vector_store %arg6[%swap3A_17, %swap3A_18], %add3A_16 {strides = array<i32>} : memref<2000x128xf32, #tpu.memory_space<vmem>>, vector<2000x128xf32>,
    return
  }
  func.func @transform_0(%arg0: i32) -> (i32, i32) {
    %c0_i32 = arith.constant 0 : i32
    %c0_i32_0 = arith.constant 0 : i32
    return %arg0, %c0_i32 : i32, i32
  }
  func.func @transform_1(%arg0: i32) -> (i32, i32) {
    %c0_i32 = arith.constant 0 : i32
    %c0_i32_0 = arith.constant 0 : i32
    %c0_i32_1 = arith.constant 0 : i32
    return %c0_i32, %c0_i32_0 : i32, i32
  }
  func.func @transform_2(%arg0: i32) -> (i32, i32) {
    %c0_i32 = arith.constant 0 : i32
    %c0_i32_0 = arith.constant 0 : i32
    %c0_i32_1 = arith.constant 0 : i32
    return %c0_i32, %c0_i32_0 : i32, i32
  }
  func.func @transform_3(%arg0: i32) -> (i32, i32) {
    %c0_i32 = arith.constant 0 : i32
    %c0_i32_0 = arith.constant 0 : i32
    %c0_i32_1 = arith.constant 0 : i32
    return %c0_i32, %c0_i32_0 : i32, i32
  }
  func.func @transform_4(%arg0: i32) -> (i32, i32) {
    %c0_i32 = arith.constant 0 : i32
    %c0_i32_0 = arith.constant 0 : i32
    return %arg0, %c0_i32 : i32, i32
  }
  func.func @transform_5(%arg0: i32) -> (i32, i32) {
    %c0_i32 = arith.constant 0 : i32
    %c0_i32_0 = arith.constant 0 : i32
    return %arg0, %c0_i32 : i32, i32
  }
}

module attributes {stable_mosaic.version = 14 : i64} {
  func.func @_post_body(%arg0: i32, %arg1: memref<2x2000x128xf32, #tpu.memory_space<vmem>>, %arg2: memref<2x2000x1xf32, #tpu.memory_space<vmem>>, %arg3: memref<2000x128xf32, #tpu.memory_space<vmem>>, %arg4: memref<128x128xf32, #tpu.memory_space<vmem>>, %arg5: memref<1x128xf32, #tpu.memory_space<vmem>>, %arg6: memref<128x128xf32, #tpu.memory_space<vmem>>, %arg7: memref<1x128xf32, #tpu.memory_space<vmem>>, %arg8: memref<2000x128xf32, #tpu.memory_space<vmem>>) attributes {dimension_semantics = [#tpu.dimension_semantics<arbitrary>], iteration_bounds = array<i64: 5>, scalar_prefetch = 0 : i64, scratch_operands = 0 : i64, tpu.core_type = #tpu.core_type<tc>, window_params = [{transform_indices = @transform_0, window_bounds = array<i64: 2, 2000, 128>}, {transform_indices = @transform_1, window_bounds = array<i64: 2, 2000, 1>}, {transform_indices = @transform_2, window_bounds = array<i64: 2000, 128>}, {pipeline_mode = #tpu.pipeline_mode<synchronous>, transform_indices = @transform_3, window_bounds = array<i64: 128, 128>}, {pipeline_mode = #tpu.pipeline_mode<synchronous>, transform_indices = @transform_4, window_bounds = array<i64: 1, 128>}, {pipeline_mode = #tpu.pipeline_mode<synchronous>, transform_indices = @transform_5, window_bounds = array<i64: 128, 128>}, {pipeline_mode = #tpu.pipeline_mode<synchronous>, transform_indices = @transform_6, window_bounds = array<i64: 1, 128>}, {transform_indices = @transform_7, window_bounds = array<i64: 2000, 128>}]} {
    %get3A = arith.constant 0 : index
    %get3A_0 = arith.constant 0 : index
    %get3A_1 = arith.constant 0 : index
    %get3A_2 = vector.load %arg1[%get3A, %get3A_0, %get3A_1] : memref<2x2000x128xf32, #tpu.memory_space<vmem>>, vector<2x2000x128xf32>
    %slice3A = vector.extract_strided_slice %get3A_2 {offsets = [0, 0, 0], sizes = [1, 2000, 128], strides = [1, 1, 1]} : vector<2x2000x128xf32> to vector<1x2000x128xf32>
    %squeeze3A = vector.shape_cast %slice3A : vector<1x2000x128xf32> to vector<2000x128xf32>
    %slice3A_3 = vector.extract_strided_slice %get3A_2 {offsets = [1, 0, 0], sizes = [1, 2000, 128], strides = [1, 1, 1]} : vector<2x2000x128xf32> to vector<1x2000x128xf32>
    %squeeze3A_4 = vector.shape_cast %slice3A_3 : vector<1x2000x128xf32> to vector<2000x128xf32>
    %add3A = arith.addf %squeeze3A, %squeeze3A_4 : vector<2000x128xf32>
    %get3A_5 = arith.constant 0 : index
    %get3A_6 = arith.constant 0 : index
    %get3A_7 = arith.constant 0 : index
    %get3A_8 = vector.load %arg2[%get3A_5, %get3A_6, %get3A_7] : memref<2x2000x1xf32, #tpu.memory_space<vmem>>, vector<2x2000x1xf32>
    %slice3A_9 = vector.extract_strided_slice %get3A_8 {offsets = [0, 0, 0], sizes = [1, 2000, 1], strides = [1, 1, 1]} : vector<2x2000x1xf32> to vector<1x2000x1xf32>
    %squeeze3A_10 = vector.shape_cast %slice3A_9 : vector<1x2000x1xf32> to vector<2000x1xf32>
    %slice3A_11 = vector.extract_strided_slice %get3A_8 {offsets = [1, 0, 0], sizes = [1, 2000, 1], strides = [1, 1, 1]} : vector<2x2000x1xf32> to vector<1x2000x1xf32>
    %squeeze3A_12 = vector.shape_cast %slice3A_11 : vector<1x2000x1xf32> to vector<2000x1xf32>
    %add3A_13 = arith.addf %squeeze3A_10, %squeeze3A_12 : vector<2000x1xf32>
    %max3A = arith.constant 1.000000e+00 : f32
    %max3A_14 = vector.broadcast %max3A : f32 to vector<2000x1xf32>
    %max3A_15 = arith.maximumf %add3A_13, %max3A_14 : vector<2000x1xf32>
    %get3A_16 = arith.constant 0 : index
    %get3A_17 = arith.constant 0 : index
    %get3A_18 = vector.load %arg4[%get3A_16, %get3A_17] : memref<128x128xf32, #tpu.memory_space<vmem>>, vector<128x128xf32>
    %dot_general3A = arith.constant dense<0.000000e+00> : vector<2000x128xf32>
    %dot_general3A_19 = tpu.matmul %add3A, %get3A_18, %dot_general3A {dimension_numbers = #tpu.dot_dimension_numbers<[1], [0], [0], [1], [0, 0, 1, 1], [], []>, transpose_lhs_hint = false} : vector<2000x128xf32>, vector<128x128xf32>, vector<2000x128xf32> -> vector<2000x128xf32>
    %div3A = vector.broadcast %max3A_15 : vector<2000x1xf32> to vector<2000x128xf32>
    %div3A_20 = arith.divf %dot_general3A_19, %div3A : vector<2000x128xf32>
    %gt3A = arith.constant 0.000000e+00 : f32
    %gt3A_21 = vector.broadcast %gt3A : f32 to vector<2000x1xf32>
    %gt3A_22 = arith.cmpf ogt, %add3A_13, %gt3A_21 : vector<2000x1xf32>
    %jit3A = arith.constant 1.000000e+00 : f32
    %jit3A_23 = arith.constant 0.000000e+00 : f32
    %broadcast_in_dim3A = vector.broadcast %jit3A : f32 to vector<2000x1xf32>
    %broadcast_in_dim3A_24 = vector.broadcast %jit3A_23 : f32 to vector<2000x1xf32>
    %select_n3A = arith.select %gt3A_22, %broadcast_in_dim3A, %broadcast_in_dim3A_24 : vector<2000x1xi1>, vector<2000x1xf32>
    %get3A_25 = arith.constant 0 : index
    %get3A_26 = arith.constant 0 : index
    %get3A_27 = vector.load %arg5[%get3A_25, %get3A_26] : memref<1x128xf32, #tpu.memory_space<vmem>>, vector<1x128xf32>
    %mul3A = vector.broadcast %select_n3A : vector<2000x1xf32> to vector<2000x128xf32>
    %mul3A_28 = vector.broadcast %get3A_27 : vector<1x128xf32> to vector<2000x128xf32>
    %mul3A_29 = arith.mulf %mul3A, %mul3A_28 : vector<2000x128xf32>
    %add3A_30 = arith.addf %div3A_20, %mul3A_29 : vector<2000x128xf32>
    %get3A_31 = arith.constant 0 : index
    %get3A_32 = arith.constant 0 : index
    %get3A_33 = vector.load %arg3[%get3A_31, %get3A_32] : memref<2000x128xf32, #tpu.memory_space<vmem>>, vector<2000x128xf32>
    %get3A_34 = arith.constant 0 : index
    %get3A_35 = arith.constant 0 : index
    %get3A_36 = vector.load %arg6[%get3A_34, %get3A_35] : memref<128x128xf32, #tpu.memory_space<vmem>>, vector<128x128xf32>
    %dot_general3A_37 = arith.constant dense<0.000000e+00> : vector<2000x128xf32>
    %dot_general3A_38 = tpu.matmul %get3A_33, %get3A_36, %dot_general3A_37 {dimension_numbers = #tpu.dot_dimension_numbers<[1], [0], [0], [1], [0, 0, 1, 1], [], []>, transpose_lhs_hint = false} : vector<2000x128xf32>, vector<128x128xf32>, vector<2000x128xf32> -> vector<2000x128xf32>
    %add3A_39 = arith.addf %add3A_30, %dot_general3A_38 : vector<2000x128xf32>
    %get3A_40 = arith.constant 0 : index
    %get3A_41 = arith.constant 0 : index
    %get3A_42 = vector.load %arg7[%get3A_40, %get3A_41] : memref<1x128xf32, #tpu.memory_space<vmem>>, vector<1x128xf32>
    %add3A_43 = vector.broadcast %get3A_42 : vector<1x128xf32> to vector<2000x128xf32>
    %add3A_44 = arith.addf %add3A_39, %add3A_43 : vector<2000x128xf32>
    %swap3A = arith.constant 0 : index
    %swap3A_45 = arith.constant 0 : index
    %swap3A_46 = vector.load %arg8[%swap3A, %swap3A_45] : memref<2000x128xf32, #tpu.memory_space<vmem>>, vector<2000x128xf32>
    tpu.vector_store %arg8[%swap3A, %swap3A_45], %add3A_44 {strides = array<i32>} : memref<2000x128xf32, #tpu.memory_space<vmem>>, vector<2000x128xf32>,
    return
  }
  func.func @transform_0(%arg0: i32) -> (i32, i32, i32) {
    %c0_i32 = arith.constant 0 : i32
    %c0_i32_0 = arith.constant 0 : i32
    %c0_i32_1 = arith.constant 0 : i32
    return %c0_i32, %arg0, %c0_i32_0 : i32, i32, i32
  }
  func.func @transform_1(%arg0: i32) -> (i32, i32, i32) {
    %c0_i32 = arith.constant 0 : i32
    %c0_i32_0 = arith.constant 0 : i32
    %c0_i32_1 = arith.constant 0 : i32
    return %c0_i32, %arg0, %c0_i32_0 : i32, i32, i32
  }
  func.func @transform_2(%arg0: i32) -> (i32, i32) {
    %c0_i32 = arith.constant 0 : i32
    %c0_i32_0 = arith.constant 0 : i32
    return %arg0, %c0_i32 : i32, i32
  }
  func.func @transform_3(%arg0: i32) -> (i32, i32) {
    %c0_i32 = arith.constant 0 : i32
    %c0_i32_0 = arith.constant 0 : i32
    %c0_i32_1 = arith.constant 0 : i32
    return %c0_i32, %c0_i32_0 : i32, i32
  }
  func.func @transform_4(%arg0: i32) -> (i32, i32) {
    %c0_i32 = arith.constant 0 : i32
    %c0_i32_0 = arith.constant 0 : i32
    %c0_i32_1 = arith.constant 0 : i32
    return %c0_i32, %c0_i32_0 : i32, i32
  }
  func.func @transform_5(%arg0: i32) -> (i32, i32) {
    %c0_i32 = arith.constant 0 : i32
    %c0_i32_0 = arith.constant 0 : i32
    %c0_i32_1 = arith.constant 0 : i32
    return %c0_i32, %c0_i32_0 : i32, i32
  }
  func.func @transform_6(%arg0: i32) -> (i32, i32) {
    %c0_i32 = arith.constant 0 : i32
    %c0_i32_0 = arith.constant 0 : i32
    %c0_i32_1 = arith.constant 0 : i32
    return %c0_i32, %c0_i32_0 : i32, i32
  }
  func.func @transform_7(%arg0: i32) -> (i32, i32) {
    %c0_i32 = arith.constant 0 : i32
    %c0_i32_0 = arith.constant 0 : i32
    return %arg0, %c0_i32 : i32, i32
  }
}

</mosaic_0001>

<sc_bundles>
// kernel: kernel.5.cloned.1.call-start
scs
__scs_entry_jumppad:
0x0: {  	(pc) =	sbr.rel $0x88, $3  }
0x1: {  	(tag) =	ssettag $0x0;
	lr =	simm.s32 $0x1  }
0x2: {  	[smem:$0x3F99] =	sst lr;
	_ =	strace $0xD0000000  }
0x3: {  	_ = 	snop  }
0x4: {  	_ = 	snop  }
0x5: {  	_ = 	snop  }
0x6: {  	_ = 	snop  }
0x7: {  	_ = 	snop  }
__scs_overlays_trampoline_lowered:
0x8: {  	[smem:$0x3FA8] =	sst s0  }
0x9: {  	[smem:$0x3FA9] =	sst s1  }
0xa: {  	[smem:$0x3FAA] =	sst s2  }
0xb: {  	[smem:$0x3FAB] =	sst s3  }
0xc: {  	[smem:$0x3FAC] =	sst s4  }
0xd: {  	[smem:$0x3FAD] =	sst s5  }
0xe: {  	[smem:$0x3FAE] =	sst s6  }
0xf: {  	[smem:$0x3FAF] =	sst s7  }
0x10: {  	[smem:$0x3FB0] =	sst s8  }
0x11: {  	[smem:$0x3FB1] =	sst s9;
	s0 =	simm.s32 @!p0 $0x0  }
0x12: {  	s1 =	sld [smem:$0x3F97];
	s0 =	simm.s32 @p0 $0x1  }
0x13: {  	[smem:$0x3FB2] =	sst s0;
	s0 =	simm.s32 @!p1 $0x0  }
0x14: {  	s2 =	sld [smem:$0x3F96];
	s0 =	simm.s32 @p1 $0x1  }
0x15: {  	[smem:$0x3FB3] =	sst s0;
	s0 =	simm.s32 @!p2 $0x0  }
0x16: {  	s3 =	sld [smem:$0x3FDB];
	s0 =	simm.s32 @p2 $0x1  }
0x17: {  	s4 =	simm.s32 $0x1BF5;
	[smem:$0x3FB5] =	sst s0  }
0x18: {  	s0 =	sld [smem:$0x3F98];
	_ =	swait.ge [sflag:s4], $0x0  }
0x19: {  	s7 =	sld [smem:$0x3F99]  }
0x1a: {  	s8 =	sadd.s32 $0xFFFFE003, lr  }
0x1b: {  	s9 =	sadd.s32 $0xFFFFFEF7, lr;
	s5 =	simm.s32 $0xFFFFFFFF;
	p2 =	slt.u32 s8, $0xFFFFF086  }
0x1c: {  	p1 =	slt.u32 s9, $0xF7A;
	s5 =	simm.s32 @!p2 $0x0  }
0x1d: {  	s5 =	simm.s32 @p1 $0x1;
	p0 =	seq.s32 s7, s2  }
0x1e: {  	s7 =	smul.u32 @!p0 $0xF7A, s2;
	p2 =	seq.s32 @!p0 s5, $0x0  }
0x1f: {  	s9 =	smul.u32 $0xF7A, s1;
	s8 =	simm.s32 @!p0 $0x1BF5;
	p2 =	por !p2, p0  }
0x20: {  	[sflag:s8] =	ssyncset.s32 @!p0 $0xFFFFF086;
	s6 =	sadd.s32 @!p0 s3, s7;
	s7 =	simm.s32 @!p0 $0x108  }
0x21: {  	s3 =	sadd.s32 s3, s9;
	s6 =	sadd.s32 @!p0 $0x88, s6;
	s7 =	simm.s32 @p2 $0x1082  }
0x22: {  	[simem:s7], [sflag:s8] =	dma.local @!p0 [hbm:s6], $0xF7A  }
0x23: {  	s9 =	sor.u32 $0xD0000000, s2;
	s6 =	simm.s32 $0x108;
	_ =	swait.ge @!p0 [sflag:s8], $0x0  }
0x24: {  	s3 =	sadd.s32 $0x88, s3;
	s6 =	simm.s32 @!p1 $0x1082;
	[sflag:s4] =	ssyncset.s32 $0xFFFFF086  }
0x25: {  	[simem:s6], [sflag:s4] =	dma.local [hbm:s3], $0xF7A  }
0x26: {  	[smem:$0x3F99] =	sst s1;
	(tag) =	ssettag s2;
	_ =	strace s9  }
0x27: {  	s1 =	sld [smem:$0x3FA9]  }
0x28: {  	s2 =	sld [smem:$0x3FAA]  }
0x29: {  	s4 =	sld [smem:$0x3FAC]  }
0x2a: {  	p0 =	seq.s32 s5, $0x0;
	s5 =	sld [smem:$0x3FAD]  }
0x2b: {  	s6 =	sld [smem:$0x3FAE]  }
0x2c: {  	s7 =	sld [smem:$0x3FAF]  }
0x2d: {  	s3 =	simm.s32 $0x108;
	s8 =	sld [smem:$0x3FB0]  }
0x2e: {  	s3 =	simm.s32 @!p0 $0x1082;
	s9 =	sld [smem:$0x3FB1]  }
0x2f: {  	lr =	sadd.s32 s0, s3;
	s0 =	sld [smem:$0x3FA8]  }
0x30: {  	s3 =	sld [smem:$0x3FAB]  }
0x31: {  	[smem:$0x3FB4] =	sst s10  }
0x32: {  	s10 =	sld [smem:$0x3FB2];
	_ =	sdelay $0x3  }
0x33: {  	p0 =	seq.s32 s10, $0x1;
	s10 =	sld [smem:$0x3FB4];
	_ =	sdelay $0x3  }
0x34: {  	[smem:$0x3FB4] =	sst s10  }
0x35: {  	s10 =	sld [smem:$0x3FB3];
	_ =	sdelay $0x3  }
0x36: {  	p1 =	seq.s32 s10, $0x1;
	s10 =	sld [smem:$0x3FB4];
	_ =	sdelay $0x3  }
0x37: {  	[smem:$0x3FB4] =	sst s10  }
0x38: {  	s10 =	sld [smem:$0x3FB5]  }
0x39: {  	_ = 	snop;
	(pc) =	sbr.ind lr, $3  }
0x3a: {  	_ = 	snop  }
0x3b: {  	_ = 	snop  }
0x3c: {  	p2 =	seq.s32 s10, $0x1;
	s10 =	sld [smem:$0x3FB4]  }
0x3d: {  	_ =	shalt  }
0x3e: {  	_ =	shalt  }
0x3f: {  	_ =	shalt  }
0x40: {  	_ =	shalt  }
0x41: {  	_ =	shalt  }
0x42: {  	_ =	shalt  }
0x43: {  	_ =	shalt  }
0x44: {  	_ =	shalt  }
0x45: {  	_ =	shalt  }
0x46: {  	_ =	shalt  }
0x47: {  	_ =	shalt  }
0x48: {  	_ =	shalt  }
0x49: {  	_ =	shalt  }
0x4a: {  	_ =	shalt  }
0x4b: {  	_ =	shalt  }
0x4c: {  	_ =	shalt  }
0x4d: {  	_ =	shalt  }
0x4e: {  	_ =	shalt  }
0x4f: {  	_ =	shalt  }
0x50: {  	_ =	shalt  }
0x51: {  	_ =	shalt  }
0x52: {  	_ =	shalt  }
0x53: {  	_ =	shalt  }
0x54: {  	_ =	shalt  }
0x55: {  	_ =	shalt  }
0x56: {  	_ =	shalt  }
0x57: {  	_ =	shalt  }
0x58: {  	_ =	shalt  }
0x59: {  	_ =	shalt  }
0x5a: {  	_ =	shalt  }
0x5b: {  	_ =	shalt  }
0x5c: {  	_ =	shalt  }
0x5d: {  	_ =	shalt  }
0x5e: {  	_ =	shalt  }
0x5f: {  	_ =	shalt  }
0x60: {  	_ =	shalt  }
0x61: {  	_ =	shalt  }
0x62: {  	_ =	shalt  }
0x63: {  	_ =	shalt  }
0x64: {  	_ =	shalt  }
0x65: {  	_ =	shalt  }
0x66: {  	_ =	shalt  }
0x67: {  	_ =	shalt  }
0x68: {  	_ =	shalt  }
0x69: {  	_ =	shalt  }
0x6a: {  	_ =	shalt  }
0x6b: {  	_ =	shalt  }
0x6c: {  	_ =	shalt  }
0x6d: {  	_ =	shalt  }
0x6e: {  	_ =	shalt  }
0x6f: {  	_ =	shalt  }
0x70: {  	_ =	shalt  }
0x71: {  	_ =	shalt  }
0x72: {  	_ =	shalt  }
0x73: {  	_ =	shalt  }
0x74: {  	_ =	shalt  }
0x75: {  	_ =	shalt  }
0x76: {  	_ =	shalt  }
0x77: {  	_ =	shalt  }
0x78: {  	_ =	shalt  }
0x79: {  	_ =	shalt  }
0x7a: {  	_ =	shalt  }
0x7b: {  	_ =	shalt  }
0x7c: {  	_ =	shalt  }
0x7d: {  	_ =	shalt  }
0x7e: {  	_ =	shalt  }
0x7f: {  	_ =	shalt  }
0x80: {  	_ =	shalt  }
0x81: {  	_ =	shalt  }
0x82: {  	_ =	shalt  }
0x83: {  	_ =	shalt  }
0x84: {  	_ =	shalt  }
0x85: {  	_ =	shalt  }
0x86: {  	_ =	shalt  }
0x87: {  	_ =	shalt  }
.Lfunc_end0:
.L_simem_size_0:
called_computation_lowered:
.L_overlay_start_0:
0x88: {  	s2 =	sld [smem:$0x3FD9]  }
0x89: {  	s3 =	sld [smem:$0x3FFE];
	_ =	sdelay $0x1  }
0x8a: {  	s1 =	srdreg.scid  }
0x8b: {  	s0 =	sand.u32 $0x1, s1  }
0x8c: {  	s17 =	sshll.u32 s0, $0xA;
	s2 =	sadd.s32 s3, s2  }
0x8d: {  	s2 =	sadd.s32 s2, s17  }
0x8e: {  	[smem:$0x3FC0] =	sst s2  }
0x8f: {  	_ = 	snop  }
0x90: {  	s2 =	sld [smem:$0x3FD0];
	(tm) =	ssettm $0x1  }
0x91: {  	s18 =	sld [smem:$0x3FFB];
	_ =	sdelay $0x3  }
0x92: {  	_ =	strace s18  }
0x93: {  	s3 =	sld [smem:$0x3FFC];
	_ =	sdelay $0x3  }
0x94: {  	_ =	strace s3  }
0x95: {  	s3 =	sld [smem:$0x3FFD];
	_ =	sdelay $0x3  }
0x96: {  	_ =	strace s3  }
0x97: {  	_ =	strace $0x8FFFFFFF  }
0x98: {  	s19 =	sld [smem:$0x3FDB];
	_ =	sdelay $0x1  }
0x99: {  	s4 =	simm.s32 $_scs_section_size  }
0x9a: {  	s5 =	simm.s32 $_size__tile_overlayer_lowered;
	s6 =	simm.s32 $_tile_overlayer_lowered  }
0x9b: {  	s22 =	simm.s32 $0x1BFF;
	s21 =	sshll.u32 s6, $0x1;
	s3 =	sadd.s32 s4, s19  }
0x9c: {  	s7 =	simm.s32 $0x0;
	s20 =	sshll.u32 s5, $0x1;
	s5 =	sadd.s32 s21, s3  }
0x9d: {  	[timem:s7], [sflag:s22] =	dma.local [hbm:s5], s20  }
0x9e: {  	_ =	swait.ge [sflag:s22], s20  }
0x9f: {  	s4 =	ssub.s32 $0x0, s20;
	[sflag:s22] =	ssyncset.done $0x0  }
0xa0: {  	[sflag:s22] =	ssyncadd.s32 s4;
	_ =	sdelay $0x1  }
0xa1: {  	s23 =	simm.s32 $0x1B8B  }
0xa2: {  	_ =	swait.ge [sflag:s23], $0x1  }
0xa3: {  	[sflag:s23] =	ssyncset.done $0x0  }
0xa4: {  	s25 =	simm.s32 $0x1B8E;
	s24 =	sld [smem:$0x3FFE];
	[sflag:s23] =	ssyncadd.s32 $0xFFFFFFFF  }
0xa5: {  	s26 =	simm.s32 $execute0_lowered;
	[smem:$0x3FD2] =	sst s25  }
0xa6: {  	s5 =	sshll.u32 s26, $0x1;
	_ =	strace $0x80000046;
	[dreg:$0x1] =	wrdreg $0xFFFFFFFF  }
0xa7: {  	s28 =	simm.s32 $_size_execute0_lowered;
	s3 =	sadd.s32 s3, s5;
	[dreg:$0x0] =	wrdreg $0x0  }
0xa8: {  	s5 =	sshll.u32 s28, $0x1;
	[dreg:$0x2] =	wrdreg s3  }
0xa9: {  	[dreg:$0x3] =	wrdreg s5  }
0xaa: {  	[dreg:$0x4] =	wrdreg $0xC0  }
0xab: {  	_ =	task [dreg:s7], $0x5FFFF  }
0xac: {  	[dreg:$0x1] =	wrdreg $0xFFFFFFFF  }
0xad: {  	[dreg:$0x0] =	wrdreg $0x60  }
0xae: {  	[dreg:$0x2] =	wrdreg s2  }
0xaf: {  	[dreg:$0x3] =	wrdreg s24  }
0xb0: {  	[dreg:$0x4] =	wrdreg $0xA6800  }
0xb1: {  	[dreg:$0x5] =	wrdreg $0x1DF000  }
0xb2: {  	[dreg:$0x6] =	wrdreg $0x9  }
0xb3: {  	_ =	task.clear_ibuf [dreg:s7], $0x7FFFF;
	_ =	strace $0x90000046  }
0xb4: {  	s29 =	simm.s32 $0x9;
	_ =	strace $0x80000048  }
0xb5: {  	_ =	swait.ge [sflag:s29], $0x1  }
0xb6: {  	[sflag:s29] =	ssyncadd.s32 $0xFFFFFFFF  }
0xb7: {  	_ =	strace $0x90000048  }
0xb8: {  	_ =	sfence  }
0xb9: {  	s30 =	sld [smem:$0x0];
	_ =	sdelay $0x2  }
0xba: {  	s31 =	sshll.u32 s1, $0xD;
	s1 =	sshrl.u32 s1, $0x2  }
0xbb: {  	s3 =	sand.u32 $0x4000, s31;
	s1 =	sadd.s32 s1, s30  }
0xbc: {  	s0 =	sor.u32 s3, s0;
	s1 =	sshll.u32 s1, $0x11  }
0xbd: {  	s0 =	sor.u32 s1, s0  }
0xbe: {  	s0 =	sadd.s32 $0x8F2B, s0  }
0xbf: {  	[sflag:s0] =	ssyncadd.remote.s32 $0x1  }
0xc0: {  	_ =	sfence.sel $0xFFFF  }
0xc1: {  	[dreg:$0x0] =	wrdreg $0xFFFFFFFF;
	(pc) =	sbr.abs _section_cstart, $3  }
0xc2: {  	[dreg:$0x1] =	wrdreg $0xFFFFFFFF  }
0xc3: {  	_ =	task.clear_ibuf [dreg:s7], $0x2FFFF;
	_ =	strace $0x9FFFFFFF  }
0xc4: {  	(tm) =	ssettm $0x7FFFFFFF  }
0xc5: {  	_ =	shalt  }
tec
execute0_lowered:
.L_overlay_start_1:
0x0: {  	(tag) =	ssettag $0x1  }
0x1: {  	s0 =	rddreg [dreg:$0x1]  }
0x2: {  	s2 =	rddreg [dreg:$0x2]  }
0x3: {  	s16 =	rddreg [dreg:$0x3]  }
0x4: {  	s1 =	simm.s32 $0x0;
	s18 =	srdreg.scid;
	s3 =	stileid.u32  }
0x5: {  	s28 =	simm.s32 $0x7;
	s29 =	simm.s32 $0x8;
	s31 =	simm.s32 $0x7A00  }
0x6: {  	[smem:$0x7FF] =	sst s1;
	s5 =	sadd.s32 $0x15800, s0;
	s7 =	sadd.s32 $0xBA00, s0  }
0x7: {  	s8 =	sadd.s32 $0x1C00, s0;
	s4 =	sadd.s32 $0x3D400, s0;
	s1 =	sand.u32 $0x1, s18  }
0x8: {  	s0 =	sadd.s32 $0x3CA00, s0;
	s9 =	smul.u32 $0x270, s3;
	s11 =	sshll.u32 s3, $0x1  }
0x9: {  	s12 =	smul.u32 $0x4E000, s3;
	p0 =	sne.s32 s3, $0xF;
	s3 =	smov.u32 s2  }
0xa: {  	_ =	strace $0x80000047;
	s6 =	ssub.s32 $0x2, s1;
	s19 =	sor.u32 s1, s11  }
0xb: {  	s1 =	smul.u32 $0x2710, s1;
	s10 =	sshrl.u32 s6, $0x1;
	s20 =	sadd.s32 $0x50, s9  }
0xc: {  	s11 =	smul.u32 $0x2710, s19;
	s21 =	sshrl.u32 s12, $0x2;
	s24 =	sadd.s32 $0xA0, s9  }
0xd: {  	s26 =	sadd.s32 $0xF0, s9;
	s15 =	sadd.s32 $0x140, s9;
	s30 =	sadd.s32 s9, s16  }
0xe: {  	s13 =	ssub.s32 s6, s10;
	s22 =	sshll.u32 s20, $0x7;
	s6 =	sadd.s32 s21, s2  }
0xf: {  	s10 =	sadd.s32 s20, s16;
	s25 =	sshll.u32 s24, $0x7;
	s17 =	sshll.u32 s26, $0x7  }
0x10: {  	s18 =	sadd.s32 s9, s1;
	s1 =	sadd.s32 $0x2700, s1;
	[dreg:$0x13] =	wrdreg s30  }
0x11: {  	s20 =	sshll.u32 s15, $0x7;
	[dreg:$0x5] =	wrdreg s6;
	s23 =	sadd.s32 s22, s2  }
0x12: {  	[dreg:$0x7] =	wrdreg s10;
	s10 =	sadd.s32 s25, s2;
	s6 =	sadd.s32 s24, s16  }
0x13: {  	s19 =	sshll.u32 s18, $0x4;
	s14 =	sshll.u32 s1, $0x4;
	[dreg:$0x6] =	wrdreg s23  }
0x14: {  	s21 =	sshrl.u32 s18, $0x3;
	s1 =	sshrl.u32 s1, $0x3;
	[dreg:$0x8] =	wrdreg s10  }
0x15: {  	s22 =	sadd.s32 $0x190, s9;
	s24 =	sadd.s32 s20, s2;
	[dreg:$0x9] =	wrdreg s6  }
0x16: {  	s10 =	sadd.s32 s17, s2;
	s23 =	sadd.s32 s26, s16;
	[dreg:$0x10] =	wrdreg s24  }
0x17: {  	s25 =	sshll.u32 s22, $0x7;
	s26 =	sadd.s32 s15, s16;
	[dreg:$0xa] =	wrdreg s10  }
0x18: {  	s17 =	sshrl.u32 s11, $0x3;
	s24 =	smax.u32 s13, $0x1;
	[dreg:$0xf] =	wrdreg s23  }
0x19: {  	s6 =	smov.u32 s16;
	s13 =	simm.s32 $0xA280;
	[dreg:$0x11] =	wrdreg s26  }
0x1a: {  	s10 =	sadd.s32 s4, s19;
	s4 =	sadd.s32 s4, s14;
	[dreg:$0x1e] =	wrdreg s24  }
0x1b: {  	s19 =	sadd.s32 s7, s17;
	s20 =	sadd.s32 $0xA, s17;
	[dreg:$0xb] =	wrdreg s10  }
0x1c: {  	s23 =	sadd.s32 $0xA0, s11;
	s26 =	sadd.s32 $0x2700, s16;
	[dreg:$0xc] =	wrdreg s4  }
0x1d: {  	s24 =	simm.s32 $0x180;
	s10 =	sadd.s32 s0, s21;
	[dreg:$0x19] =	wrdreg s19  }
0x1e: {  	s0 =	sadd.s32 s0, s1;
	s1 =	sadd.s32 s25, s2;
	[dreg:$0x1d] =	wrdreg s23  }
0x1f: {  	s4 =	sadd.s32 $0x1E0, s9;
	s21 =	sadd.s32 s7, s20;
	[smem:$0x7FD] =	sst s26  }
0x20: {  	s25 =	sadd.s32 $0x138000, s2;
	s19 =	simm.s32 $0x6;
	[dreg:$0xd] =	wrdreg s10  }
0x21: {  	s26 =	simm.s32 $0x2;
	s23 =	simm.s32 $0x9;
	[dreg:$0xe] =	wrdreg s0  }
0x22: {  	[dreg:$0x12] =	wrdreg s1;
	s10 =	sadd.s32 $0x230, s9;
	s12 =	sshll.u32 s4, $0x7  }
0x23: {  	s0 =	sadd.s32 s22, s16;
	s1 =	sadd.s32 s4, s16;
	[dreg:$0x1b] =	wrdreg s21  }
0x24: {  	s22 =	sadd.s32 s8, s20;
	[dreg:$0x1f] =	wrdreg s25;
	s20 =	simm.s32 $0x50  }
0x25: {  	s25 =	simm.s32 $0x1;
	s4 =	simm.s32 $0xA300;
	[dreg:$0x14] =	wrdreg s0  }
0x26: {  	s9 =	simm.s32 $0x4;
	s14 =	sadd.s32 s12, s2;
	[dreg:$0x16] =	wrdreg s1  }
0x27: {  	s15 =	sshll.u32 s10, $0x7;
	s18 =	sadd.s32 s10, s16;
	[dreg:$0x1c] =	wrdreg s22  }
0x28: {  	s10 =	sadd.s32 $0xF0, s11;
	s22 =	simm.s32 $0x100;
	s11 =	simm.s32 $0x3  }
0x29: {  	s12 =	simm.s32 $0xA;
	[dreg:$0x15] =	wrdreg s14;
	s0 =	sadd.s32 s15, s2  }
0x2a: {  	[dreg:$0x18] =	wrdreg s18;
	s14 =	simm.s32 $0x2A00;
	s18 =	simm.s32 $0x5  }
0x2b: {  	s15 =	simm.s32 $0x0;
	[dreg:$0x17] =	wrdreg s0;
	s0 =	sadd.s32 s8, s17  }
0x2c: {  	v0 =	vimm.f32 $0.0e+00;
	v1 =	vimm.f32 $1.000000000e+00;
	s17 =	simm.s32 $0x80;
	[dreg:$0x1a] =	wrdreg s0;
	s0 =	simm.s32 $0xA200  }
.LBB2_1:
0x2d: {  	[smem:$0x7FC] =	sst s15;
	s1 =	simm.s32 $0x0;
	s15 =	simm.s32 $0x200  }
.LBB2_2:
0x2e: {  	p1 =	sne.s32 s15, $0x9E00;
	[tilespmem:s1+$0x2A70] =	vst v0  }
0x2f: {  	[tilespmem:s1+$0x2A00] =	vst v0  }
0x30: {  	[tilespmem:s1+$0x2A10] =	vst v0  }
.Ltmp0:
0x31: {  	[tilespmem:s1+$0x2A20] =	vst v0;
	(pc) =	sbr.rel @p1 .LBB2_2-.Ltmp0, $4  }
0x32: {  	[tilespmem:s1+$0x2A30] =	vst v0  }
0x33: {  	[tilespmem:s1+$0x2A40] =	vst v0  }
0x34: {  	[tilespmem:s1+$0x2A50] =	vst v0  }
0x35: {  	[tilespmem:s1+$0x2A60] =	vst v0;
	s1 =	sshra.s32 s15, $0x2;
	s15 =	sadd.s32 $0x200, s15  }
0x36: {  	[tilespmem:s1+$0x2A70] =	vst v0  }
0x37: {  	[tilespmem:s1+$0x2A00] =	vst v0  }
0x38: {  	[tilespmem:s1+$0x2A10] =	vst v0  }
0x39: {  	[tilespmem:s1+$0x2A20] =	vst v0  }
0x3a: {  	[tilespmem:s1+$0x2A30] =	vst v0  }
0x3b: {  	[tilespmem:s1+$0x2A40] =	vst v0  }
0x3c: {  	[tilespmem:s1+$0x2A50] =	vst v0  }
0x3d: {  	[tilespmem:s1+$0x2A60] =	vst v0  }
0x3e: {  	[tilespmem:$0xA300] =	vst v1  }
0x3f: {  	[tilespmem:$0xA380] =	vst v0  }
0x40: {  	[tilespmem:$0xA310] =	vst v1  }
0x41: {  	[tilespmem:$0xA390] =	vst v0  }
0x42: {  	[tilespmem:$0xA320] =	vst v1  }
0x43: {  	[tilespmem:$0xA3A0] =	vst v0  }
0x44: {  	[tilespmem:$0xA330] =	vst v1  }
0x45: {  	[tilespmem:$0xA3B0] =	vst v0  }
0x46: {  	[tilespmem:$0xA340] =	vst v1  }
0x47: {  	s16 =	rddreg [dreg:$0x5];
	s2 =	simm.s32 $0xD;
	[tilespmem:$0xA3C0] =	vst v0  }
0x48: {  	[spmem:s16] =	stream.linear.scatter [tilespmem:s14], [sflag:$0xD], $0x2800, $0x38;
	[tilespmem:$0x1E178] =	vst v63  }
0x49: {  	_ =	swait.ge [sflag:s2], $0x2800  }
0x4a: {  	[sflag:s2] =	ssyncset.done $0x0  }
0x4b: {  	s15 =	simm.s32 $0xA380;
	[sflag:s2] =	ssyncadd.s32 $0xFFFFD800  }
0x4c: {  	[spmem:s30] =	stream.linear.scatter [tilespmem:s15], [sflag:$0xD], $0x50, $0x38;
	[tilespmem:$0x1E178] =	vst v63  }
0x4d: {  	_ =	swait.ge [sflag:s2], $0x50  }
0x4e: {  	[sflag:s2] =	ssyncset.done $0x0  }
0x4f: {  	s21 =	rddreg [dreg:$0x6];
	[sflag:s2] =	ssyncadd.s32 $0xFFFFFFB0  }
0x50: {  	[spmem:s21] =	stream.linear.scatter [tilespmem:s14], [sflag:$0xD], $0x2800, $0x38;
	[tilespmem:$0x1E178] =	vst v63  }
0x51: {  	_ =	swait.ge [sflag:s2], $0x2800  }
0x52: {  	[sflag:s2] =	ssyncset.done $0x0  }
0x53: {  	s16 =	rddreg [dreg:$0x7];
	[sflag:s2] =	ssyncadd.s32 $0xFFFFD800  }
0x54: {  	[spmem:s16] =	stream.linear.scatter [tilespmem:s15], [sflag:$0xD], $0x50, $0x38;
	[tilespmem:$0x1E178] =	vst v63  }
0x55: {  	_ =	swait.ge [sflag:s2], $0x50  }
0x56: {  	[sflag:s2] =	ssyncset.done $0x0  }
0x57: {  	s21 =	rddreg [dreg:$0x8];
	[sflag:s2] =	ssyncadd.s32 $0xFFFFFFB0  }
0x58: {  	[spmem:s21] =	stream.linear.scatter [tilespmem:s14], [sflag:$0xD], $0x2800, $0x38;
	[tilespmem:$0x1E178] =	vst v63  }
0x59: {  	_ =	swait.ge [sflag:s2], $0x2800  }
0x5a: {  	[sflag:s2] =	ssyncset.done $0x0  }
0x5b: {  	s16 =	rddreg [dreg:$0x9];
	[sflag:s2] =	ssyncadd.s32 $0xFFFFD800  }
0x5c: {  	[spmem:s16] =	stream.linear.scatter [tilespmem:s15], [sflag:$0xD], $0x50, $0x38;
	[tilespmem:$0x1E178] =	vst v63  }
0x5d: {  	_ =	swait.ge [sflag:s2], $0x50  }
0x5e: {  	[sflag:s2] =	ssyncset.done $0x0  }
0x5f: {  	s21 =	rddreg [dreg:$0xa];
	[sflag:s2] =	ssyncadd.s32 $0xFFFFFFB0  }
0x60: {  	[spmem:s21] =	stream.linear.scatter [tilespmem:s14], [sflag:$0xD], $0x2800, $0x38;
	[tilespmem:$0x1E178] =	vst v63  }
0x61: {  	_ =	swait.ge [sflag:s2], $0x2800  }
0x62: {  	[sflag:s2] =	ssyncset.done $0x0  }
0x63: {  	s16 =	rddreg [dreg:$0xf];
	[sflag:s2] =	ssyncadd.s32 $0xFFFFD800  }
0x64: {  	[spmem:s16] =	stream.linear.scatter [tilespmem:s15], [sflag:$0xD], $0x50, $0x38;
	[tilespmem:$0x1E178] =	vst v63  }
0x65: {  	_ =	swait.ge [sflag:s2], $0x50  }
0x66: {  	[sflag:s2] =	ssyncset.done $0x0  }
0x67: {  	s21 =	rddreg [dreg:$0x10];
	[sflag:s2] =	ssyncadd.s32 $0xFFFFFFB0  }
0x68: {  	[spmem:s21] =	stream.linear.scatter [tilespmem:s14], [sflag:$0xD], $0x2800, $0x38;
	[tilespmem:$0x1E178] =	vst v63  }
0x69: {  	_ =	swait.ge [sflag:s2], $0x2800  }
0x6a: {  	[sflag:s2] =	ssyncset.done $0x0  }
0x6b: {  	s16 =	rddreg [dreg:$0x11];
	[sflag:s2] =	ssyncadd.s32 $0xFFFFD800  }
0x6c: {  	[spmem:s16] =	stream.linear.scatter [tilespmem:s15], [sflag:$0xD], $0x50, $0x38;
	[tilespmem:$0x1E178] =	vst v63  }
0x6d: {  	_ =	swait.ge [sflag:s2], $0x50  }
0x6e: {  	[sflag:s2] =	ssyncset.done $0x0  }
0x6f: {  	s21 =	rddreg [dreg:$0x12];
	[sflag:s2] =	ssyncadd.s32 $0xFFFFFFB0  }
0x70: {  	[spmem:s21] =	stream.linear.scatter [tilespmem:s14], [sflag:$0xD], $0x2800, $0x38;
	[tilespmem:$0x1E178] =	vst v63  }
0x71: {  	_ =	swait.ge [sflag:s2], $0x2800  }
0x72: {  	[sflag:s2] =	ssyncset.done $0x0  }
0x73: {  	s16 =	rddreg [dreg:$0x14];
	[sflag:s2] =	ssyncadd.s32 $0xFFFFD800  }
0x74: {  	[spmem:s16] =	stream.linear.scatter [tilespmem:s15], [sflag:$0xD], $0x50, $0x38;
	[tilespmem:$0x1E178] =	vst v63  }
0x75: {  	_ =	swait.ge [sflag:s2], $0x50  }
0x76: {  	[sflag:s2] =	ssyncset.done $0x0  }
0x77: {  	s21 =	rddreg [dreg:$0x15];
	[sflag:s2] =	ssyncadd.s32 $0xFFFFFFB0  }
0x78: {  	[spmem:s21] =	stream.linear.scatter [tilespmem:s14], [sflag:$0xD], $0x2800, $0x38;
	[tilespmem:$0x1E178] =	vst v63  }
0x79: {  	_ =	swait.ge [sflag:s2], $0x2800  }
0x7a: {  	[sflag:s2] =	ssyncset.done $0x0  }
0x7b: {  	s16 =	rddreg [dreg:$0x16];
	[sflag:s2] =	ssyncadd.s32 $0xFFFFD800  }
0x7c: {  	[spmem:s16] =	stream.linear.scatter [tilespmem:s15], [sflag:$0xD], $0x50, $0x38;
	[tilespmem:$0x1E178] =	vst v63  }
0x7d: {  	_ =	swait.ge [sflag:s2], $0x50  }
0x7e: {  	[sflag:s2] =	ssyncset.done $0x0  }
0x7f: {  	s21 =	rddreg [dreg:$0x17];
	[sflag:s2] =	ssyncadd.s32 $0xFFFFFFB0  }
0x80: {  	[spmem:s21] =	stream.linear.scatter [tilespmem:s14], [sflag:$0xD], $0x2000, $0x38;
	[tilespmem:$0x1E178] =	vst v63  }
0x81: {  	_ =	swait.ge [sflag:s2], $0x2000  }
0x82: {  	[sflag:s2] =	ssyncset.done $0x0  }
0x83: {  	s16 =	rddreg [dreg:$0x18];
	[sflag:s2] =	ssyncadd.s32 $0xFFFFE000  }
0x84: {  	[spmem:s16] =	stream.linear.scatter [tilespmem:s15], [sflag:$0xD], $0x40, $0x38;
	[tilespmem:$0x1E178] =	vst v63  }
0x85: {  	_ =	swait.ge [sflag:s2], $0x40  }
0x86: {  	[sflag:s2] =	ssyncset.done $0x0  }
0x87: {  	s1 =	simm.s32 @!p0 $0x2A00;
	[sflag:s2] =	ssyncadd.s32 $0xFFFFFFC0;
	s2 =	rddreg [dreg:$0x1f]  }
0x88: {  	[spmem:s2] =	stream.linear.scatter @!p0 [tilespmem:s1], [sflag:$0xD], $0x800, $0x38;
	[tilespmem:$0x1E178] =	vst v63  }
0x89: {  	s1 =	simm.s32 @!p0 $0xD  }
0x8a: {  	_ =	swait.ge @!p0 [sflag:s1], $0x800  }
0x8b: {  	s2 =	sld [smem:$0x7FD]  }
0x8c: {  	[sflag:s1] =	ssyncset.done @!p0 $0x0  }
0x8d: {  	s15 =	simm.s32 @!p0 $0xA380;
	[sflag:s1] =	ssyncadd.s32 @!p0 $0xFFFFF800  }
0x8e: {  	[spmem:s2] =	stream.linear.scatter @!p0 [tilespmem:s15], [sflag:$0xD], $0x10, $0x38;
	[tilespmem:$0x1E178] =	vst v63  }
0x8f: {  	_ =	swait.ge @!p0 [sflag:s1], $0x10  }
0x90: {  	[sflag:s1] =	ssyncset.done @!p0 $0x0  }
0x91: {  	[sflag:s1] =	ssyncadd.s32 @!p0 $0xFFFFFFF0  }
0x92: {  	[bflag:$0x0] =	sbarrier.arrive $0xFFFF  }
0x93: {  	s16 =	simm.s32 $0x0;
	s21 =	rddreg [dreg:$0x19]  }
0x94: {  	[tilespmem:s16], [sflag:$0x5] =	stream.linear.gather [hbm4b:s21+s16], $0x50, $0x38;
	[tilespmem:$0x1E178] =	vst v63  }
0x95: {  	s2 =	rddreg [dreg:$0x1a]  }
0x96: {  	[tilespmem:s17], [sflag:$0x6] =	stream.linear.gather [hbm4b:s2+s16], $0x50, $0x38;
	[tilespmem:$0x1E178] =	vst v63  }
0x97: {  	_ =	swait.ge [sflag:s18], $0x50  }
0x98: {  	[sflag:s18] =	ssyncset.done $0x0  }
0x99: {  	[sflag:s18] =	ssyncadd.s32 $0xFFFFFFB0  }
0x9a: {  	_ =	swait.ge [sflag:s19], $0x50  }
0x9b: {  	[sflag:s19] =	ssyncset.done $0x0  }
0x9c: {  	[sflag:s19] =	ssyncadd.s32 $0xFFFFFFB0  }
0x9d: {  	s21 =	simm.s32 $0x200;
	s15 =	rddreg [dreg:$0x0]  }
0x9e: {  	[tilespmem:s21], [sflag:$0x1] =	stream.indirect.gather [hbm4b:s15+s20], $0x80, s16, s20, $0xb8;
	[tilespmem:$0x1E178] =	vst v63  }
0x9f: {  	_ = 	snop  }
0xa0: {  	[tilespmem:s14], [sflag:$0x2] =	stream.indirect.gather [hbm4b:s5+s20], $0x80, s17, s20, $0xb8;
	[tilespmem:$0x1E178] =	vst v63  }
0xa1: {  	s15 =	rddreg [dreg:$0x1b]  }
0xa2: {  	[tilespmem:s22], [sflag:$0x7] =	stream.linear.gather [hbm4b:s15+s16], $0x50, $0x38;
	[tilespmem:$0x1E178] =	vst v63  }
0xa3: {  	s30 =	simm.s32 $0x0;
	s21 =	rddreg [dreg:$0x1c]  }
0xa4: {  	[tilespmem:s24], [sflag:$0x8] =	stream.linear.gather [hbm4b:s21+s16], $0x50, $0x38;
	[tilespmem:$0x1E178] =	vst v63  }
.LBB2_4:
0xa5: {  	_ =	swait.ge [sflag:s25], $0x2800  }
0xa6: {  	[sflag:s25] =	ssyncset.done $0x0  }
0xa7: {  	[sflag:s25] =	ssyncadd.s32 $0xFFFFD800  }
0xa8: {  	_ =	swait.ge [sflag:s26], $0x2800  }
0xa9: {  	[sflag:s26] =	ssyncset.done $0x0  }
0xaa: {  	[sflag:s26] =	ssyncadd.s32 $0xFFFFD800  }
0xab: {  	_ =	swait.ge [sflag:s28], $0x50  }
0xac: {  	[sflag:s28] =	ssyncset.done $0x0  }
0xad: {  	[sflag:s28] =	ssyncadd.s32 $0xFFFFFFB0  }
0xae: {  	_ =	swait.ge [sflag:s29], $0x50  }
0xaf: {  	[sflag:s29] =	ssyncset.done $0x0  }
0xb0: {  	[sflag:s29] =	ssyncadd.s32 $0xFFFFFFB0  }
0xb1: {  	s2 =	simm.s32 $0x5200;
	s1 =	rddreg [dreg:$0x0]  }
0xb2: {  	[tilespmem:s2], [sflag:$0x3] =	stream.indirect.gather [hbm4b:s1+s20], $0x80, s22, s20, $0xb8;
	[tilespmem:$0x1E178] =	vst v63  }
0xb3: {  	v2 =	vld [tilespmem:$0x80]  }
0xb4: {  	v3 =	vld [tilespmem:$0x90]  }
0xb5: {  	v4 =	vld [tilespmem:$0xA0]  }
0xb6: {  	v5 =	vld [tilespmem:$0xB0]  }
0xb7: {  	v6 =	vld [tilespmem:$0xC0]  }
0xb8: {  	s21 =	smul.u32 $0xA0, s30;
	[tilespmem:$0xA200] =	vst v2  }
0xb9: {  	s15 =	rddreg [dreg:$0x1d];
	[tilespmem:$0xA210] =	vst v3  }
0xba: {  	s1 =	sadd.s32 s21, s15;
	[tilespmem:$0xA220] =	vst v4  }
0xbb: {  	s1 =	sshrl.u32 s1, $0x3;
	[tilespmem:$0xA230] =	vst v5  }
0xbc: {  	s15 =	sadd.s32 s7, s1;
	[tilespmem:$0xA240] =	vst v6  }
0xbd: {  	[tilespmem:s16], [sflag:$0x5] =	stream.linear.gather [hbm4b:s15+s16], $0x50, $0x38;
	[tilespmem:$0x1E178] =	vst v63  }
0xbe: {  	s1 =	sadd.s32 s8, s1;
	s15 =	simm.s32 $0x0  }
0xbf: {  	[tilespmem:s17], [sflag:$0x6] =	stream.linear.gather [hbm4b:s1+s16], $0x50, $0x38;
	[tilespmem:$0x1E178] =	vst v63  }
0xc0: {  	v8 =	vld [tilespmem:s15+$0x200]  }
0xc1: {  	v13 =	vld [tilespmem:s15+$0x210]  }
0xc2: {  	v7 =	vld [tilespmem:s15+$0x220]  }
0xc3: {  	v6 =	vld [tilespmem:s15+$0x230]  }
0xc4: {  	v5 =	vld [tilespmem:s15+$0x240]  }
0xc5: {  	v4 =	vld [tilespmem:s15+$0x250]  }
0xc6: {  	v3 =	vld [tilespmem:s15+$0x260]  }
0xc7: {  	v2 =	vld [tilespmem:s15+$0x270]  }
0xc8: {  	v14 =	vld [tilespmem:s15+$0x2A00]  }
0xc9: {  	v15 =	vld [tilespmem:s15+$0x2A10]  }
0xca: {  	v12 =	vld [tilespmem:s15+$0x2A20]  }
0xcb: {  	v11 =	vld [tilespmem:s15+$0x2A30]  }
0xcc: {  	v10 =	vld [tilespmem:s15+$0x2A40]  }
0xcd: {  	v9 =	vld [tilespmem:s15+$0x2A50];
	v14 =	vadd.f32 v14, v8  }
0xce: {  	s1 =	simm.s32 $0x200;
	v13 =	vadd.f32 v15, v13;
	v8 =	vld [tilespmem:s15+$0x2A60]  }
.LBB2_5:
0xcf: {  	s2 =	sshra.s32 s1, $0x2;
	p1 =	sne.s32 s1, $0x9E00;
	v14 =	vmax.f32 v14, $0.0e+00;
	v7 =	vadd.f32 v12, v7;
	v12 =	vld [tilespmem:s15+$0x2A70]  }
0xd0: {  	v15 =	vld [tilespmem:s2+$0x200];
	[tilespmem:s15+$0x2A00] =	vst v14;
	v13 =	vmax.f32 v13, $0.0e+00;
	v6 =	vadd.f32 v11, v6  }
0xd1: {  	v16 =	vld [tilespmem:s2+$0x210];
	[tilespmem:s15+$0x2A10] =	vst v13;
	v11 =	vmax.f32 v7, $0.0e+00;
	v5 =	vadd.f32 v10, v5  }
0xd2: {  	v7 =	vld [tilespmem:s2+$0x220];
	[tilespmem:s15+$0x2A20] =	vst v11;
	v10 =	vmax.f32 v6, $0.0e+00;
	v4 =	vadd.f32 v9, v4  }
0xd3: {  	v6 =	vld [tilespmem:s2+$0x230];
	[tilespmem:s15+$0x2A30] =	vst v10;
	v9 =	vmax.f32 v5, $0.0e+00;
	v3 =	vadd.f32 v8, v3  }
0xd4: {  	v5 =	vld [tilespmem:s2+$0x240];
	[tilespmem:s15+$0x2A40] =	vst v9;
	v8 =	vmax.f32 v4, $0.0e+00;
	v2 =	vadd.f32 v12, v2  }
0xd5: {  	v4 =	vld [tilespmem:s2+$0x250];
	[tilespmem:s15+$0x2A50] =	vst v8;
	v8 =	vmax.f32 v3, $0.0e+00  }
0xd6: {  	v3 =	vld [tilespmem:s2+$0x260];
	[tilespmem:s15+$0x2A60] =	vst v8;
	v8 =	vmax.f32 v2, $0.0e+00  }
0xd7: {  	v2 =	vld [tilespmem:s2+$0x270];
	[tilespmem:s15+$0x2A70] =	vst v8;
	s15 =	smov.u32 s2  }
0xd8: {  	v8 =	vld [tilespmem:s15+$0x2A00]  }
0xd9: {  	v13 =	vld [tilespmem:s15+$0x2A10]  }
.Ltmp1:
0xda: {  	v12 =	vld [tilespmem:s15+$0x2A20];
	(pc) =	sbr.rel @p1 .LBB2_5-.Ltmp1, $4  }
0xdb: {  	v11 =	vld [tilespmem:s15+$0x2A30]  }
0xdc: {  	v10 =	vld [tilespmem:s15+$0x2A40]  }
0xdd: {  	v14 =	vadd.f32 v8, v15;
	v9 =	vld [tilespmem:s15+$0x2A50]  }
0xde: {  	s1 =	sadd.s32 $0x200, s1;
	v13 =	vadd.f32 v13, v16;
	v8 =	vld [tilespmem:s15+$0x2A60]  }
0xdf: {  	v14 =	vmax.f32 v14, $0.0e+00;
	v7 =	vadd.f32 v12, v7;
	v12 =	vld [tilespmem:s15+$0x2A70]  }
0xe0: {  	[tilespmem:s15+$0x2A00] =	vst v14;
	v13 =	vmax.f32 v13, $0.0e+00;
	v6 =	vadd.f32 v11, v6  }
0xe1: {  	[tilespmem:s15+$0x2A10] =	vst v13;
	v7 =	vmax.f32 v7, $0.0e+00;
	v5 =	vadd.f32 v10, v5  }
0xe2: {  	[tilespmem:s15+$0x2A20] =	vst v7;
	v6 =	vmax.f32 v6, $0.0e+00;
	v4 =	vadd.f32 v9, v4  }
0xe3: {  	[tilespmem:s15+$0x2A30] =	vst v6;
	v5 =	vmax.f32 v5, $0.0e+00;
	v3 =	vadd.f32 v8, v3  }
0xe4: {  	[tilespmem:s15+$0x2A40] =	vst v5;
	v4 =	vmax.f32 v4, $0.0e+00;
	v2 =	vadd.f32 v12, v2  }
0xe5: {  	[tilespmem:s15+$0x2A50] =	vst v4;
	v3 =	vmax.f32 v3, $0.0e+00  }
0xe6: {  	p1 =	seq.s32 s30, $0x0;
	[tilespmem:s15+$0x2A60] =	vst v3;
	v2 =	vmax.f32 v2, $0.0e+00  }
0xe7: {  	s1 =	simm.s32 @!p1 $0xB;
	[tilespmem:s15+$0x2A70] =	vst v2  }
0xe8: {  	_ =	swait.ge @!p1 [sflag:s1], $0x2800  }
0xe9: {  	[sflag:s1] =	ssyncset.done @!p1 $0x0  }
0xea: {  	[sflag:s1] =	ssyncadd.s32 @!p1 $0xFFFFD800;
	s1 =	simm.s32 @!p1 $0xC  }
0xeb: {  	_ =	swait.ge @!p1 [sflag:s1], $0x50  }
0xec: {  	[sflag:s1] =	ssyncset.done @!p1 $0x0  }
0xed: {  	[sflag:s1] =	ssyncadd.s32 @!p1 $0xFFFFFFB0  }
0xee: {  	[tilespmem:s31], [sflag:$0x4] =	stream.indirect.gather [hbm4b:s5+s20], $0x80, s24, s20, $0xb8;
	[tilespmem:$0x1E178] =	vst v63  }
0xef: {  	_ = 	snop  }
0xf0: {  	[spmem:s3] =	stream.indirect.scatter.add.f32 [tilespmem:s14], [sflag:$0x9], $0x80, s0, s20, $0xb8;
	[tilespmem:$0x1E178] =	vst v63  }
0xf1: {  	_ = 	snop  }
0xf2: {  	[spmem:s6] =	stream.indirect.scatter.add.f32 [tilespmem:s4], [sflag:$0xA], $0x1, s0, s20, $0xb8;
	[tilespmem:$0x1E178] =	vst v63  }
0xf3: {  	_ =	swait.ge [sflag:s11], $0x2800  }
0xf4: {  	[sflag:s11] =	ssyncset.done $0x0  }
0xf5: {  	[sflag:s11] =	ssyncadd.s32 $0xFFFFD800  }
0xf6: {  	_ =	swait.ge [sflag:s9], $0x2800  }
0xf7: {  	[sflag:s9] =	ssyncset.done $0x0  }
0xf8: {  	[sflag:s9] =	ssyncadd.s32 $0xFFFFD800  }
0xf9: {  	_ =	swait.ge [sflag:s18], $0x50  }
0xfa: {  	[sflag:s18] =	ssyncset.done $0x0  }
0xfb: {  	[sflag:s18] =	ssyncadd.s32 $0xFFFFFFB0  }
0xfc: {  	_ =	swait.ge [sflag:s19], $0x50  }
0xfd: {  	[sflag:s19] =	ssyncset.done $0x0  }
0xfe: {  	[sflag:s19] =	ssyncadd.s32 $0xFFFFFFB0  }
0xff: {  	s15 =	simm.s32 $0x200;
	s1 =	simm.s32 $0x0;
	s2 =	rddreg [dreg:$0x0]  }
0x100: {  	[tilespmem:s15], [sflag:$0x1] =	stream.indirect.gather [hbm4b:s2+s20], $0x80, s1, s20, $0xb8;
	[tilespmem:$0x1E178] =	vst v63  }
0x101: {  	v2 =	vld [tilespmem:$0x180]  }
0x102: {  	v3 =	vld [tilespmem:$0x190]  }
0x103: {  	v4 =	vld [tilespmem:$0x1A0]  }
0x104: {  	v5 =	vld [tilespmem:$0x1B0]  }
0x105: {  	v6 =	vld [tilespmem:$0x1C0]  }
0x106: {  	[tilespmem:$0xA280] =	vst v2  }
0x107: {  	[tilespmem:$0xA290] =	vst v3  }
0x108: {  	s15 =	sadd.s32 s21, s10;
	[tilespmem:$0xA2A0] =	vst v4  }
0x109: {  	s2 =	sshrl.u32 s15, $0x3;
	[tilespmem:$0xA2B0] =	vst v5  }
0x10a: {  	s21 =	sadd.s32 s7, s2;
	[tilespmem:$0xA2C0] =	vst v6  }
0x10b: {  	[tilespmem:s22], [sflag:$0x7] =	stream.linear.gather [hbm4b:s21+s1], $0x50, $0x38;
	[tilespmem:$0x1E178] =	vst v63  }
0x10c: {  	s15 =	simm.s32 $0x0;
	s2 =	sadd.s32 s8, s2  }
0x10d: {  	[tilespmem:s24], [sflag:$0x8] =	stream.linear.gather [hbm4b:s2+s1], $0x50, $0x38;
	[tilespmem:$0x1E178] =	vst v63  }
0x10e: {  	v8 =	vld [tilespmem:s15+$0x5200]  }
0x10f: {  	v13 =	vld [tilespmem:s15+$0x5210]  }
0x110: {  	v7 =	vld [tilespmem:s15+$0x5220]  }
0x111: {  	v6 =	vld [tilespmem:s15+$0x5230]  }
0x112: {  	v5 =	vld [tilespmem:s15+$0x5240]  }
0x113: {  	v4 =	vld [tilespmem:s15+$0x5250]  }
0x114: {  	v3 =	vld [tilespmem:s15+$0x5260]  }
0x115: {  	v2 =	vld [tilespmem:s15+$0x5270]  }
0x116: {  	v14 =	vld [tilespmem:s15+$0x7A00]  }
0x117: {  	v15 =	vld [tilespmem:s15+$0x7A10]  }
0x118: {  	v12 =	vld [tilespmem:s15+$0x7A20]  }
0x119: {  	v11 =	vld [tilespmem:s15+$0x7A30]  }
0x11a: {  	v10 =	vld [tilespmem:s15+$0x7A40]  }
0x11b: {  	v9 =	vld [tilespmem:s15+$0x7A50];
	v14 =	vadd.f32 v14, v8  }
0x11c: {  	s1 =	simm.s32 $0x200;
	v13 =	vadd.f32 v15, v13;
	v8 =	vld [tilespmem:s15+$0x7A60]  }
.LBB2_7:
0x11d: {  	s2 =	sshra.s32 s1, $0x2;
	p1 =	sne.s32 s1, $0x9E00;
	v14 =	vmax.f32 v14, $0.0e+00;
	v7 =	vadd.f32 v12, v7;
	v12 =	vld [tilespmem:s15+$0x7A70]  }
0x11e: {  	v15 =	vld [tilespmem:s2+$0x5200];
	[tilespmem:s15+$0x7A00] =	vst v14;
	v13 =	vmax.f32 v13, $0.0e+00;
	v6 =	vadd.f32 v11, v6  }
0x11f: {  	v16 =	vld [tilespmem:s2+$0x5210];
	[tilespmem:s15+$0x7A10] =	vst v13;
	v11 =	vmax.f32 v7, $0.0e+00;
	v5 =	vadd.f32 v10, v5  }
0x120: {  	v7 =	vld [tilespmem:s2+$0x5220];
	[tilespmem:s15+$0x7A20] =	vst v11;
	v10 =	vmax.f32 v6, $0.0e+00;
	v4 =	vadd.f32 v9, v4  }
0x121: {  	v6 =	vld [tilespmem:s2+$0x5230];
	[tilespmem:s15+$0x7A30] =	vst v10;
	v9 =	vmax.f32 v5, $0.0e+00;
	v3 =	vadd.f32 v8, v3  }
0x122: {  	v5 =	vld [tilespmem:s2+$0x5240];
	[tilespmem:s15+$0x7A40] =	vst v9;
	v8 =	vmax.f32 v4, $0.0e+00;
	v2 =	vadd.f32 v12, v2  }
0x123: {  	v4 =	vld [tilespmem:s2+$0x5250];
	[tilespmem:s15+$0x7A50] =	vst v8;
	v8 =	vmax.f32 v3, $0.0e+00  }
0x124: {  	v3 =	vld [tilespmem:s2+$0x5260];
	[tilespmem:s15+$0x7A60] =	vst v8;
	v8 =	vmax.f32 v2, $0.0e+00  }
0x125: {  	v2 =	vld [tilespmem:s2+$0x5270];
	[tilespmem:s15+$0x7A70] =	vst v8;
	s15 =	smov.u32 s2  }
0x126: {  	v8 =	vld [tilespmem:s15+$0x7A00]  }
0x127: {  	v13 =	vld [tilespmem:s15+$0x7A10]  }
.Ltmp2:
0x128: {  	v12 =	vld [tilespmem:s15+$0x7A20];
	(pc) =	sbr.rel @p1 .LBB2_7-.Ltmp2, $4  }
0x129: {  	v11 =	vld [tilespmem:s15+$0x7A30]  }
0x12a: {  	v10 =	vld [tilespmem:s15+$0x7A40]  }
0x12b: {  	v14 =	vadd.f32 v8, v15;
	v9 =	vld [tilespmem:s15+$0x7A50]  }
0x12c: {  	s1 =	sadd.s32 $0x200, s1;
	v13 =	vadd.f32 v13, v16;
	v8 =	vld [tilespmem:s15+$0x7A60]  }
0x12d: {  	v14 =	vmax.f32 v14, $0.0e+00;
	v7 =	vadd.f32 v12, v7;
	v63 =	vld [tilespmem:s15+$0x7A70]  }
0x12e: {  	[tilespmem:s15+$0x7A00] =	vst v14;
	v13 =	vmax.f32 v13, $0.0e+00;
	v6 =	vadd.f32 v11, v6  }
0x12f: {  	[tilespmem:s15+$0x7A10] =	vst v13;
	v7 =	vmax.f32 v7, $0.0e+00;
	v5 =	vadd.f32 v10, v5  }
0x130: {  	[tilespmem:s15+$0x7A20] =	vst v7;
	v6 =	vmax.f32 v6, $0.0e+00;
	v4 =	vadd.f32 v9, v4  }
0x131: {  	[tilespmem:s15+$0x7A30] =	vst v6;
	v5 =	vmax.f32 v5, $0.0e+00;
	v3 =	vadd.f32 v8, v3  }
0x132: {  	[tilespmem:s15+$0x7A40] =	vst v5;
	v4 =	vmax.f32 v4, $0.0e+00;
	v2 =	vadd.f32 v63, v2  }
0x133: {  	[tilespmem:s15+$0x7A50] =	vst v4;
	v3 =	vmax.f32 v3, $0.0e+00  }
0x134: {  	[tilespmem:s15+$0x7A60] =	vst v3;
	v2 =	vmax.f32 v2, $0.0e+00  }
0x135: {  	[tilespmem:s15+$0x7A70] =	vst v2  }
0x136: {  	_ =	swait.ge [sflag:s23], $0x2800  }
0x137: {  	[sflag:s23] =	ssyncset.done $0x0  }
0x138: {  	[sflag:s23] =	ssyncadd.s32 $0xFFFFD800  }
0x139: {  	_ =	swait.ge [sflag:s12], $0x50  }
0x13a: {  	s30 =	sadd.s32 $0x1, s30;
	[sflag:s12] =	ssyncset.done $0x0  }
0x13b: {  	p1 =	sne.s32 s30, $0x3E;
	[sflag:s12] =	ssyncadd.s32 $0xFFFFFFB0  }
0x13c: {  	[tilespmem:s14], [sflag:$0x2] =	stream.indirect.gather [hbm4b:s5+s20], $0x80, s17, s20, $0xb8;
	[tilespmem:$0x1E178] =	vst v63  }
.Ltmp3:
0x13d: {  	_ = 	snop;
	(pc) =	sbr.rel @p1 .LBB2_4-.Ltmp3, $4  }
0x13e: {  	_ = 	snop  }
0x13f: {  	[spmem:s3] =	stream.indirect.scatter.add.f32 [tilespmem:s31], [sflag:$0xB], $0x80, s13, s20, $0xb8;
	[tilespmem:$0x1E178] =	vst v63  }
0x140: {  	_ = 	snop  }
0x141: {  	[spmem:s6] =	stream.indirect.scatter.add.f32 [tilespmem:s4], [sflag:$0xC], $0x1, s13, s20, $0xb8;
	[tilespmem:$0x1E178] =	vst v63  }
0x142: {  	_ =	swait.ge [sflag:s25], $0x2800  }
0x143: {  	[sflag:s25] =	ssyncset.done $0x0  }
0x144: {  	[sflag:s25] =	ssyncadd.s32 $0xFFFFD800  }
0x145: {  	_ =	swait.ge [sflag:s26], $0x2800  }
0x146: {  	[sflag:s26] =	ssyncset.done $0x0  }
0x147: {  	s1 =	simm.s32 $0xB;
	[sflag:s26] =	ssyncadd.s32 $0xFFFFD800  }
0x148: {  	_ =	swait.ge [sflag:s1], $0x2800  }
0x149: {  	[sflag:s1] =	ssyncset.done $0x0  }
0x14a: {  	s30 =	simm.s32 $0xC;
	[sflag:s1] =	ssyncadd.s32 $0xFFFFD800  }
0x14b: {  	_ =	swait.ge [sflag:s30], $0x50  }
0x14c: {  	[sflag:s30] =	ssyncset.done $0x0  }
0x14d: {  	[sflag:s30] =	ssyncadd.s32 $0xFFFFFFB0  }
0x14e: {  	v2 =	vld [tilespmem:$0x80]  }
0x14f: {  	v3 =	vld [tilespmem:$0x90]  }
0x150: {  	v4 =	vld [tilespmem:$0xA0]  }
0x151: {  	v5 =	vld [tilespmem:$0xB0]  }
0x152: {  	v6 =	vld [tilespmem:$0xC0]  }
0x153: {  	[tilespmem:$0xA200] =	vst v2  }
0x154: {  	[tilespmem:$0xA210] =	vst v3  }
0x155: {  	[tilespmem:$0xA220] =	vst v4  }
0x156: {  	[tilespmem:$0xA230] =	vst v5  }
0x157: {  	s15 =	simm.s32 $0x0;
	[tilespmem:$0xA240] =	vst v6  }
0x158: {  	v8 =	vld [tilespmem:s15+$0x200]  }
0x159: {  	v13 =	vld [tilespmem:s15+$0x210]  }
0x15a: {  	v7 =	vld [tilespmem:s15+$0x220]  }
0x15b: {  	v6 =	vld [tilespmem:s15+$0x230]  }
0x15c: {  	v5 =	vld [tilespmem:s15+$0x240]  }
0x15d: {  	v4 =	vld [tilespmem:s15+$0x250]  }
0x15e: {  	v3 =	vld [tilespmem:s15+$0x260]  }
0x15f: {  	v2 =	vld [tilespmem:s15+$0x270]  }
0x160: {  	v14 =	vld [tilespmem:s15+$0x2A00]  }
0x161: {  	v15 =	vld [tilespmem:s15+$0x2A10]  }
0x162: {  	v12 =	vld [tilespmem:s15+$0x2A20]  }
0x163: {  	v11 =	vld [tilespmem:s15+$0x2A30]  }
0x164: {  	v10 =	vld [tilespmem:s15+$0x2A40]  }
0x165: {  	v9 =	vld [tilespmem:s15+$0x2A50];
	v14 =	vadd.f32 v14, v8  }
0x166: {  	s1 =	simm.s32 $0x200;
	v13 =	vadd.f32 v15, v13;
	v8 =	vld [tilespmem:s15+$0x2A60]  }
.LBB2_10:
0x167: {  	s2 =	sshra.s32 s1, $0x2;
	p1 =	sne.s32 s1, $0x9E00;
	v14 =	vmax.f32 v14, $0.0e+00;
	v7 =	vadd.f32 v12, v7;
	v12 =	vld [tilespmem:s15+$0x2A70]  }
0x168: {  	v15 =	vld [tilespmem:s2+$0x200];
	[tilespmem:s15+$0x2A00] =	vst v14;
	v13 =	vmax.f32 v13, $0.0e+00;
	v6 =	vadd.f32 v11, v6  }
0x169: {  	v16 =	vld [tilespmem:s2+$0x210];
	[tilespmem:s15+$0x2A10] =	vst v13;
	v11 =	vmax.f32 v7, $0.0e+00;
	v5 =	vadd.f32 v10, v5  }
0x16a: {  	v7 =	vld [tilespmem:s2+$0x220];
	[tilespmem:s15+$0x2A20] =	vst v11;
	v10 =	vmax.f32 v6, $0.0e+00;
	v4 =	vadd.f32 v9, v4  }
0x16b: {  	v6 =	vld [tilespmem:s2+$0x230];
	[tilespmem:s15+$0x2A30] =	vst v10;
	v9 =	vmax.f32 v5, $0.0e+00;
	v3 =	vadd.f32 v8, v3  }
0x16c: {  	v5 =	vld [tilespmem:s2+$0x240];
	[tilespmem:s15+$0x2A40] =	vst v9;
	v8 =	vmax.f32 v4, $0.0e+00;
	v2 =	vadd.f32 v12, v2  }
0x16d: {  	v4 =	vld [tilespmem:s2+$0x250];
	[tilespmem:s15+$0x2A50] =	vst v8;
	v8 =	vmax.f32 v3, $0.0e+00  }
0x16e: {  	v3 =	vld [tilespmem:s2+$0x260];
	[tilespmem:s15+$0x2A60] =	vst v8;
	v8 =	vmax.f32 v2, $0.0e+00  }
0x16f: {  	v2 =	vld [tilespmem:s2+$0x270];
	[tilespmem:s15+$0x2A70] =	vst v8;
	s15 =	smov.u32 s2  }
0x170: {  	v8 =	vld [tilespmem:s15+$0x2A00]  }
0x171: {  	v13 =	vld [tilespmem:s15+$0x2A10]  }
.Ltmp4:
0x172: {  	v12 =	vld [tilespmem:s15+$0x2A20];
	(pc) =	sbr.rel @p1 .LBB2_10-.Ltmp4, $4  }
0x173: {  	v11 =	vld [tilespmem:s15+$0x2A30]  }
0x174: {  	v10 =	vld [tilespmem:s15+$0x2A40]  }
0x175: {  	v14 =	vadd.f32 v8, v15;
	v9 =	vld [tilespmem:s15+$0x2A50]  }
0x176: {  	s1 =	sadd.s32 $0x200, s1;
	v13 =	vadd.f32 v13, v16;
	v8 =	vld [tilespmem:s15+$0x2A60]  }
0x177: {  	v14 =	vmax.f32 v14, $0.0e+00;
	v7 =	vadd.f32 v12, v7;
	v63 =	vld [tilespmem:s15+$0x2A70]  }
0x178: {  	[tilespmem:s15+$0x2A00] =	vst v14;
	v13 =	vmax.f32 v13, $0.0e+00;
	v6 =	vadd.f32 v11, v6  }
0x179: {  	[tilespmem:s15+$0x2A10] =	vst v13;
	v7 =	vmax.f32 v7, $0.0e+00;
	v5 =	vadd.f32 v10, v5  }
0x17a: {  	[tilespmem:s15+$0x2A20] =	vst v7;
	v6 =	vmax.f32 v6, $0.0e+00;
	v4 =	vadd.f32 v9, v4  }
0x17b: {  	[tilespmem:s15+$0x2A30] =	vst v6;
	v5 =	vmax.f32 v5, $0.0e+00;
	v3 =	vadd.f32 v8, v3  }
0x17c: {  	[tilespmem:s15+$0x2A40] =	vst v5;
	v4 =	vmax.f32 v4, $0.0e+00;
	v2 =	vadd.f32 v63, v2  }
0x17d: {  	[tilespmem:s15+$0x2A50] =	vst v4;
	v3 =	vmax.f32 v3, $0.0e+00  }
0x17e: {  	[tilespmem:s15+$0x2A60] =	vst v3;
	v2 =	vmax.f32 v2, $0.0e+00  }
0x17f: {  	[tilespmem:s15+$0x2A70] =	vst v2  }
0x180: {  	[spmem:s3] =	stream.indirect.scatter.add.f32 [tilespmem:s14], [sflag:$0x9], $0x80, s0, s20, $0xb8;
	[tilespmem:$0x1E178] =	vst v63  }
0x181: {  	_ = 	snop  }
0x182: {  	[spmem:s6] =	stream.indirect.scatter.add.f32 [tilespmem:s4], [sflag:$0xA], $0x1, s0, s20, $0xb8;
	[tilespmem:$0x1E178] =	vst v63  }
0x183: {  	_ =	swait.ge [sflag:s23], $0x2800  }
0x184: {  	[sflag:s23] =	ssyncset.done $0x0  }
0x185: {  	[sflag:s23] =	ssyncadd.s32 $0xFFFFD800  }
0x186: {  	_ =	swait.ge [sflag:s12], $0x50  }
0x187: {  	[sflag:s12] =	ssyncset.done $0x0  }
0x188: {  	[sflag:s12] =	ssyncadd.s32 $0xFFFFFFB0  }
0x189: {  	_ =	swait.ge [sflag:s28], $0x50  }
0x18a: {  	[sflag:s28] =	ssyncset.done $0x0  }
0x18b: {  	[sflag:s28] =	ssyncadd.s32 $0xFFFFFFB0  }
0x18c: {  	_ =	swait.ge [sflag:s29], $0x50  }
0x18d: {  	[sflag:s29] =	ssyncset.done $0x0  }
0x18e: {  	[sflag:s29] =	ssyncadd.s32 $0xFFFFFFB0  }
0x18f: {  	s1 =	stileid.u32;
	[bflag:$0x0] =	sbarrier.arrive $0xFFFF  }
0x190: {  	s16 =	simm.s32 $0xD;
	s1 =	sshll.u32 s1, $0x6;
	s2 =	rddreg [dreg:$0x5]  }
0x191: {  	s1 =	sor.u32 $0x1C0D, s1;
	s21 =	rddreg [dreg:$0xb];
	s2 =	sshrl.u32 s2, $0x3  }
0x192: {  	[hbm:s21], [sflag:s1] =	dma.local [spmem:s2], $0x2700  }
0x193: {  	_ =	swait.ge [sflag:s16], $0x2700  }
0x194: {  	[sflag:s16] =	ssyncset.done $0x0  }
0x195: {  	s21 =	simm.s32 $0xA400;
	s30 =	rddreg [dreg:$0x13];
	[sflag:s16] =	ssyncadd.s32 $0xFFFFD900  }
0x196: {  	[tilespmem:s21], [sflag:$0xD] =	stream.linear.gather [spmem:s30], $0x270, $0x38;
	[tilespmem:$0x1E178] =	vst v63  }
0x197: {  	_ =	swait.ge [sflag:s16], $0x270  }
0x198: {  	[sflag:s16] =	ssyncset.done $0x0  }
0x199: {  	s2 =	simm.s32 $0x0;
	s15 =	rddreg [dreg:$0xd];
	[sflag:s16] =	ssyncadd.s32 $0xFFFFFD90  }
0x19a: {  	[hbm4b:s15+s2] =	stream.linear.scatter [tilespmem:s21], [sflag:$0xD], $0x270, $0x38;
	[tilespmem:$0x1E178] =	vst v63  }
0x19b: {  	_ =	swait.ge [sflag:s16], $0x270  }
0x19c: {  	[sflag:s16] =	ssyncset.done $0x0;
	s2 =	rddreg [dreg:$0x1f]  }
0x19d: {  	s15 =	rddreg [dreg:$0xc];
	[sflag:s16] =	ssyncadd.s32 $0xFFFFFD90;
	s2 =	sshrl.u32 @!p0 s2, $0x3  }
0x19e: {  	[hbm:s15], [sflag:s1] =	dma.local @!p0 [spmem:s2], $0x100  }
0x19f: {  	s1 =	simm.s32 @!p0 $0xD  }
0x1a0: {  	_ =	swait.ge @!p0 [sflag:s1], $0x100  }
0x1a1: {  	s15 =	sld [smem:$0x7FD]  }
0x1a2: {  	[sflag:s1] =	ssyncset.done @!p0 $0x0  }
0x1a3: {  	s2 =	simm.s32 @!p0 $0xA400;
	[sflag:s1] =	ssyncadd.s32 @!p0 $0xFFFFFF00  }
0x1a4: {  	[tilespmem:s2], [sflag:$0xD] =	stream.linear.gather @!p0 [spmem:s15], $0x10, $0x38;
	[tilespmem:$0x1E178] =	vst v63  }
0x1a5: {  	_ =	swait.ge @!p0 [sflag:s1], $0x10  }
0x1a6: {  	[sflag:s1] =	ssyncset.done @!p0 $0x0  }
0x1a7: {  	s15 =	simm.s32 @!p0 $0x0;
	s16 =	rddreg [dreg:$0xe];
	[sflag:s1] =	ssyncadd.s32 @!p0 $0xFFFFFFF0  }
0x1a8: {  	[hbm4b:s16+s15] =	stream.linear.scatter @!p0 [tilespmem:s2], [sflag:$0xD], $0x10, $0x38;
	[tilespmem:$0x1E178] =	vst v63  }
0x1a9: {  	_ =	swait.ge @!p0 [sflag:s1], $0x10  }
0x1aa: {  	s16 =	sld [smem:$0x7FC];
	_ =	sdelay $0x2  }
0x1ab: {  	s21 =	rddreg [dreg:$0x1e];
	s15 =	sadd.s32 $0x1, s16  }
0x1ac: {  	p1 =	sne.s32 s15, s21  }
.Ltmp5:
0x1ad: {  	_ = 	snop;
	(pc) =	sbr.rel @p1 .LBB2_1-.Ltmp5, $3  }
0x1ae: {  	_ =	sdelay $0x1  }
0x1af: {  	[sflag:s1] =	ssyncset.done @!p0 $0x0  }
0x1b0: {  	[sflag:s1] =	ssyncadd.s32 @!p0 $0xFFFFFFF0  }
0x1b1: {  	_ =	sfence.sel $0x180000  }
0x1b2: {  	[bflag:$0x0] =	sbarrier.arrive $0xFFFF  }
0x1b3: {  	_ =	strace $0x90000047  }
0x1b4: {  	s0 =	stileid.u32;
	[bflag:$0x2] =	sbarrier.arrive $0xFFFF  }
0x1b5: {  	p0 =	sne.s32 s0, $0x0;
	s0 =	rddreg [dreg:$0x4]  }
0x1b6: {  	s0 =	sadd.s32 @!p0 $0x100000, s0  }
0x1b7: {  	[sflag:s0] =	ssyncadd.tile.s32 @!p0 $0x1;
	_ =	shalt  }
.Lfunc_end2:
_tile_overlayer_lowered:
.L_overlay_start_2:
0x1b8: {  	(tag) =	ssettag $0x2  }
0x1b9: {  	s0 =	rddreg [dreg:$0x0];
	s2 =	stileid.u32  }
0x1ba: {  	s1 =	rddreg [dreg:$0x1];
	p0 =	sne.s32 s2, $0x0  }
0x1bb: {  	s3 =	rddreg [dreg:$0x2];
	[bflag:$0x3] =	sbarrier.arrive $0xFFFF;
	s2 =	simm.s32 @!p0 $0x1C0D  }
0x1bc: {  	[timem:s3], [sflag:s2] =	dma.local @!p0 [hbm:s0], s1  }
0x1bd: {  	s0 =	simm.s32 @!p0 $0xD  }
0x1be: {  	_ =	swait.ge @!p0 [sflag:s0], s1  }
0x1bf: {  	s1 =	ssub.s32 @!p0 $0x0, s1;
	[sflag:s0] =	ssyncset.done @!p0 $0x0  }
0x1c0: {  	[sflag:s0] =	ssyncadd.s32 @!p0 s1  }
0x1c1: {  	[bflag:$0x3] =	sbarrier.arrive $0xFFFF  }
0x1c2: {  	_ =	shalt  }

</sc_bundles>
